<compile_context>
chip_gen: v7x
topology: tpu7x:2x2x1
jax: 0.10.2.dev20260603
libtpu: 0.0.44.dev20260713+nightly
codegen_flags: <defaults>
</compile_context>

<pallas_src>
import functools

import jax
import jax.numpy as jnp
from jax import lax
from jax.experimental import pallas as pl
from jax.experimental.pallas import tpu as pltpu
from jax.experimental.pallas import tpu_sc as plsc

_L = 16


@functools.lru_cache(maxsize=None)
def _build_select(B, N, NT):
    W = N // 2
    NTR = NT // 8
    PC = N // 128
    JC = W // 128
    assert NT % 8 == 0 and N % 128 == 0 and W % 128 == 0

    info = plsc.get_sparse_core_info()
    NC, NS = info.num_cores, info.num_subcores
    NW = NC * NS
    assert 2 * B * NTR == NW, (B, NTR, NW)

    mesh = plsc.VectorSubcoreMesh(
        core_axis_name="c", subcore_axis_name="s",
        num_cores=NC, num_subcores=NS)

    out_sds = jax.ShapeDtypeStruct((B, W, NTR, JC, 8, 128), jnp.float32)

    @functools.partial(
        pl.kernel,
        out_type=(out_sds, out_sds),
        mesh=mesh,
        scratch_types=(
            pltpu.VMEM((2, 128, 256), jnp.float32),
            pltpu.VMEM((2, 128, 129), jnp.float32),
            pltpu.SemaphoreType.DMA,
            pltpu.SemaphoreType.DMA,
        ),
        compiler_params=pltpu.CompilerParams(
            use_tc_tiling_on_sc=False, needs_layout_passes=False,
            disable_bounds_checks=True),
    )
    def select_kernel(x, yb, zc, slab, obuf, rsem, wsem):
        q = lax.axis_index("s") * NC + lax.axis_index("c")
        half = q // (B * NTR)
        r = lax.rem(q, B * NTR)
        b = r // NTR
        ntr = lax.rem(r, NTR)
        iota = lax.iota(jnp.int32, _L)

        rows_b = [iota + 16 * g for g in range(8)]
        rows_c = [127 - (iota + 16 * g) for g in range(8)]
        qoff_c = [iota + (16 * g + 1) for g in range(8)]

        n_items = 2 * JC * 8

        def decode(k):
            ic = k // (JC * 8)
            jc = lax.rem(k // 8, JC)
            nti = lax.rem(k, 8)
            return ic, jc, nti

        def compute_block(slot, is_c):
            sl = slab.at[slot]
            ob = obuf.at[slot]
            if is_c:
                @plsc.parallel_loop(0, 128, unroll=4)
                def _(i):
                    for g in range(8):
                        v = plsc.load_gather(sl, [rows_c[g], qoff_c[g] + i])
                        obuf[slot, i, pl.ds(16 * g, _L)] = v
            else:
                @plsc.parallel_loop(0, 128, unroll=4)
                def _(j):
                    jv = jnp.full((_L,), 0, jnp.int32) + j
                    for g in range(8):
                        v = plsc.load_gather(sl, [jv, rows_b[g]])
                        plsc.store_scatter(ob, [rows_b[g], jv], v)

        def read_item(slot, k, is_c):
            ic, jc, nti = decode(k)
            if is_c:
                for c in range(2):
                    pltpu.async_copy(
                        x.at[b, pl.ds(128 * (1 - jc), 128), ntr,
                             ic + jc + c, nti, :],
                        slab.at[slot, :, pl.ds(128 * c, 128)], rsem)
            else:
                pltpu.async_copy(
                    x.at[b, pl.ds(128 * jc, 128), ntr, ic, nti, :],
                    slab.at[slot, :, pl.ds(0, 128)], rsem)

        def wait_read(is_c):
            for _ in range(2 if is_c else 1):
                pltpu.make_async_copy(
                    x.at[0, pl.ds(0, 128), 0, 0, 0, :],
                    slab.at[0, :, pl.ds(0, 128)], rsem).wait()

        def write_item(slot, k, out):
            ic, jc, nti = decode(k)
            pltpu.async_copy(
                obuf.at[slot, :, pl.ds(0, 128)],
                out.at[b, pl.ds(128 * ic, 128), ntr, jc, nti, :], wsem)

        def wait_write():
            pltpu.make_async_copy(
                x.at[0, pl.ds(0, 128), 0, 0, 0, :],
                obuf.at[0, :, pl.ds(0, 128)], wsem).wait()

        def pipeline(out, is_c, k0, k1):
            read_item(0, k0, is_c)
            read_item(1, k0 + 1, is_c)

            def body(p, carry):
                for u in range(2):
                    k = k0 + 2 * p + u
                    wait_read(is_c)
                    @pl.when(k >= k0 + 2)
                    def _():
                        wait_write()
                    compute_block(u, is_c)
                    write_item(u, k, out)
                    @pl.when(k + 2 < k1)
                    def _():
                        read_item(u, k + 2, is_c)
                return carry

            lax.fori_loop(0, (k1 - k0) // 2, body, 0)
            wait_write()
            wait_write()

        @pl.when(half == 0)
        def _():
            pipeline(yb, False, 0, n_items)

        @pl.when(half == 1)
        def _():
            pipeline(zc, True, 0, n_items)

    return select_kernel


def kernel(score_chart, n, width):
    B, N, _, NT = score_chart.shape
    W = N // 2
    NTR, PC, JC = NT // 8, N // 128, W // 128
    del n, width

    x6 = (score_chart.transpose(0, 1, 3, 2)
          .reshape(B, N, NTR, 8, PC, 128)
          .transpose(0, 1, 2, 4, 3, 5))
    y6, z6 = _build_select(B, N, NT)(x6)

    def unpack(o6):
        return (o6.transpose(0, 1, 2, 4, 3, 5)
                .reshape(B, W, NT, W)
                .transpose(0, 1, 3, 2))

    return (unpack(y6), unpack(z6))

# --- scband reference (transcript-rebuilt; emitter-appended) ---
"""Pipeline reference for scband-pcfgmodule-10780367913485 (READ-ONLY COPY).

The authoritative reference and input builder live on the scoring server;
editing this copy changes nothing except your own understanding.
"""

import jax, jax.numpy as jnp
import numpy as np

B, N_CHART, NT = 4, 512, 32


def setup_inputs(seed: int = 0) -> dict:
    key = jax.random.key(seed)
    score_chart = jax.random.normal(key, (B, N_CHART, N_CHART, NT), dtype=jnp.float32)
    return {"score_chart": score_chart, "n": 512, "width": 256}


def get_inside_coordinates(n, width):
    # faithful translation of PCFGModule.get_inside_coordinates
    lvl_b = jnp.arange(width)[None, :]                # (1, width)
    pos_b = jnp.arange(n - width)[:, None]            # (n-width, 1)
    lvl_c = jnp.arange(width - 1, -1, -1)[None, :]    # (1, width)
    pos_c = jnp.arange(1, width + 1)[None, :] + pos_b # (n-width, width)
    return lvl_b, pos_b, lvl_c, pos_c


def reference(score_chart, n, width):
    # PCFGModule.inside_chart_select (detach=False path; clone is a no-op functionally)
    n_static = score_chart.shape[1]
    width_static = n_static // 2
    dep = (n - n_static) + (width - width_static)
    lvl_b, pos_b, lvl_c, pos_c = get_inside_coordinates(n_static, width_static)
    lvl_b = lvl_b + dep
    pos_b = pos_b + dep
    lvl_c = lvl_c + dep
    pos_c = pos_c + dep
    b_score = score_chart[:, lvl_b, pos_b]  # (B, n-width, width, NT) via broadcasted gather
    c_score = score_chart[:, lvl_c, pos_c]  # (B, n-width, width, NT)
    return (b_score, c_score)

if __name__ == "__main__":
    import jax
    _d = setup_inputs()
    print(jax.jit(kernel)(*tuple(_d.values())))

</pallas_src>

<mosaic_0001>
#map = affine_map<(d0, d1) -> (0, 0, 0, 0, 0, 0)>
module attributes {stable_mosaic.version = 14 : i64} {
  func.func @select_kernel(%arg0: i32, %arg1: i32, %arg2: memref<4x512x4x4x8x128xf32, #tpu.memory_space<hbm>>, %arg3: memref<4x256x4x2x8x128xf32, #tpu.memory_space<hbm>>, %arg4: memref<4x256x4x2x8x128xf32, #tpu.memory_space<hbm>>, %arg5: memref<2x128x256xf32, #tpu.memory_space<vmem>>, %arg6: memref<2x128x129xf32, #tpu.memory_space<vmem>>, %arg7: memref<!tpu.dma_semaphore, #tpu.memory_space<semaphore_mem>>, %arg8: memref<!tpu.dma_semaphore, #tpu.memory_space<semaphore_mem>>) attributes {dimension_semantics = [#tpu.dimension_semantics<core_parallel>, #tpu.dimension_semantics<subcore_parallel>], iteration_bounds = array<i64: 2, 16>, scalar_prefetch = 0 : i64, scratch_operands = 4 : i64, tpu.core_type = #tpu.core_type<sc_vector_subcore>, window_params = [{transform_indices = #map}, {transform_indices = #map}, {transform_indices = #map}]} {
    %mul3A = arith.constant 2 : i32
    %mul3A_0 = arith.muli %arg1, %mul3A : i32
    %add3A = arith.addi %mul3A_0, %arg0 : i32
    %jit3A = arith.constant 16 : i32
    %div3A = arith.divsi %add3A, %jit3A : i32
    %sign3A = arith.constant 0 : i32
    %sign3A_1 = arith.cmpi sgt, %add3A, %sign3A : i32
    %sign3A_2 = arith.extui %sign3A_1 : i1 to i32
    %sign3A_3 = arith.constant 0 : i32
    %sign3A_4 = arith.cmpi slt, %add3A, %sign3A_3 : i32
    %sign3A_5 = arith.extui %sign3A_4 : i1 to i32
    %sign3A_6 = arith.subi %sign3A_2, %sign3A_5 : i32
    %sign3A_7 = arith.constant 0 : i32
    %sign3A_8 = arith.cmpi sgt, %jit3A, %sign3A_7 : i32
    %sign3A_9 = arith.extui %sign3A_8 : i1 to i32
    %sign3A_10 = arith.constant 0 : i32
    %sign3A_11 = arith.cmpi slt, %jit3A, %sign3A_10 : i32
    %sign3A_12 = arith.extui %sign3A_11 : i1 to i32
    %sign3A_13 = arith.subi %sign3A_9, %sign3A_12 : i32
    %ne3A = arith.cmpi ne, %sign3A_6, %sign3A_13 : i32
    %rem3A = arith.remsi %add3A, %jit3A : i32
    %ne3A_14 = arith.constant 0 : i32
    %ne3A_15 = arith.cmpi ne, %rem3A, %ne3A_14 : i32
    %and3A = arith.andi %ne3A, %ne3A_15 : i1
    %sub3A = arith.constant 1 : i32
    %sub3A_16 = arith.subi %div3A, %sub3A : i32
    %select_n3A = arith.select %and3A, %sub3A_16, %div3A : i32
    %rem3A_17 = arith.constant 16 : i32
    %rem3A_18 = arith.remsi %add3A, %rem3A_17 : i32
    %jit3A_19 = arith.constant 4 : i32
    %div3A_20 = arith.divsi %rem3A_18, %jit3A_19 : i32
    %sign3A_21 = arith.constant 0 : i32
    %sign3A_22 = arith.cmpi sgt, %rem3A_18, %sign3A_21 : i32
    %sign3A_23 = arith.extui %sign3A_22 : i1 to i32
    %sign3A_24 = arith.constant 0 : i32
    %sign3A_25 = arith.cmpi slt, %rem3A_18, %sign3A_24 : i32
    %sign3A_26 = arith.extui %sign3A_25 : i1 to i32
    %sign3A_27 = arith.subi %sign3A_23, %sign3A_26 : i32
    %sign3A_28 = arith.constant 0 : i32
    %sign3A_29 = arith.cmpi sgt, %jit3A_19, %sign3A_28 : i32
    %sign3A_30 = arith.extui %sign3A_29 : i1 to i32
    %sign3A_31 = arith.constant 0 : i32
    %sign3A_32 = arith.cmpi slt, %jit3A_19, %sign3A_31 : i32
    %sign3A_33 = arith.extui %sign3A_32 : i1 to i32
    %sign3A_34 = arith.subi %sign3A_30, %sign3A_33 : i32
    %ne3A_35 = arith.cmpi ne, %sign3A_27, %sign3A_34 : i32
    %rem3A_36 = arith.remsi %rem3A_18, %jit3A_19 : i32
    %ne3A_37 = arith.constant 0 : i32
    %ne3A_38 = arith.cmpi ne, %rem3A_36, %ne3A_37 : i32
    %and3A_39 = arith.andi %ne3A_35, %ne3A_38 : i1
    %sub3A_40 = arith.constant 1 : i32
    %sub3A_41 = arith.subi %div3A_20, %sub3A_40 : i32
    %select_n3A_42 = arith.select %and3A_39, %sub3A_41, %div3A_20 : i32
    %rem3A_43 = arith.constant 4 : i32
    %rem3A_44 = arith.remsi %rem3A_18, %rem3A_43 : i32
    %iota3A = tpu.iota {dimensions = array<i32: 0>} : vector<16xi32>
    %add3A_45 = arith.constant 0 : i32
    %add3A_46 = vector.broadcast %add3A_45 : i32 to vector<16xi32>
    %add3A_47 = arith.addi %iota3A, %add3A_46 : vector<16xi32>
    %add3A_48 = arith.constant 16 : i32
    %add3A_49 = vector.broadcast %add3A_48 : i32 to vector<16xi32>
    %add3A_50 = arith.addi %iota3A, %add3A_49 : vector<16xi32>
    %add3A_51 = arith.constant 32 : i32
    %add3A_52 = vector.broadcast %add3A_51 : i32 to vector<16xi32>
    %add3A_53 = arith.addi %iota3A, %add3A_52 : vector<16xi32>
    %add3A_54 = arith.constant 48 : i32
    %add3A_55 = vector.broadcast %add3A_54 : i32 to vector<16xi32>
    %add3A_56 = arith.addi %iota3A, %add3A_55 : vector<16xi32>
    %add3A_57 = arith.constant 64 : i32
    %add3A_58 = vector.broadcast %add3A_57 : i32 to vector<16xi32>
    %add3A_59 = arith.addi %iota3A, %add3A_58 : vector<16xi32>
    %add3A_60 = arith.constant 80 : i32
    %add3A_61 = vector.broadcast %add3A_60 : i32 to vector<16xi32>
    %add3A_62 = arith.addi %iota3A, %add3A_61 : vector<16xi32>
    %add3A_63 = arith.constant 96 : i32
    %add3A_64 = vector.broadcast %add3A_63 : i32 to vector<16xi32>
    %add3A_65 = arith.addi %iota3A, %add3A_64 : vector<16xi32>
    %add3A_66 = arith.constant 112 : i32
    %add3A_67 = vector.broadcast %add3A_66 : i32 to vector<16xi32>
    %add3A_68 = arith.addi %iota3A, %add3A_67 : vector<16xi32>
    %add3A_69 = arith.constant 0 : i32
    %add3A_70 = vector.broadcast %add3A_69 : i32 to vector<16xi32>
    %add3A_71 = arith.addi %iota3A, %add3A_70 : vector<16xi32>
    %sub3A_72 = arith.constant 127 : i32
    %sub3A_73 = vector.broadcast %sub3A_72 : i32 to vector<16xi32>
    %sub3A_74 = arith.subi %sub3A_73, %add3A_71 : vector<16xi32>
    %add3A_75 = arith.constant 16 : i32
    %add3A_76 = vector.broadcast %add3A_75 : i32 to vector<16xi32>
    %add3A_77 = arith.addi %iota3A, %add3A_76 : vector<16xi32>
    %sub3A_78 = arith.constant 127 : i32
    %sub3A_79 = vector.broadcast %sub3A_78 : i32 to vector<16xi32>
    %sub3A_80 = arith.subi %sub3A_79, %add3A_77 : vector<16xi32>
    %add3A_81 = arith.constant 32 : i32
    %add3A_82 = vector.broadcast %add3A_81 : i32 to vector<16xi32>
    %add3A_83 = arith.addi %iota3A, %add3A_82 : vector<16xi32>
    %sub3A_84 = arith.constant 127 : i32
    %sub3A_85 = vector.broadcast %sub3A_84 : i32 to vector<16xi32>
    %sub3A_86 = arith.subi %sub3A_85, %add3A_83 : vector<16xi32>
    %add3A_87 = arith.constant 48 : i32
    %add3A_88 = vector.broadcast %add3A_87 : i32 to vector<16xi32>
    %add3A_89 = arith.addi %iota3A, %add3A_88 : vector<16xi32>
    %sub3A_90 = arith.constant 127 : i32
    %sub3A_91 = vector.broadcast %sub3A_90 : i32 to vector<16xi32>
    %sub3A_92 = arith.subi %sub3A_91, %add3A_89 : vector<16xi32>
    %add3A_93 = arith.constant 64 : i32
    %add3A_94 = vector.broadcast %add3A_93 : i32 to vector<16xi32>
    %add3A_95 = arith.addi %iota3A, %add3A_94 : vector<16xi32>
    %sub3A_96 = arith.constant 127 : i32
    %sub3A_97 = vector.broadcast %sub3A_96 : i32 to vector<16xi32>
    %sub3A_98 = arith.subi %sub3A_97, %add3A_95 : vector<16xi32>
    %add3A_99 = arith.constant 80 : i32
    %add3A_100 = vector.broadcast %add3A_99 : i32 to vector<16xi32>
    %add3A_101 = arith.addi %iota3A, %add3A_100 : vector<16xi32>
    %sub3A_102 = arith.constant 127 : i32
    %sub3A_103 = vector.broadcast %sub3A_102 : i32 to vector<16xi32>
    %sub3A_104 = arith.subi %sub3A_103, %add3A_101 : vector<16xi32>
    %add3A_105 = arith.constant 96 : i32
    %add3A_106 = vector.broadcast %add3A_105 : i32 to vector<16xi32>
    %add3A_107 = arith.addi %iota3A, %add3A_106 : vector<16xi32>
    %sub3A_108 = arith.constant 127 : i32
    %sub3A_109 = vector.broadcast %sub3A_108 : i32 to vector<16xi32>
    %sub3A_110 = arith.subi %sub3A_109, %add3A_107 : vector<16xi32>
    %add3A_111 = arith.constant 112 : i32
    %add3A_112 = vector.broadcast %add3A_111 : i32 to vector<16xi32>
    %add3A_113 = arith.addi %iota3A, %add3A_112 : vector<16xi32>
    %sub3A_114 = arith.constant 127 : i32
    %sub3A_115 = vector.broadcast %sub3A_114 : i32 to vector<16xi32>
    %sub3A_116 = arith.subi %sub3A_115, %add3A_113 : vector<16xi32>
    %add3A_117 = arith.constant 1 : i32
    %add3A_118 = vector.broadcast %add3A_117 : i32 to vector<16xi32>
    %add3A_119 = arith.addi %iota3A, %add3A_118 : vector<16xi32>
    %add3A_120 = arith.constant 17 : i32
    %add3A_121 = vector.broadcast %add3A_120 : i32 to vector<16xi32>
    %add3A_122 = arith.addi %iota3A, %add3A_121 : vector<16xi32>
    %add3A_123 = arith.constant 33 : i32
    %add3A_124 = vector.broadcast %add3A_123 : i32 to vector<16xi32>
    %add3A_125 = arith.addi %iota3A, %add3A_124 : vector<16xi32>
    %add3A_126 = arith.constant 49 : i32
    %add3A_127 = vector.broadcast %add3A_126 : i32 to vector<16xi32>
    %add3A_128 = arith.addi %iota3A, %add3A_127 : vector<16xi32>
    %add3A_129 = arith.constant 65 : i32
    %add3A_130 = vector.broadcast %add3A_129 : i32 to vector<16xi32>
    %add3A_131 = arith.addi %iota3A, %add3A_130 : vector<16xi32>
    %add3A_132 = arith.constant 81 : i32
    %add3A_133 = vector.broadcast %add3A_132 : i32 to vector<16xi32>
    %add3A_134 = arith.addi %iota3A, %add3A_133 : vector<16xi32>
    %add3A_135 = arith.constant 97 : i32
    %add3A_136 = vector.broadcast %add3A_135 : i32 to vector<16xi32>
    %add3A_137 = arith.addi %iota3A, %add3A_136 : vector<16xi32>
    %add3A_138 = arith.constant 113 : i32
    %add3A_139 = vector.broadcast %add3A_138 : i32 to vector<16xi32>
    %add3A_140 = arith.addi %iota3A, %add3A_139 : vector<16xi32>
    %eq3A = arith.constant 0 : i32
    %eq3A_141 = arith.cmpi eq, %select_n3A, %eq3A : i32
    %convert_element_type3A = arith.extui %eq3A_141 : i1 to i32
    %cond3A = arith.constant 0 : i32
    %cond3A_142 = arith.cmpi ne, %convert_element_type3A, %cond3A : i32
    scf.if %cond3A_142 {
      %rem3A_148 = arith.constant 0 : i32
      %rem3A_149 = arith.constant 2 : i32
      %rem3A_150 = arith.remsi %rem3A_148, %rem3A_149 : i32
      %rem3A_151 = arith.constant 0 : i32
      %rem3A_152 = arith.constant 8 : i32
      %rem3A_153 = arith.remsi %rem3A_151, %rem3A_152 : i32
      %mul3A_154 = arith.constant 128 : i32
      %mul3A_155 = arith.muli %mul3A_154, %rem3A_150 : i32
      %dma_start3A = arith.constant 0 : i32
      %dma_start3A_156 = arith.constant 0 : i32
      %dma_start3A_157 = arith.constant 0 : i32
      %dma_start3A_158 = arith.constant 0 : i32
      %dma_start3A_159 = tpu.memref_slice %arg5[%dma_start3A_156, %dma_start3A_157, %dma_start3A_158] : memref<2x128x256xf32, #tpu.memory_space<vmem>> -> memref<1x128x128xf32, #tpu.memory_space<vmem>>
      %dma_start3A_160 = tpu.memref_squeeze %dma_start3A_159 : memref<1x128x128xf32, #tpu.memory_space<vmem>> -> memref<128x128xf32, #tpu.memory_space<vmem>>
      %dma_start3A_161 = arith.constant 0 : i32
      %dma_start3A_162 = tpu.memref_slice %arg2[%select_n3A_42, %mul3A_155, %rem3A_44, %dma_start3A, %rem3A_153, %dma_start3A_161] : memref<4x512x4x4x8x128xf32, #tpu.memory_space<hbm>> -> memref<1x128x1x1x1x128xf32, #tpu.memory_space<hbm>>
      %dma_start3A_163 = tpu.memref_squeeze %dma_start3A_162 : memref<1x128x1x1x1x128xf32, #tpu.memory_space<hbm>> -> memref<128x128xf32, #tpu.memory_space<hbm>>
      %dma_start3A_164 = arith.constant 0 : i32
      %dma_start3A_165 = arith.constant 0 : i32
      %dma_start3A_166 = tpu.memref_slice %arg5[%dma_start3A_156, %dma_start3A_164, %dma_start3A_165] : memref<2x128x256xf32, #tpu.memory_space<vmem>> -> memref<1x128x128xf32, #tpu.memory_space<vmem>>
      %dma_start3A_167 = tpu.memref_squeeze %dma_start3A_166 : memref<1x128x128xf32, #tpu.memory_space<vmem>> -> memref<128x128xf32, #tpu.memory_space<vmem>>
      %dma_start3A_168 = arith.constant 0 : i32
      %dma_start3A_169 = tpu.memref_slice %arg2[%select_n3A_42, %mul3A_155, %rem3A_44, %dma_start3A, %rem3A_153, %dma_start3A_168] : memref<4x512x4x4x8x128xf32, #tpu.memory_space<hbm>> -> memref<1x128x1x1x1x128xf32, #tpu.memory_space<hbm>>
      %dma_start3A_170 = tpu.memref_squeeze %dma_start3A_169 : memref<1x128x1x1x1x128xf32, #tpu.memory_space<hbm>> -> memref<128x128xf32, #tpu.memory_space<hbm>>
      tpu.enqueue_dma source(%dma_start3A_170 : memref<128x128xf32, #tpu.memory_space<hbm>>) target(%dma_start3A_167 : memref<128x128xf32, #tpu.memory_space<vmem>>) target_semaphore(%arg7 : memref<!tpu.dma_semaphore, #tpu.memory_space<semaphore_mem>>)
      %rem3A_171 = arith.constant 0 : i32
      %rem3A_172 = arith.constant 2 : i32
      %rem3A_173 = arith.remsi %rem3A_171, %rem3A_172 : i32
      %rem3A_174 = arith.constant 1 : i32
      %rem3A_175 = arith.constant 8 : i32
      %rem3A_176 = arith.remsi %rem3A_174, %rem3A_175 : i32
      %mul3A_177 = arith.constant 128 : i32
      %mul3A_178 = arith.muli %mul3A_177, %rem3A_173 : i32
      %dma_start3A_179 = arith.constant 0 : i32
      %dma_start3A_180 = arith.constant 1 : i32
      %dma_start3A_181 = arith.constant 0 : i32
      %dma_start3A_182 = arith.constant 0 : i32
      %dma_start3A_183 = tpu.memref_slice %arg5[%dma_start3A_180, %dma_start3A_181, %dma_start3A_182] : memref<2x128x256xf32, #tpu.memory_space<vmem>> -> memref<1x128x128xf32, #tpu.memory_space<vmem>>
      %dma_start3A_184 = tpu.memref_squeeze %dma_start3A_183 : memref<1x128x128xf32, #tpu.memory_space<vmem>> -> memref<128x128xf32, #tpu.memory_space<vmem>>
      %dma_start3A_185 = arith.constant 0 : i32
      %dma_start3A_186 = tpu.memref_slice %arg2[%select_n3A_42, %mul3A_178, %rem3A_44, %dma_start3A_179, %rem3A_176, %dma_start3A_185] : memref<4x512x4x4x8x128xf32, #tpu.memory_space<hbm>> -> memref<1x128x1x1x1x128xf32, #tpu.memory_space<hbm>>
      %dma_start3A_187 = tpu.memref_squeeze %dma_start3A_186 : memref<1x128x1x1x1x128xf32, #tpu.memory_space<hbm>> -> memref<128x128xf32, #tpu.memory_space<hbm>>
      %dma_start3A_188 = arith.constant 0 : i32
      %dma_start3A_189 = arith.constant 0 : i32
      %dma_start3A_190 = tpu.memref_slice %arg5[%dma_start3A_180, %dma_start3A_188, %dma_start3A_189] : memref<2x128x256xf32, #tpu.memory_space<vmem>> -> memref<1x128x128xf32, #tpu.memory_space<vmem>>
      %dma_start3A_191 = tpu.memref_squeeze %dma_start3A_190 : memref<1x128x128xf32, #tpu.memory_space<vmem>> -> memref<128x128xf32, #tpu.memory_space<vmem>>
      %dma_start3A_192 = arith.constant 0 : i32
      %dma_start3A_193 = tpu.memref_slice %arg2[%select_n3A_42, %mul3A_178, %rem3A_44, %dma_start3A_179, %rem3A_176, %dma_start3A_192] : memref<4x512x4x4x8x128xf32, #tpu.memory_space<hbm>> -> memref<1x128x1x1x1x128xf32, #tpu.memory_space<hbm>>
      %dma_start3A_194 = tpu.memref_squeeze %dma_start3A_193 : memref<1x128x1x1x1x128xf32, #tpu.memory_space<hbm>> -> memref<128x128xf32, #tpu.memory_space<hbm>>
      tpu.enqueue_dma source(%dma_start3A_194 : memref<128x128xf32, #tpu.memory_space<hbm>>) target(%dma_start3A_191 : memref<128x128xf32, #tpu.memory_space<vmem>>) target_semaphore(%arg7 : memref<!tpu.dma_semaphore, #tpu.memory_space<semaphore_mem>>)
      %scan3A = arith.constant 0 : i32
      %scan3A_195 = arith.constant 0 : i32
      %scan3A_196 = arith.constant 16 : i32
      %scan3A_197 = arith.addi %scan3A_195, %scan3A_196 : i32
      %scan3A_198 = arith.constant 1 : i32
      scf.for %scan3A_241 = %scan3A_195 to %scan3A_197 step %scan3A_198  : i32 {
        %mul3A_242 = arith.constant 2 : i32
        %mul3A_243 = arith.muli %mul3A_242, %scan3A_241 : i32
        %add3A_244 = arith.constant 0 : i32
        %add3A_245 = arith.addi %add3A_244, %mul3A_243 : i32
        %add3A_246 = arith.constant 0 : i32
        %add3A_247 = arith.addi %add3A_245, %add3A_246 : i32
        %dma_wait3A_248 = arith.constant 0 : i32
        %dma_wait3A_249 = arith.constant 0 : i32
        %dma_wait3A_250 = arith.constant 0 : i32
        %dma_wait3A_251 = arith.constant 0 : i32
        %dma_wait3A_252 = arith.constant 0 : i32
        %dma_wait3A_253 = arith.constant 0 : i32
        %dma_wait3A_254 = arith.constant 0 : i32
        %dma_wait3A_255 = tpu.memref_slice %arg5[%dma_wait3A_252, %dma_wait3A_253, %dma_wait3A_254] : memref<2x128x256xf32, #tpu.memory_space<vmem>> -> memref<1x128x128xf32, #tpu.memory_space<vmem>>
        %dma_wait3A_256 = tpu.memref_squeeze %dma_wait3A_255 : memref<1x128x128xf32, #tpu.memory_space<vmem>> -> memref<128x128xf32, #tpu.memory_space<vmem>>
        %dma_wait3A_257 = arith.constant 0 : i32
        %dma_wait3A_258 = arith.constant 0 : i32
        %dma_wait3A_259 = tpu.memref_slice %arg2[%dma_wait3A_248, %dma_wait3A_257, %dma_wait3A_249, %dma_wait3A_250, %dma_wait3A_251, %dma_wait3A_258] : memref<4x512x4x4x8x128xf32, #tpu.memory_space<hbm>> -> memref<1x128x1x1x1x128xf32, #tpu.memory_space<hbm>>
        %dma_wait3A_260 = tpu.memref_squeeze %dma_wait3A_259 : memref<1x128x1x1x1x128xf32, #tpu.memory_space<hbm>> -> memref<128x128xf32, #tpu.memory_space<hbm>>
        %dma_wait3A_261 = arith.constant 0 : i32
        %dma_wait3A_262 = arith.constant 0 : i32
        %dma_wait3A_263 = tpu.memref_slice %arg5[%dma_wait3A_252, %dma_wait3A_261, %dma_wait3A_262] : memref<2x128x256xf32, #tpu.memory_space<vmem>> -> memref<1x128x128xf32, #tpu.memory_space<vmem>>
        %dma_wait3A_264 = tpu.memref_squeeze %dma_wait3A_263 : memref<1x128x128xf32, #tpu.memory_space<vmem>> -> memref<128x128xf32, #tpu.memory_space<vmem>>
        %dma_wait3A_265 = arith.constant 0 : i32
        %dma_wait3A_266 = arith.constant 0 : i32
        %dma_wait3A_267 = tpu.memref_slice %arg2[%dma_wait3A_248, %dma_wait3A_265, %dma_wait3A_249, %dma_wait3A_250, %dma_wait3A_251, %dma_wait3A_266] : memref<4x512x4x4x8x128xf32, #tpu.memory_space<hbm>> -> memref<1x128x1x1x1x128xf32, #tpu.memory_space<hbm>>
        %dma_wait3A_268 = tpu.memref_squeeze %dma_wait3A_267 : memref<1x128x1x1x1x128xf32, #tpu.memory_space<hbm>> -> memref<128x128xf32, #tpu.memory_space<hbm>>
        tpu.wait_dma2 semaphore(%arg7 : memref<!tpu.dma_semaphore, #tpu.memory_space<semaphore_mem>>) src(%dma_wait3A_268 : memref<128x128xf32, #tpu.memory_space<hbm>>) dst(%dma_wait3A_264 : memref<128x128xf32, #tpu.memory_space<vmem>>)
        %ge3A = arith.constant 2 : i32
        %ge3A_269 = arith.cmpi sge, %add3A_247, %ge3A : i32
        %convert_element_type3A_270 = arith.extui %ge3A_269 : i1 to i32
        %cond3A_271 = arith.constant 0 : i32
        %cond3A_272 = arith.cmpi ne, %convert_element_type3A_270, %cond3A_271 : i32
        scf.if %cond3A_272 {
          %dma_wait3A_465 = arith.constant 0 : i32
          %dma_wait3A_466 = arith.constant 0 : i32
          %dma_wait3A_467 = arith.constant 0 : i32
          %dma_wait3A_468 = arith.constant 0 : i32
          %dma_wait3A_469 = arith.constant 0 : i32
          %dma_wait3A_470 = arith.constant 0 : i32
          %dma_wait3A_471 = arith.constant 0 : i32
          %dma_wait3A_472 = tpu.memref_slice %arg6[%dma_wait3A_469, %dma_wait3A_470, %dma_wait3A_471] : memref<2x128x129xf32, #tpu.memory_space<vmem>> -> memref<1x128x128xf32, #tpu.memory_space<vmem>>
          %dma_wait3A_473 = tpu.memref_squeeze %dma_wait3A_472 : memref<1x128x128xf32, #tpu.memory_space<vmem>> -> memref<128x128xf32, #tpu.memory_space<vmem>>
          %dma_wait3A_474 = arith.constant 0 : i32
          %dma_wait3A_475 = arith.constant 0 : i32
          %dma_wait3A_476 = tpu.memref_slice %arg2[%dma_wait3A_465, %dma_wait3A_474, %dma_wait3A_466, %dma_wait3A_467, %dma_wait3A_468, %dma_wait3A_475] : memref<4x512x4x4x8x128xf32, #tpu.memory_space<hbm>> -> memref<1x128x1x1x1x128xf32, #tpu.memory_space<hbm>>
          %dma_wait3A_477 = tpu.memref_squeeze %dma_wait3A_476 : memref<1x128x1x1x1x128xf32, #tpu.memory_space<hbm>> -> memref<128x128xf32, #tpu.memory_space<hbm>>
          %dma_wait3A_478 = arith.constant 0 : i32
          %dma_wait3A_479 = arith.constant 0 : i32
          %dma_wait3A_480 = tpu.memref_slice %arg6[%dma_wait3A_469, %dma_wait3A_478, %dma_wait3A_479] : memref<2x128x129xf32, #tpu.memory_space<vmem>> -> memref<1x128x128xf32, #tpu.memory_space<vmem>>
          %dma_wait3A_481 = tpu.memref_squeeze %dma_wait3A_480 : memref<1x128x128xf32, #tpu.memory_space<vmem>> -> memref<128x128xf32, #tpu.memory_space<vmem>>
          %dma_wait3A_482 = arith.constant 0 : i32
          %dma_wait3A_483 = arith.constant 0 : i32
          %dma_wait3A_484 = tpu.memref_slice %arg2[%dma_wait3A_465, %dma_wait3A_482, %dma_wait3A_466, %dma_wait3A_467, %dma_wait3A_468, %dma_wait3A_483] : memref<4x512x4x4x8x128xf32, #tpu.memory_space<hbm>> -> memref<1x128x1x1x1x128xf32, #tpu.memory_space<hbm>>
          %dma_wait3A_485 = tpu.memref_squeeze %dma_wait3A_484 : memref<1x128x1x1x1x128xf32, #tpu.memory_space<hbm>> -> memref<128x128xf32, #tpu.memory_space<hbm>>
          tpu.wait_dma2 semaphore(%arg8 : memref<!tpu.dma_semaphore, #tpu.memory_space<semaphore_mem>>) src(%dma_wait3A_485 : memref<128x128xf32, #tpu.memory_space<hbm>>) dst(%dma_wait3A_481 : memref<128x128xf32, #tpu.memory_space<vmem>>)
        } else {
        }
        %parallel_loop3A = arith.constant 0 : i32
        %parallel_loop3A_273 = arith.constant 128 : i32
        %parallel_loop3A_274 = arith.constant 1 : i32
        %parallel_loop3A_275 = arith.constant 0 : i32
        %parallel_loop3A_276 = arith.constant 0 : i32
        scf.for %parallel_loop3A_465 = %parallel_loop3A to %parallel_loop3A_273 step %parallel_loop3A_274  : i32 {
          %parallel_loop3A_466 = arith.constant 0 : i32
          %parallel_loop3A_467 = vector.broadcast %parallel_loop3A_466 : i32 to vector<16xi32>
          %parallel_loop3A_468 = vector.broadcast %parallel_loop3A_465 : i32 to vector<16xi32>
          %parallel_loop3A_469 = arith.addi %parallel_loop3A_467, %parallel_loop3A_468 : vector<16xi32>
          %parallel_loop3A_470 = arith.constant 0 : i32
          %parallel_loop3A_471 = arith.constant 0 : i32
          %parallel_loop3A_472 = tpu.memref_slice %arg5[%parallel_loop3A_275, %parallel_loop3A_470, %parallel_loop3A_471] : memref<2x128x256xf32, #tpu.memory_space<vmem>> -> memref<1x128x256xf32, #tpu.memory_space<vmem>>
          %parallel_loop3A_473 = tpu.memref_squeeze %parallel_loop3A_472 : memref<1x128x256xf32, #tpu.memory_space<vmem>> -> memref<128x256xf32, #tpu.memory_space<vmem>>
          %parallel_loop3A_474 = tpu.vector_load_idx %parallel_loop3A_473[%parallel_loop3A_469, %add3A_47] : memref<128x256xf32, #tpu.memory_space<vmem>>[vector<16xi32>, vector<16xi32>], vector<16xf32>,
          %parallel_loop3A_475 = arith.constant 0 : i32
          %parallel_loop3A_476 = arith.constant 0 : i32
          %parallel_loop3A_477 = tpu.memref_slice %arg6[%parallel_loop3A_276, %parallel_loop3A_475, %parallel_loop3A_476] : memref<2x128x129xf32, #tpu.memory_space<vmem>> -> memref<1x128x129xf32, #tpu.memory_space<vmem>>
          %parallel_loop3A_478 = tpu.memref_squeeze %parallel_loop3A_477 : memref<1x128x129xf32, #tpu.memory_space<vmem>> -> memref<128x129xf32, #tpu.memory_space<vmem>>
          tpu.vector_store_idx %parallel_loop3A_478[%add3A_47, %parallel_loop3A_469], %parallel_loop3A_474 : memref<128x129xf32, #tpu.memory_space<vmem>>[vector<16xi32>, vector<16xi32>], vector<16xf32>,
          %parallel_loop3A_479 = arith.constant 0 : i32
          %parallel_loop3A_480 = arith.constant 0 : i32
          %parallel_loop3A_481 = tpu.memref_slice %arg5[%parallel_loop3A_275, %parallel_loop3A_479, %parallel_loop3A_480] : memref<2x128x256xf32, #tpu.memory_space<vmem>> -> memref<1x128x256xf32, #tpu.memory_space<vmem>>
          %parallel_loop3A_482 = tpu.memref_squeeze %parallel_loop3A_481 : memref<1x128x256xf32, #tpu.memory_space<vmem>> -> memref<128x256xf32, #tpu.memory_space<vmem>>
          %parallel_loop3A_483 = tpu.vector_load_idx %parallel_loop3A_482[%parallel_loop3A_469, %add3A_50] : memref<128x256xf32, #tpu.memory_space<vmem>>[vector<16xi32>, vector<16xi32>], vector<16xf32>,
          %parallel_loop3A_484 = arith.constant 0 : i32
          %parallel_loop3A_485 = arith.constant 0 : i32
          %parallel_loop3A_486 = tpu.memref_slice %arg6[%parallel_loop3A_276, %parallel_loop3A_484, %parallel_loop3A_485] : memref<2x128x129xf32, #tpu.memory_space<vmem>> -> memref<1x128x129xf32, #tpu.memory_space<vmem>>
          %parallel_loop3A_487 = tpu.memref_squeeze %parallel_loop3A_486 : memref<1x128x129xf32, #tpu.memory_space<vmem>> -> memref<128x129xf32, #tpu.memory_space<vmem>>
          tpu.vector_store_idx %parallel_loop3A_487[%add3A_50, %parallel_loop3A_469], %parallel_loop3A_483 : memref<128x129xf32, #tpu.memory_space<vmem>>[vector<16xi32>, vector<16xi32>], vector<16xf32>,
          %parallel_loop3A_488 = arith.constant 0 : i32
          %parallel_loop3A_489 = arith.constant 0 : i32
          %parallel_loop3A_490 = tpu.memref_slice %arg5[%parallel_loop3A_275, %parallel_loop3A_488, %parallel_loop3A_489] : memref<2x128x256xf32, #tpu.memory_space<vmem>> -> memref<1x128x256xf32, #tpu.memory_space<vmem>>
          %parallel_loop3A_491 = tpu.memref_squeeze %parallel_loop3A_490 : memref<1x128x256xf32, #tpu.memory_space<vmem>> -> memref<128x256xf32, #tpu.memory_space<vmem>>
          %parallel_loop3A_492 = tpu.vector_load_idx %parallel_loop3A_491[%parallel_loop3A_469, %add3A_53] : memref<128x256xf32, #tpu.memory_space<vmem>>[vector<16xi32>, vector<16xi32>], vector<16xf32>,
          %parallel_loop3A_493 = arith.constant 0 : i32
          %parallel_loop3A_494 = arith.constant 0 : i32
          %parallel_loop3A_495 = tpu.memref_slice %arg6[%parallel_loop3A_276, %parallel_loop3A_493, %parallel_loop3A_494] : memref<2x128x129xf32, #tpu.memory_space<vmem>> -> memref<1x128x129xf32, #tpu.memory_space<vmem>>
          %parallel_loop3A_496 = tpu.memref_squeeze %parallel_loop3A_495 : memref<1x128x129xf32, #tpu.memory_space<vmem>> -> memref<128x129xf32, #tpu.memory_space<vmem>>
          tpu.vector_store_idx %parallel_loop3A_496[%add3A_53, %parallel_loop3A_469], %parallel_loop3A_492 : memref<128x129xf32, #tpu.memory_space<vmem>>[vector<16xi32>, vector<16xi32>], vector<16xf32>,
          %parallel_loop3A_497 = arith.constant 0 : i32
          %parallel_loop3A_498 = arith.constant 0 : i32
          %parallel_loop3A_499 = tpu.memref_slice %arg5[%parallel_loop3A_275, %parallel_loop3A_497, %parallel_loop3A_498] : memref<2x128x256xf32, #tpu.memory_space<vmem>> -> memref<1x128x256xf32, #tpu.memory_space<vmem>>
          %parallel_loop3A_500 = tpu.memref_squeeze %parallel_loop3A_499 : memref<1x128x256xf32, #tpu.memory_space<vmem>> -> memref<128x256xf32, #tpu.memory_space<vmem>>
          %parallel_loop3A_501 = tpu.vector_load_idx %parallel_loop3A_500[%parallel_loop3A_469, %add3A_56] : memref<128x256xf32, #tpu.memory_space<vmem>>[vector<16xi32>, vector<16xi32>], vector<16xf32>,
          %parallel_loop3A_502 = arith.constant 0 : i32
          %parallel_loop3A_503 = arith.constant 0 : i32
          %parallel_loop3A_504 = tpu.memref_slice %arg6[%parallel_loop3A_276, %parallel_loop3A_502, %parallel_loop3A_503] : memref<2x128x129xf32, #tpu.memory_space<vmem>> -> memref<1x128x129xf32, #tpu.memory_space<vmem>>
          %parallel_loop3A_505 = tpu.memref_squeeze %parallel_loop3A_504 : memref<1x128x129xf32, #tpu.memory_space<vmem>> -> memref<128x129xf32, #tpu.memory_space<vmem>>
          tpu.vector_store_idx %parallel_loop3A_505[%add3A_56, %parallel_loop3A_469], %parallel_loop3A_501 : memref<128x129xf32, #tpu.memory_space<vmem>>[vector<16xi32>, vector<16xi32>], vector<16xf32>,
          %parallel_loop3A_506 = arith.constant 0 : i32
          %parallel_loop3A_507 = arith.constant 0 : i32
          %parallel_loop3A_508 = tpu.memref_slice %arg5[%parallel_loop3A_275, %parallel_loop3A_506, %parallel_loop3A_507] : memref<2x128x256xf32, #tpu.memory_space<vmem>> -> memref<1x128x256xf32, #tpu.memory_space<vmem>>
          %parallel_loop3A_509 = tpu.memref_squeeze %parallel_loop3A_508 : memref<1x128x256xf32, #tpu.memory_space<vmem>> -> memref<128x256xf32, #tpu.memory_space<vmem>>
          %parallel_loop3A_510 = tpu.vector_load_idx %parallel_loop3A_509[%parallel_loop3A_469, %add3A_59] : memref<128x256xf32, #tpu.memory_space<vmem>>[vector<16xi32>, vector<16xi32>], vector<16xf32>,
          %parallel_loop3A_511 = arith.constant 0 : i32
          %parallel_loop3A_512 = arith.constant 0 : i32
          %parallel_loop3A_513 = tpu.memref_slice %arg6[%parallel_loop3A_276, %parallel_loop3A_511, %parallel_loop3A_512] : memref<2x128x129xf32, #tpu.memory_space<vmem>> -> memref<1x128x129xf32, #tpu.memory_space<vmem>>
          %parallel_loop3A_514 = tpu.memref_squeeze %parallel_loop3A_513 : memref<1x128x129xf32, #tpu.memory_space<vmem>> -> memref<128x129xf32, #tpu.memory_space<vmem>>
          tpu.vector_store_idx %parallel_loop3A_514[%add3A_59, %parallel_loop3A_469], %parallel_loop3A_510 : memref<128x129xf32, #tpu.memory_space<vmem>>[vector<16xi32>, vector<16xi32>], vector<16xf32>,
          %parallel_loop3A_515 = arith.constant 0 : i32
          %parallel_loop3A_516 = arith.constant 0 : i32
          %parallel_loop3A_517 = tpu.memref_slice %arg5[%parallel_loop3A_275, %parallel_loop3A_515, %parallel_loop3A_516] : memref<2x128x256xf32, #tpu.memory_space<vmem>> -> memref<1x128x256xf32, #tpu.memory_space<vmem>>
          %parallel_loop3A_518 = tpu.memref_squeeze %parallel_loop3A_517 : memref<1x128x256xf32, #tpu.memory_space<vmem>> -> memref<128x256xf32, #tpu.memory_space<vmem>>
          %parallel_loop3A_519 = tpu.vector_load_idx %parallel_loop3A_518[%parallel_loop3A_469, %add3A_62] : memref<128x256xf32, #tpu.memory_space<vmem>>[vector<16xi32>, vector<16xi32>], vector<16xf32>,
          %parallel_loop3A_520 = arith.constant 0 : i32
          %parallel_loop3A_521 = arith.constant 0 : i32
          %parallel_loop3A_522 = tpu.memref_slice %arg6[%parallel_loop3A_276, %parallel_loop3A_520, %parallel_loop3A_521] : memref<2x128x129xf32, #tpu.memory_space<vmem>> -> memref<1x128x129xf32, #tpu.memory_space<vmem>>
          %parallel_loop3A_523 = tpu.memref_squeeze %parallel_loop3A_522 : memref<1x128x129xf32, #tpu.memory_space<vmem>> -> memref<128x129xf32, #tpu.memory_space<vmem>>
          tpu.vector_store_idx %parallel_loop3A_523[%add3A_62, %parallel_loop3A_469], %parallel_loop3A_519 : memref<128x129xf32, #tpu.memory_space<vmem>>[vector<16xi32>, vector<16xi32>], vector<16xf32>,
          %parallel_loop3A_524 = arith.constant 0 : i32
          %parallel_loop3A_525 = arith.constant 0 : i32
          %parallel_loop3A_526 = tpu.memref_slice %arg5[%parallel_loop3A_275, %parallel_loop3A_524, %parallel_loop3A_525] : memref<2x128x256xf32, #tpu.memory_space<vmem>> -> memref<1x128x256xf32, #tpu.memory_space<vmem>>
          %parallel_loop3A_527 = tpu.memref_squeeze %parallel_loop3A_526 : memref<1x128x256xf32, #tpu.memory_space<vmem>> -> memref<128x256xf32, #tpu.memory_space<vmem>>
          %parallel_loop3A_528 = tpu.vector_load_idx %parallel_loop3A_527[%parallel_loop3A_469, %add3A_65] : memref<128x256xf32, #tpu.memory_space<vmem>>[vector<16xi32>, vector<16xi32>], vector<16xf32>,
          %parallel_loop3A_529 = arith.constant 0 : i32
          %parallel_loop3A_530 = arith.constant 0 : i32
          %parallel_loop3A_531 = tpu.memref_slice %arg6[%parallel_loop3A_276, %parallel_loop3A_529, %parallel_loop3A_530] : memref<2x128x129xf32, #tpu.memory_space<vmem>> -> memref<1x128x129xf32, #tpu.memory_space<vmem>>
          %parallel_loop3A_532 = tpu.memref_squeeze %parallel_loop3A_531 : memref<1x128x129xf32, #tpu.memory_space<vmem>> -> memref<128x129xf32, #tpu.memory_space<vmem>>
          tpu.vector_store_idx %parallel_loop3A_532[%add3A_65, %parallel_loop3A_469], %parallel_loop3A_528 : memref<128x129xf32, #tpu.memory_space<vmem>>[vector<16xi32>, vector<16xi32>], vector<16xf32>,
          %parallel_loop3A_533 = arith.constant 0 : i32
          %parallel_loop3A_534 = arith.constant 0 : i32
          %parallel_loop3A_535 = tpu.memref_slice %arg5[%parallel_loop3A_275, %parallel_loop3A_533, %parallel_loop3A_534] : memref<2x128x256xf32, #tpu.memory_space<vmem>> -> memref<1x128x256xf32, #tpu.memory_space<vmem>>
          %parallel_loop3A_536 = tpu.memref_squeeze %parallel_loop3A_535 : memref<1x128x256xf32, #tpu.memory_space<vmem>> -> memref<128x256xf32, #tpu.memory_space<vmem>>
          %parallel_loop3A_537 = tpu.vector_load_idx %parallel_loop3A_536[%parallel_loop3A_469, %add3A_68] : memref<128x256xf32, #tpu.memory_space<vmem>>[vector<16xi32>, vector<16xi32>], vector<16xf32>,
          %parallel_loop3A_538 = arith.constant 0 : i32
          %parallel_loop3A_539 = arith.constant 0 : i32
          %parallel_loop3A_540 = tpu.memref_slice %arg6[%parallel_loop3A_276, %parallel_loop3A_538, %parallel_loop3A_539] : memref<2x128x129xf32, #tpu.memory_space<vmem>> -> memref<1x128x129xf32, #tpu.memory_space<vmem>>
          %parallel_loop3A_541 = tpu.memref_squeeze %parallel_loop3A_540 : memref<1x128x129xf32, #tpu.memory_space<vmem>> -> memref<128x129xf32, #tpu.memory_space<vmem>>
          tpu.vector_store_idx %parallel_loop3A_541[%add3A_68, %parallel_loop3A_469], %parallel_loop3A_537 : memref<128x129xf32, #tpu.memory_space<vmem>>[vector<16xi32>, vector<16xi32>], vector<16xf32>,
        } {sc.loop_unroll_factor = 4 : i64, sc.parallel_access}
        %jit3A_277 = arith.constant 16 : i32
        %div3A_278 = arith.divsi %add3A_247, %jit3A_277 : i32
        %sign3A_279 = arith.constant 0 : i32
        %sign3A_280 = arith.cmpi sgt, %add3A_247, %sign3A_279 : i32
        %sign3A_281 = arith.extui %sign3A_280 : i1 to i32
        %sign3A_282 = arith.constant 0 : i32
        %sign3A_283 = arith.cmpi slt, %add3A_247, %sign3A_282 : i32
        %sign3A_284 = arith.extui %sign3A_283 : i1 to i32
        %sign3A_285 = arith.subi %sign3A_281, %sign3A_284 : i32
        %sign3A_286 = arith.constant 0 : i32
        %sign3A_287 = arith.cmpi sgt, %jit3A_277, %sign3A_286 : i32
        %sign3A_288 = arith.extui %sign3A_287 : i1 to i32
        %sign3A_289 = arith.constant 0 : i32
        %sign3A_290 = arith.cmpi slt, %jit3A_277, %sign3A_289 : i32
        %sign3A_291 = arith.extui %sign3A_290 : i1 to i32
        %sign3A_292 = arith.subi %sign3A_288, %sign3A_291 : i32
        %ne3A_293 = arith.cmpi ne, %sign3A_285, %sign3A_292 : i32
        %rem3A_294 = arith.remsi %add3A_247, %jit3A_277 : i32
        %ne3A_295 = arith.constant 0 : i32
        %ne3A_296 = arith.cmpi ne, %rem3A_294, %ne3A_295 : i32
        %and3A_297 = arith.andi %ne3A_293, %ne3A_296 : i1
        %sub3A_298 = arith.constant 1 : i32
        %sub3A_299 = arith.subi %div3A_278, %sub3A_298 : i32
        %select_n3A_300 = arith.select %and3A_297, %sub3A_299, %div3A_278 : i32
        %jit3A_301 = arith.constant 8 : i32
        %div3A_302 = arith.divsi %add3A_247, %jit3A_301 : i32
        %sign3A_303 = arith.constant 0 : i32
        %sign3A_304 = arith.cmpi sgt, %add3A_247, %sign3A_303 : i32
        %sign3A_305 = arith.extui %sign3A_304 : i1 to i32
        %sign3A_306 = arith.constant 0 : i32
        %sign3A_307 = arith.cmpi slt, %add3A_247, %sign3A_306 : i32
        %sign3A_308 = arith.extui %sign3A_307 : i1 to i32
        %sign3A_309 = arith.subi %sign3A_305, %sign3A_308 : i32
        %sign3A_310 = arith.constant 0 : i32
        %sign3A_311 = arith.cmpi sgt, %jit3A_301, %sign3A_310 : i32
        %sign3A_312 = arith.extui %sign3A_311 : i1 to i32
        %sign3A_313 = arith.constant 0 : i32
        %sign3A_314 = arith.cmpi slt, %jit3A_301, %sign3A_313 : i32
        %sign3A_315 = arith.extui %sign3A_314 : i1 to i32
        %sign3A_316 = arith.subi %sign3A_312, %sign3A_315 : i32
        %ne3A_317 = arith.cmpi ne, %sign3A_309, %sign3A_316 : i32
        %rem3A_318 = arith.remsi %add3A_247, %jit3A_301 : i32
        %ne3A_319 = arith.constant 0 : i32
        %ne3A_320 = arith.cmpi ne, %rem3A_318, %ne3A_319 : i32
        %and3A_321 = arith.andi %ne3A_317, %ne3A_320 : i1
        %sub3A_322 = arith.constant 1 : i32
        %sub3A_323 = arith.subi %div3A_302, %sub3A_322 : i32
        %select_n3A_324 = arith.select %and3A_321, %sub3A_323, %div3A_302 : i32
        %rem3A_325 = arith.constant 2 : i32
        %rem3A_326 = arith.remsi %select_n3A_324, %rem3A_325 : i32
        %rem3A_327 = arith.constant 8 : i32
        %rem3A_328 = arith.remsi %add3A_247, %rem3A_327 : i32
        %mul3A_329 = arith.constant 128 : i32
        %mul3A_330 = arith.muli %mul3A_329, %select_n3A_300 : i32
        %dma_start3A_331 = arith.constant 0 : i32
        %dma_start3A_332 = arith.constant 0 : i32
        %dma_start3A_333 = arith.constant 0 : i32
        %dma_start3A_334 = tpu.memref_slice %arg6[%dma_start3A_331, %dma_start3A_332, %dma_start3A_333] : memref<2x128x129xf32, #tpu.memory_space<vmem>> -> memref<1x128x128xf32, #tpu.memory_space<vmem>>
        %dma_start3A_335 = tpu.memref_squeeze %dma_start3A_334 : memref<1x128x128xf32, #tpu.memory_space<vmem>> -> memref<128x128xf32, #tpu.memory_space<vmem>>
        %dma_start3A_336 = arith.constant 0 : i32
        %dma_start3A_337 = tpu.memref_slice %arg3[%select_n3A_42, %mul3A_330, %rem3A_44, %rem3A_326, %rem3A_328, %dma_start3A_336] : memref<4x256x4x2x8x128xf32, #tpu.memory_space<hbm>> -> memref<1x128x1x1x1x128xf32, #tpu.memory_space<hbm>>
        %dma_start3A_338 = tpu.memref_squeeze %dma_start3A_337 : memref<1x128x1x1x1x128xf32, #tpu.memory_space<hbm>> -> memref<128x128xf32, #tpu.memory_space<hbm>>
        %dma_start3A_339 = arith.constant 0 : i32
        %dma_start3A_340 = tpu.memref_slice %arg3[%select_n3A_42, %mul3A_330, %rem3A_44, %rem3A_326, %rem3A_328, %dma_start3A_339] : memref<4x256x4x2x8x128xf32, #tpu.memory_space<hbm>> -> memref<1x128x1x1x1x128xf32, #tpu.memory_space<hbm>>
        %dma_start3A_341 = tpu.memref_squeeze %dma_start3A_340 : memref<1x128x1x1x1x128xf32, #tpu.memory_space<hbm>> -> memref<128x128xf32, #tpu.memory_space<hbm>>
        %dma_start3A_342 = arith.constant 0 : i32
        %dma_start3A_343 = arith.constant 0 : i32
        %dma_start3A_344 = tpu.memref_slice %arg6[%dma_start3A_331, %dma_start3A_342, %dma_start3A_343] : memref<2x128x129xf32, #tpu.memory_space<vmem>> -> memref<1x128x128xf32, #tpu.memory_space<vmem>>
        %dma_start3A_345 = tpu.memref_squeeze %dma_start3A_344 : memref<1x128x128xf32, #tpu.memory_space<vmem>> -> memref<128x128xf32, #tpu.memory_space<vmem>>
        tpu.enqueue_dma source(%dma_start3A_345 : memref<128x128xf32, #tpu.memory_space<vmem>>) target(%dma_start3A_341 : memref<128x128xf32, #tpu.memory_space<hbm>>) target_semaphore(%arg8 : memref<!tpu.dma_semaphore, #tpu.memory_space<semaphore_mem>>)
        %add3A_346 = arith.constant 2 : i32
        %add3A_347 = arith.addi %add3A_247, %add3A_346 : i32
        %lt3A = arith.constant 32 : i32
        %lt3A_348 = arith.cmpi slt, %add3A_347, %lt3A : i32
        %convert_element_type3A_349 = arith.extui %lt3A_348 : i1 to i32
        %cond3A_350 = arith.constant 0 : i32
        %cond3A_351 = arith.cmpi ne, %convert_element_type3A_349, %cond3A_350 : i32
        scf.if %cond3A_351 {
          %add3A_465 = arith.constant 2 : i32
          %add3A_466 = arith.addi %add3A_247, %add3A_465 : i32
          %jit3A_467 = arith.constant 16 : i32
          %div3A_468 = arith.divsi %add3A_466, %jit3A_467 : i32
          %sign3A_469 = arith.constant 0 : i32
          %sign3A_470 = arith.cmpi sgt, %add3A_466, %sign3A_469 : i32
          %sign3A_471 = arith.extui %sign3A_470 : i1 to i32
          %sign3A_472 = arith.constant 0 : i32
          %sign3A_473 = arith.cmpi slt, %add3A_466, %sign3A_472 : i32
          %sign3A_474 = arith.extui %sign3A_473 : i1 to i32
          %sign3A_475 = arith.subi %sign3A_471, %sign3A_474 : i32
          %sign3A_476 = arith.constant 0 : i32
          %sign3A_477 = arith.cmpi sgt, %jit3A_467, %sign3A_476 : i32
          %sign3A_478 = arith.extui %sign3A_477 : i1 to i32
          %sign3A_479 = arith.constant 0 : i32
          %sign3A_480 = arith.cmpi slt, %jit3A_467, %sign3A_479 : i32
          %sign3A_481 = arith.extui %sign3A_480 : i1 to i32
          %sign3A_482 = arith.subi %sign3A_478, %sign3A_481 : i32
          %ne3A_483 = arith.cmpi ne, %sign3A_475, %sign3A_482 : i32
          %rem3A_484 = arith.remsi %add3A_466, %jit3A_467 : i32
          %ne3A_485 = arith.constant 0 : i32
          %ne3A_486 = arith.cmpi ne, %rem3A_484, %ne3A_485 : i32
          %and3A_487 = arith.andi %ne3A_483, %ne3A_486 : i1
          %sub3A_488 = arith.constant 1 : i32
          %sub3A_489 = arith.subi %div3A_468, %sub3A_488 : i32
          %select_n3A_490 = arith.select %and3A_487, %sub3A_489, %div3A_468 : i32
          %jit3A_491 = arith.constant 8 : i32
          %div3A_492 = arith.divsi %add3A_466, %jit3A_491 : i32
          %sign3A_493 = arith.constant 0 : i32
          %sign3A_494 = arith.cmpi sgt, %add3A_466, %sign3A_493 : i32
          %sign3A_495 = arith.extui %sign3A_494 : i1 to i32
          %sign3A_496 = arith.constant 0 : i32
          %sign3A_497 = arith.cmpi slt, %add3A_466, %sign3A_496 : i32
          %sign3A_498 = arith.extui %sign3A_497 : i1 to i32
          %sign3A_499 = arith.subi %sign3A_495, %sign3A_498 : i32
          %sign3A_500 = arith.constant 0 : i32
          %sign3A_501 = arith.cmpi sgt, %jit3A_491, %sign3A_500 : i32
          %sign3A_502 = arith.extui %sign3A_501 : i1 to i32
          %sign3A_503 = arith.constant 0 : i32
          %sign3A_504 = arith.cmpi slt, %jit3A_491, %sign3A_503 : i32
          %sign3A_505 = arith.extui %sign3A_504 : i1 to i32
          %sign3A_506 = arith.subi %sign3A_502, %sign3A_505 : i32
          %ne3A_507 = arith.cmpi ne, %sign3A_499, %sign3A_506 : i32
          %rem3A_508 = arith.remsi %add3A_466, %jit3A_491 : i32
          %ne3A_509 = arith.constant 0 : i32
          %ne3A_510 = arith.cmpi ne, %rem3A_508, %ne3A_509 : i32
          %and3A_511 = arith.andi %ne3A_507, %ne3A_510 : i1
          %sub3A_512 = arith.constant 1 : i32
          %sub3A_513 = arith.subi %div3A_492, %sub3A_512 : i32
          %select_n3A_514 = arith.select %and3A_511, %sub3A_513, %div3A_492 : i32
          %rem3A_515 = arith.constant 2 : i32
          %rem3A_516 = arith.remsi %select_n3A_514, %rem3A_515 : i32
          %rem3A_517 = arith.constant 8 : i32
          %rem3A_518 = arith.remsi %add3A_466, %rem3A_517 : i32
          %mul3A_519 = arith.constant 128 : i32
          %mul3A_520 = arith.muli %mul3A_519, %rem3A_516 : i32
          %dma_start3A_521 = arith.constant 0 : i32
          %dma_start3A_522 = arith.constant 0 : i32
          %dma_start3A_523 = arith.constant 0 : i32
          %dma_start3A_524 = tpu.memref_slice %arg5[%dma_start3A_521, %dma_start3A_522, %dma_start3A_523] : memref<2x128x256xf32, #tpu.memory_space<vmem>> -> memref<1x128x128xf32, #tpu.memory_space<vmem>>
          %dma_start3A_525 = tpu.memref_squeeze %dma_start3A_524 : memref<1x128x128xf32, #tpu.memory_space<vmem>> -> memref<128x128xf32, #tpu.memory_space<vmem>>
          %dma_start3A_526 = arith.constant 0 : i32
          %dma_start3A_527 = tpu.memref_slice %arg2[%select_n3A_42, %mul3A_520, %rem3A_44, %select_n3A_490, %rem3A_518, %dma_start3A_526] : memref<4x512x4x4x8x128xf32, #tpu.memory_space<hbm>> -> memref<1x128x1x1x1x128xf32, #tpu.memory_space<hbm>>
          %dma_start3A_528 = tpu.memref_squeeze %dma_start3A_527 : memref<1x128x1x1x1x128xf32, #tpu.memory_space<hbm>> -> memref<128x128xf32, #tpu.memory_space<hbm>>
          %dma_start3A_529 = arith.constant 0 : i32
          %dma_start3A_530 = arith.constant 0 : i32
          %dma_start3A_531 = tpu.memref_slice %arg5[%dma_start3A_521, %dma_start3A_529, %dma_start3A_530] : memref<2x128x256xf32, #tpu.memory_space<vmem>> -> memref<1x128x128xf32, #tpu.memory_space<vmem>>
          %dma_start3A_532 = tpu.memref_squeeze %dma_start3A_531 : memref<1x128x128xf32, #tpu.memory_space<vmem>> -> memref<128x128xf32, #tpu.memory_space<vmem>>
          %dma_start3A_533 = arith.constant 0 : i32
          %dma_start3A_534 = tpu.memref_slice %arg2[%select_n3A_42, %mul3A_520, %rem3A_44, %select_n3A_490, %rem3A_518, %dma_start3A_533] : memref<4x512x4x4x8x128xf32, #tpu.memory_space<hbm>> -> memref<1x128x1x1x1x128xf32, #tpu.memory_space<hbm>>
          %dma_start3A_535 = tpu.memref_squeeze %dma_start3A_534 : memref<1x128x1x1x1x128xf32, #tpu.memory_space<hbm>> -> memref<128x128xf32, #tpu.memory_space<hbm>>
          tpu.enqueue_dma source(%dma_start3A_535 : memref<128x128xf32, #tpu.memory_space<hbm>>) target(%dma_start3A_532 : memref<128x128xf32, #tpu.memory_space<vmem>>) target_semaphore(%arg7 : memref<!tpu.dma_semaphore, #tpu.memory_space<semaphore_mem>>)
        } else {
        }
        %mul3A_352 = arith.constant 2 : i32
        %mul3A_353 = arith.muli %mul3A_352, %scan3A_241 : i32
        %add3A_354 = arith.constant 0 : i32
        %add3A_355 = arith.addi %add3A_354, %mul3A_353 : i32
        %add3A_356 = arith.constant 1 : i32
        %add3A_357 = arith.addi %add3A_355, %add3A_356 : i32
        %dma_wait3A_358 = arith.constant 0 : i32
        %dma_wait3A_359 = arith.constant 0 : i32
        %dma_wait3A_360 = arith.constant 0 : i32
        %dma_wait3A_361 = arith.constant 0 : i32
        %dma_wait3A_362 = arith.constant 0 : i32
        %dma_wait3A_363 = arith.constant 0 : i32
        %dma_wait3A_364 = arith.constant 0 : i32
        %dma_wait3A_365 = tpu.memref_slice %arg5[%dma_wait3A_362, %dma_wait3A_363, %dma_wait3A_364] : memref<2x128x256xf32, #tpu.memory_space<vmem>> -> memref<1x128x128xf32, #tpu.memory_space<vmem>>
        %dma_wait3A_366 = tpu.memref_squeeze %dma_wait3A_365 : memref<1x128x128xf32, #tpu.memory_space<vmem>> -> memref<128x128xf32, #tpu.memory_space<vmem>>
        %dma_wait3A_367 = arith.constant 0 : i32
        %dma_wait3A_368 = arith.constant 0 : i32
        %dma_wait3A_369 = tpu.memref_slice %arg2[%dma_wait3A_358, %dma_wait3A_367, %dma_wait3A_359, %dma_wait3A_360, %dma_wait3A_361, %dma_wait3A_368] : memref<4x512x4x4x8x128xf32, #tpu.memory_space<hbm>> -> memref<1x128x1x1x1x128xf32, #tpu.memory_space<hbm>>
        %dma_wait3A_370 = tpu.memref_squeeze %dma_wait3A_369 : memref<1x128x1x1x1x128xf32, #tpu.memory_space<hbm>> -> memref<128x128xf32, #tpu.memory_space<hbm>>
        %dma_wait3A_371 = arith.constant 0 : i32
        %dma_wait3A_372 = arith.constant 0 : i32
        %dma_wait3A_373 = tpu.memref_slice %arg5[%dma_wait3A_362, %dma_wait3A_371, %dma_wait3A_372] : memref<2x128x256xf32, #tpu.memory_space<vmem>> -> memref<1x128x128xf32, #tpu.memory_space<vmem>>
        %dma_wait3A_374 = tpu.memref_squeeze %dma_wait3A_373 : memref<1x128x128xf32, #tpu.memory_space<vmem>> -> memref<128x128xf32, #tpu.memory_space<vmem>>
        %dma_wait3A_375 = arith.constant 0 : i32
        %dma_wait3A_376 = arith.constant 0 : i32
        %dma_wait3A_377 = tpu.memref_slice %arg2[%dma_wait3A_358, %dma_wait3A_375, %dma_wait3A_359, %dma_wait3A_360, %dma_wait3A_361, %dma_wait3A_376] : memref<4x512x4x4x8x128xf32, #tpu.memory_space<hbm>> -> memref<1x128x1x1x1x128xf32, #tpu.memory_space<hbm>>
        %dma_wait3A_378 = tpu.memref_squeeze %dma_wait3A_377 : memref<1x128x1x1x1x128xf32, #tpu.memory_space<hbm>> -> memref<128x128xf32, #tpu.memory_space<hbm>>
        tpu.wait_dma2 semaphore(%arg7 : memref<!tpu.dma_semaphore, #tpu.memory_space<semaphore_mem>>) src(%dma_wait3A_378 : memref<128x128xf32, #tpu.memory_space<hbm>>) dst(%dma_wait3A_374 : memref<128x128xf32, #tpu.memory_space<vmem>>)
        %ge3A_379 = arith.constant 2 : i32
        %ge3A_380 = arith.cmpi sge, %add3A_357, %ge3A_379 : i32
        %convert_element_type3A_381 = arith.extui %ge3A_380 : i1 to i32
        %cond3A_382 = arith.constant 0 : i32
        %cond3A_383 = arith.cmpi ne, %convert_element_type3A_381, %cond3A_382 : i32
        scf.if %cond3A_383 {
          %dma_wait3A_465 = arith.constant 0 : i32
          %dma_wait3A_466 = arith.constant 0 : i32
          %dma_wait3A_467 = arith.constant 0 : i32
          %dma_wait3A_468 = arith.constant 0 : i32
          %dma_wait3A_469 = arith.constant 0 : i32
          %dma_wait3A_470 = arith.constant 0 : i32
          %dma_wait3A_471 = arith.constant 0 : i32
          %dma_wait3A_472 = tpu.memref_slice %arg6[%dma_wait3A_469, %dma_wait3A_470, %dma_wait3A_471] : memref<2x128x129xf32, #tpu.memory_space<vmem>> -> memref<1x128x128xf32, #tpu.memory_space<vmem>>
          %dma_wait3A_473 = tpu.memref_squeeze %dma_wait3A_472 : memref<1x128x128xf32, #tpu.memory_space<vmem>> -> memref<128x128xf32, #tpu.memory_space<vmem>>
          %dma_wait3A_474 = arith.constant 0 : i32
          %dma_wait3A_475 = arith.constant 0 : i32
          %dma_wait3A_476 = tpu.memref_slice %arg2[%dma_wait3A_465, %dma_wait3A_474, %dma_wait3A_466, %dma_wait3A_467, %dma_wait3A_468, %dma_wait3A_475] : memref<4x512x4x4x8x128xf32, #tpu.memory_space<hbm>> -> memref<1x128x1x1x1x128xf32, #tpu.memory_space<hbm>>
          %dma_wait3A_477 = tpu.memref_squeeze %dma_wait3A_476 : memref<1x128x1x1x1x128xf32, #tpu.memory_space<hbm>> -> memref<128x128xf32, #tpu.memory_space<hbm>>
          %dma_wait3A_478 = arith.constant 0 : i32
          %dma_wait3A_479 = arith.constant 0 : i32
          %dma_wait3A_480 = tpu.memref_slice %arg6[%dma_wait3A_469, %dma_wait3A_478, %dma_wait3A_479] : memref<2x128x129xf32, #tpu.memory_space<vmem>> -> memref<1x128x128xf32, #tpu.memory_space<vmem>>
          %dma_wait3A_481 = tpu.memref_squeeze %dma_wait3A_480 : memref<1x128x128xf32, #tpu.memory_space<vmem>> -> memref<128x128xf32, #tpu.memory_space<vmem>>
          %dma_wait3A_482 = arith.constant 0 : i32
          %dma_wait3A_483 = arith.constant 0 : i32
          %dma_wait3A_484 = tpu.memref_slice %arg2[%dma_wait3A_465, %dma_wait3A_482, %dma_wait3A_466, %dma_wait3A_467, %dma_wait3A_468, %dma_wait3A_483] : memref<4x512x4x4x8x128xf32, #tpu.memory_space<hbm>> -> memref<1x128x1x1x1x128xf32, #tpu.memory_space<hbm>>
          %dma_wait3A_485 = tpu.memref_squeeze %dma_wait3A_484 : memref<1x128x1x1x1x128xf32, #tpu.memory_space<hbm>> -> memref<128x128xf32, #tpu.memory_space<hbm>>
          tpu.wait_dma2 semaphore(%arg8 : memref<!tpu.dma_semaphore, #tpu.memory_space<semaphore_mem>>) src(%dma_wait3A_485 : memref<128x128xf32, #tpu.memory_space<hbm>>) dst(%dma_wait3A_481 : memref<128x128xf32, #tpu.memory_space<vmem>>)
        } else {
        }
        %parallel_loop3A_384 = arith.constant 0 : i32
        %parallel_loop3A_385 = arith.constant 128 : i32
        %parallel_loop3A_386 = arith.constant 1 : i32
        %parallel_loop3A_387 = arith.constant 1 : i32
        %parallel_loop3A_388 = arith.constant 1 : i32
        scf.for %parallel_loop3A_465 = %parallel_loop3A_384 to %parallel_loop3A_385 step %parallel_loop3A_386  : i32 {
          %parallel_loop3A_466 = arith.constant 0 : i32
          %parallel_loop3A_467 = vector.broadcast %parallel_loop3A_466 : i32 to vector<16xi32>
          %parallel_loop3A_468 = vector.broadcast %parallel_loop3A_465 : i32 to vector<16xi32>
          %parallel_loop3A_469 = arith.addi %parallel_loop3A_467, %parallel_loop3A_468 : vector<16xi32>
          %parallel_loop3A_470 = arith.constant 0 : i32
          %parallel_loop3A_471 = arith.constant 0 : i32
          %parallel_loop3A_472 = tpu.memref_slice %arg5[%parallel_loop3A_387, %parallel_loop3A_470, %parallel_loop3A_471] : memref<2x128x256xf32, #tpu.memory_space<vmem>> -> memref<1x128x256xf32, #tpu.memory_space<vmem>>
          %parallel_loop3A_473 = tpu.memref_squeeze %parallel_loop3A_472 : memref<1x128x256xf32, #tpu.memory_space<vmem>> -> memref<128x256xf32, #tpu.memory_space<vmem>>
          %parallel_loop3A_474 = tpu.vector_load_idx %parallel_loop3A_473[%parallel_loop3A_469, %add3A_47] : memref<128x256xf32, #tpu.memory_space<vmem>>[vector<16xi32>, vector<16xi32>], vector<16xf32>,
          %parallel_loop3A_475 = arith.constant 0 : i32
          %parallel_loop3A_476 = arith.constant 0 : i32
          %parallel_loop3A_477 = tpu.memref_slice %arg6[%parallel_loop3A_388, %parallel_loop3A_475, %parallel_loop3A_476] : memref<2x128x129xf32, #tpu.memory_space<vmem>> -> memref<1x128x129xf32, #tpu.memory_space<vmem>>
          %parallel_loop3A_478 = tpu.memref_squeeze %parallel_loop3A_477 : memref<1x128x129xf32, #tpu.memory_space<vmem>> -> memref<128x129xf32, #tpu.memory_space<vmem>>
          tpu.vector_store_idx %parallel_loop3A_478[%add3A_47, %parallel_loop3A_469], %parallel_loop3A_474 : memref<128x129xf32, #tpu.memory_space<vmem>>[vector<16xi32>, vector<16xi32>], vector<16xf32>,
          %parallel_loop3A_479 = arith.constant 0 : i32
          %parallel_loop3A_480 = arith.constant 0 : i32
          %parallel_loop3A_481 = tpu.memref_slice %arg5[%parallel_loop3A_387, %parallel_loop3A_479, %parallel_loop3A_480] : memref<2x128x256xf32, #tpu.memory_space<vmem>> -> memref<1x128x256xf32, #tpu.memory_space<vmem>>
          %parallel_loop3A_482 = tpu.memref_squeeze %parallel_loop3A_481 : memref<1x128x256xf32, #tpu.memory_space<vmem>> -> memref<128x256xf32, #tpu.memory_space<vmem>>
          %parallel_loop3A_483 = tpu.vector_load_idx %parallel_loop3A_482[%parallel_loop3A_469, %add3A_50] : memref<128x256xf32, #tpu.memory_space<vmem>>[vector<16xi32>, vector<16xi32>], vector<16xf32>,
          %parallel_loop3A_484 = arith.constant 0 : i32
          %parallel_loop3A_485 = arith.constant 0 : i32
          %parallel_loop3A_486 = tpu.memref_slice %arg6[%parallel_loop3A_388, %parallel_loop3A_484, %parallel_loop3A_485] : memref<2x128x129xf32, #tpu.memory_space<vmem>> -> memref<1x128x129xf32, #tpu.memory_space<vmem>>
          %parallel_loop3A_487 = tpu.memref_squeeze %parallel_loop3A_486 : memref<1x128x129xf32, #tpu.memory_space<vmem>> -> memref<128x129xf32, #tpu.memory_space<vmem>>
          tpu.vector_store_idx %parallel_loop3A_487[%add3A_50, %parallel_loop3A_469], %parallel_loop3A_483 : memref<128x129xf32, #tpu.memory_space<vmem>>[vector<16xi32>, vector<16xi32>], vector<16xf32>,
          %parallel_loop3A_488 = arith.constant 0 : i32
          %parallel_loop3A_489 = arith.constant 0 : i32
          %parallel_loop3A_490 = tpu.memref_slice %arg5[%parallel_loop3A_387, %parallel_loop3A_488, %parallel_loop3A_489] : memref<2x128x256xf32, #tpu.memory_space<vmem>> -> memref<1x128x256xf32, #tpu.memory_space<vmem>>
          %parallel_loop3A_491 = tpu.memref_squeeze %parallel_loop3A_490 : memref<1x128x256xf32, #tpu.memory_space<vmem>> -> memref<128x256xf32, #tpu.memory_space<vmem>>
          %parallel_loop3A_492 = tpu.vector_load_idx %parallel_loop3A_491[%parallel_loop3A_469, %add3A_53] : memref<128x256xf32, #tpu.memory_space<vmem>>[vector<16xi32>, vector<16xi32>], vector<16xf32>,
          %parallel_loop3A_493 = arith.constant 0 : i32
          %parallel_loop3A_494 = arith.constant 0 : i32
          %parallel_loop3A_495 = tpu.memref_slice %arg6[%parallel_loop3A_388, %parallel_loop3A_493, %parallel_loop3A_494] : memref<2x128x129xf32, #tpu.memory_space<vmem>> -> memref<1x128x129xf32, #tpu.memory_space<vmem>>
          %parallel_loop3A_496 = tpu.memref_squeeze %parallel_loop3A_495 : memref<1x128x129xf32, #tpu.memory_space<vmem>> -> memref<128x129xf32, #tpu.memory_space<vmem>>
          tpu.vector_store_idx %parallel_loop3A_496[%add3A_53, %parallel_loop3A_469], %parallel_loop3A_492 : memref<128x129xf32, #tpu.memory_space<vmem>>[vector<16xi32>, vector<16xi32>], vector<16xf32>,
          %parallel_loop3A_497 = arith.constant 0 : i32
          %parallel_loop3A_498 = arith.constant 0 : i32
          %parallel_loop3A_499 = tpu.memref_slice %arg5[%parallel_loop3A_387, %parallel_loop3A_497, %parallel_loop3A_498] : memref<2x128x256xf32, #tpu.memory_space<vmem>> -> memref<1x128x256xf32, #tpu.memory_space<vmem>>
          %parallel_loop3A_500 = tpu.memref_squeeze %parallel_loop3A_499 : memref<1x128x256xf32, #tpu.memory_space<vmem>> -> memref<128x256xf32, #tpu.memory_space<vmem>>
          %parallel_loop3A_501 = tpu.vector_load_idx %parallel_loop3A_500[%parallel_loop3A_469, %add3A_56] : memref<128x256xf32, #tpu.memory_space<vmem>>[vector<16xi32>, vector<16xi32>], vector<16xf32>,
          %parallel_loop3A_502 = arith.constant 0 : i32
          %parallel_loop3A_503 = arith.constant 0 : i32
          %parallel_loop3A_504 = tpu.memref_slice %arg6[%parallel_loop3A_388, %parallel_loop3A_502, %parallel_loop3A_503] : memref<2x128x129xf32, #tpu.memory_space<vmem>> -> memref<1x128x129xf32, #tpu.memory_space<vmem>>
          %parallel_loop3A_505 = tpu.memref_squeeze %parallel_loop3A_504 : memref<1x128x129xf32, #tpu.memory_space<vmem>> -> memref<128x129xf32, #tpu.memory_space<vmem>>
          tpu.vector_store_idx %parallel_loop3A_505[%add3A_56, %parallel_loop3A_469], %parallel_loop3A_501 : memref<128x129xf32, #tpu.memory_space<vmem>>[vector<16xi32>, vector<16xi32>], vector<16xf32>,
          %parallel_loop3A_506 = arith.constant 0 : i32
          %parallel_loop3A_507 = arith.constant 0 : i32
          %parallel_loop3A_508 = tpu.memref_slice %arg5[%parallel_loop3A_387, %parallel_loop3A_506, %parallel_loop3A_507] : memref<2x128x256xf32, #tpu.memory_space<vmem>> -> memref<1x128x256xf32, #tpu.memory_space<vmem>>
          %parallel_loop3A_509 = tpu.memref_squeeze %parallel_loop3A_508 : memref<1x128x256xf32, #tpu.memory_space<vmem>> -> memref<128x256xf32, #tpu.memory_space<vmem>>
          %parallel_loop3A_510 = tpu.vector_load_idx %parallel_loop3A_509[%parallel_loop3A_469, %add3A_59] : memref<128x256xf32, #tpu.memory_space<vmem>>[vector<16xi32>, vector<16xi32>], vector<16xf32>,
          %parallel_loop3A_511 = arith.constant 0 : i32
          %parallel_loop3A_512 = arith.constant 0 : i32
          %parallel_loop3A_513 = tpu.memref_slice %arg6[%parallel_loop3A_388, %parallel_loop3A_511, %parallel_loop3A_512] : memref<2x128x129xf32, #tpu.memory_space<vmem>> -> memref<1x128x129xf32, #tpu.memory_space<vmem>>
          %parallel_loop3A_514 = tpu.memref_squeeze %parallel_loop3A_513 : memref<1x128x129xf32, #tpu.memory_space<vmem>> -> memref<128x129xf32, #tpu.memory_space<vmem>>
          tpu.vector_store_idx %parallel_loop3A_514[%add3A_59, %parallel_loop3A_469], %parallel_loop3A_510 : memref<128x129xf32, #tpu.memory_space<vmem>>[vector<16xi32>, vector<16xi32>], vector<16xf32>,
          %parallel_loop3A_515 = arith.constant 0 : i32
          %parallel_loop3A_516 = arith.constant 0 : i32
          %parallel_loop3A_517 = tpu.memref_slice %arg5[%parallel_loop3A_387, %parallel_loop3A_515, %parallel_loop3A_516] : memref<2x128x256xf32, #tpu.memory_space<vmem>> -> memref<1x128x256xf32, #tpu.memory_space<vmem>>
          %parallel_loop3A_518 = tpu.memref_squeeze %parallel_loop3A_517 : memref<1x128x256xf32, #tpu.memory_space<vmem>> -> memref<128x256xf32, #tpu.memory_space<vmem>>
          %parallel_loop3A_519 = tpu.vector_load_idx %parallel_loop3A_518[%parallel_loop3A_469, %add3A_62] : memref<128x256xf32, #tpu.memory_space<vmem>>[vector<16xi32>, vector<16xi32>], vector<16xf32>,
          %parallel_loop3A_520 = arith.constant 0 : i32
          %parallel_loop3A_521 = arith.constant 0 : i32
          %parallel_loop3A_522 = tpu.memref_slice %arg6[%parallel_loop3A_388, %parallel_loop3A_520, %parallel_loop3A_521] : memref<2x128x129xf32, #tpu.memory_space<vmem>> -> memref<1x128x129xf32, #tpu.memory_space<vmem>>
          %parallel_loop3A_523 = tpu.memref_squeeze %parallel_loop3A_522 : memref<1x128x129xf32, #tpu.memory_space<vmem>> -> memref<128x129xf32, #tpu.memory_space<vmem>>
          tpu.vector_store_idx %parallel_loop3A_523[%add3A_62, %parallel_loop3A_469], %parallel_loop3A_519 : memref<128x129xf32, #tpu.memory_space<vmem>>[vector<16xi32>, vector<16xi32>], vector<16xf32>,
          %parallel_loop3A_524 = arith.constant 0 : i32
          %parallel_loop3A_525 = arith.constant 0 : i32
          %parallel_loop3A_526 = tpu.memref_slice %arg5[%parallel_loop3A_387, %parallel_loop3A_524, %parallel_loop3A_525] : memref<2x128x256xf32, #tpu.memory_space<vmem>> -> memref<1x128x256xf32, #tpu.memory_space<vmem>>
          %parallel_loop3A_527 = tpu.memref_squeeze %parallel_loop3A_526 : memref<1x128x256xf32, #tpu.memory_space<vmem>> -> memref<128x256xf32, #tpu.memory_space<vmem>>
          %parallel_loop3A_528 = tpu.vector_load_idx %parallel_loop3A_527[%parallel_loop3A_469, %add3A_65] : memref<128x256xf32, #tpu.memory_space<vmem>>[vector<16xi32>, vector<16xi32>], vector<16xf32>,
          %parallel_loop3A_529 = arith.constant 0 : i32
          %parallel_loop3A_530 = arith.constant 0 : i32
          %parallel_loop3A_531 = tpu.memref_slice %arg6[%parallel_loop3A_388, %parallel_loop3A_529, %parallel_loop3A_530] : memref<2x128x129xf32, #tpu.memory_space<vmem>> -> memref<1x128x129xf32, #tpu.memory_space<vmem>>
          %parallel_loop3A_532 = tpu.memref_squeeze %parallel_loop3A_531 : memref<1x128x129xf32, #tpu.memory_space<vmem>> -> memref<128x129xf32, #tpu.memory_space<vmem>>
          tpu.vector_store_idx %parallel_loop3A_532[%add3A_65, %parallel_loop3A_469], %parallel_loop3A_528 : memref<128x129xf32, #tpu.memory_space<vmem>>[vector<16xi32>, vector<16xi32>], vector<16xf32>,
          %parallel_loop3A_533 = arith.constant 0 : i32
          %parallel_loop3A_534 = arith.constant 0 : i32
          %parallel_loop3A_535 = tpu.memref_slice %arg5[%parallel_loop3A_387, %parallel_loop3A_533, %parallel_loop3A_534] : memref<2x128x256xf32, #tpu.memory_space<vmem>> -> memref<1x128x256xf32, #tpu.memory_space<vmem>>
          %parallel_loop3A_536 = tpu.memref_squeeze %parallel_loop3A_535 : memref<1x128x256xf32, #tpu.memory_space<vmem>> -> memref<128x256xf32, #tpu.memory_space<vmem>>
          %parallel_loop3A_537 = tpu.vector_load_idx %parallel_loop3A_536[%parallel_loop3A_469, %add3A_68] : memref<128x256xf32, #tpu.memory_space<vmem>>[vector<16xi32>, vector<16xi32>], vector<16xf32>,
          %parallel_loop3A_538 = arith.constant 0 : i32
          %parallel_loop3A_539 = arith.constant 0 : i32
          %parallel_loop3A_540 = tpu.memref_slice %arg6[%parallel_loop3A_388, %parallel_loop3A_538, %parallel_loop3A_539] : memref<2x128x129xf32, #tpu.memory_space<vmem>> -> memref<1x128x129xf32, #tpu.memory_space<vmem>>
          %parallel_loop3A_541 = tpu.memref_squeeze %parallel_loop3A_540 : memref<1x128x129xf32, #tpu.memory_space<vmem>> -> memref<128x129xf32, #tpu.memory_space<vmem>>
          tpu.vector_store_idx %parallel_loop3A_541[%add3A_68, %parallel_loop3A_469], %parallel_loop3A_537 : memref<128x129xf32, #tpu.memory_space<vmem>>[vector<16xi32>, vector<16xi32>], vector<16xf32>,
        } {sc.loop_unroll_factor = 4 : i64, sc.parallel_access}
        %jit3A_389 = arith.constant 16 : i32
        %div3A_390 = arith.divsi %add3A_357, %jit3A_389 : i32
        %sign3A_391 = arith.constant 0 : i32
        %sign3A_392 = arith.cmpi sgt, %add3A_357, %sign3A_391 : i32
        %sign3A_393 = arith.extui %sign3A_392 : i1 to i32
        %sign3A_394 = arith.constant 0 : i32
        %sign3A_395 = arith.cmpi slt, %add3A_357, %sign3A_394 : i32
        %sign3A_396 = arith.extui %sign3A_395 : i1 to i32
        %sign3A_397 = arith.subi %sign3A_393, %sign3A_396 : i32
        %sign3A_398 = arith.constant 0 : i32
        %sign3A_399 = arith.cmpi sgt, %jit3A_389, %sign3A_398 : i32
        %sign3A_400 = arith.extui %sign3A_399 : i1 to i32
        %sign3A_401 = arith.constant 0 : i32
        %sign3A_402 = arith.cmpi slt, %jit3A_389, %sign3A_401 : i32
        %sign3A_403 = arith.extui %sign3A_402 : i1 to i32
        %sign3A_404 = arith.subi %sign3A_400, %sign3A_403 : i32
        %ne3A_405 = arith.cmpi ne, %sign3A_397, %sign3A_404 : i32
        %rem3A_406 = arith.remsi %add3A_357, %jit3A_389 : i32
        %ne3A_407 = arith.constant 0 : i32
        %ne3A_408 = arith.cmpi ne, %rem3A_406, %ne3A_407 : i32
        %and3A_409 = arith.andi %ne3A_405, %ne3A_408 : i1
        %sub3A_410 = arith.constant 1 : i32
        %sub3A_411 = arith.subi %div3A_390, %sub3A_410 : i32
        %select_n3A_412 = arith.select %and3A_409, %sub3A_411, %div3A_390 : i32
        %jit3A_413 = arith.constant 8 : i32
        %div3A_414 = arith.divsi %add3A_357, %jit3A_413 : i32
        %sign3A_415 = arith.constant 0 : i32
        %sign3A_416 = arith.cmpi sgt, %add3A_357, %sign3A_415 : i32
        %sign3A_417 = arith.extui %sign3A_416 : i1 to i32
        %sign3A_418 = arith.constant 0 : i32
        %sign3A_419 = arith.cmpi slt, %add3A_357, %sign3A_418 : i32
        %sign3A_420 = arith.extui %sign3A_419 : i1 to i32
        %sign3A_421 = arith.subi %sign3A_417, %sign3A_420 : i32
        %sign3A_422 = arith.constant 0 : i32
        %sign3A_423 = arith.cmpi sgt, %jit3A_413, %sign3A_422 : i32
        %sign3A_424 = arith.extui %sign3A_423 : i1 to i32
        %sign3A_425 = arith.constant 0 : i32
        %sign3A_426 = arith.cmpi slt, %jit3A_413, %sign3A_425 : i32
        %sign3A_427 = arith.extui %sign3A_426 : i1 to i32
        %sign3A_428 = arith.subi %sign3A_424, %sign3A_427 : i32
        %ne3A_429 = arith.cmpi ne, %sign3A_421, %sign3A_428 : i32
        %rem3A_430 = arith.remsi %add3A_357, %jit3A_413 : i32
        %ne3A_431 = arith.constant 0 : i32
        %ne3A_432 = arith.cmpi ne, %rem3A_430, %ne3A_431 : i32
        %and3A_433 = arith.andi %ne3A_429, %ne3A_432 : i1
        %sub3A_434 = arith.constant 1 : i32
        %sub3A_435 = arith.subi %div3A_414, %sub3A_434 : i32
        %select_n3A_436 = arith.select %and3A_433, %sub3A_435, %div3A_414 : i32
        %rem3A_437 = arith.constant 2 : i32
        %rem3A_438 = arith.remsi %select_n3A_436, %rem3A_437 : i32
        %rem3A_439 = arith.constant 8 : i32
        %rem3A_440 = arith.remsi %add3A_357, %rem3A_439 : i32
        %mul3A_441 = arith.constant 128 : i32
        %mul3A_442 = arith.muli %mul3A_441, %select_n3A_412 : i32
        %dma_start3A_443 = arith.constant 1 : i32
        %dma_start3A_444 = arith.constant 0 : i32
        %dma_start3A_445 = arith.constant 0 : i32
        %dma_start3A_446 = tpu.memref_slice %arg6[%dma_start3A_443, %dma_start3A_444, %dma_start3A_445] : memref<2x128x129xf32, #tpu.memory_space<vmem>> -> memref<1x128x128xf32, #tpu.memory_space<vmem>>
        %dma_start3A_447 = tpu.memref_squeeze %dma_start3A_446 : memref<1x128x128xf32, #tpu.memory_space<vmem>> -> memref<128x128xf32, #tpu.memory_space<vmem>>
        %dma_start3A_448 = arith.constant 0 : i32
        %dma_start3A_449 = tpu.memref_slice %arg3[%select_n3A_42, %mul3A_442, %rem3A_44, %rem3A_438, %rem3A_440, %dma_start3A_448] : memref<4x256x4x2x8x128xf32, #tpu.memory_space<hbm>> -> memref<1x128x1x1x1x128xf32, #tpu.memory_space<hbm>>
        %dma_start3A_450 = tpu.memref_squeeze %dma_start3A_449 : memref<1x128x1x1x1x128xf32, #tpu.memory_space<hbm>> -> memref<128x128xf32, #tpu.memory_space<hbm>>
        %dma_start3A_451 = arith.constant 0 : i32
        %dma_start3A_452 = tpu.memref_slice %arg3[%select_n3A_42, %mul3A_442, %rem3A_44, %rem3A_438, %rem3A_440, %dma_start3A_451] : memref<4x256x4x2x8x128xf32, #tpu.memory_space<hbm>> -> memref<1x128x1x1x1x128xf32, #tpu.memory_space<hbm>>
        %dma_start3A_453 = tpu.memref_squeeze %dma_start3A_452 : memref<1x128x1x1x1x128xf32, #tpu.memory_space<hbm>> -> memref<128x128xf32, #tpu.memory_space<hbm>>
        %dma_start3A_454 = arith.constant 0 : i32
        %dma_start3A_455 = arith.constant 0 : i32
        %dma_start3A_456 = tpu.memref_slice %arg6[%dma_start3A_443, %dma_start3A_454, %dma_start3A_455] : memref<2x128x129xf32, #tpu.memory_space<vmem>> -> memref<1x128x128xf32, #tpu.memory_space<vmem>>
        %dma_start3A_457 = tpu.memref_squeeze %dma_start3A_456 : memref<1x128x128xf32, #tpu.memory_space<vmem>> -> memref<128x128xf32, #tpu.memory_space<vmem>>
        tpu.enqueue_dma source(%dma_start3A_457 : memref<128x128xf32, #tpu.memory_space<vmem>>) target(%dma_start3A_453 : memref<128x128xf32, #tpu.memory_space<hbm>>) target_semaphore(%arg8 : memref<!tpu.dma_semaphore, #tpu.memory_space<semaphore_mem>>)
        %add3A_458 = arith.constant 2 : i32
        %add3A_459 = arith.addi %add3A_357, %add3A_458 : i32
        %lt3A_460 = arith.constant 32 : i32
        %lt3A_461 = arith.cmpi slt, %add3A_459, %lt3A_460 : i32
        %convert_element_type3A_462 = arith.extui %lt3A_461 : i1 to i32
        %cond3A_463 = arith.constant 0 : i32
        %cond3A_464 = arith.cmpi ne, %convert_element_type3A_462, %cond3A_463 : i32
        scf.if %cond3A_464 {
          %add3A_465 = arith.constant 2 : i32
          %add3A_466 = arith.addi %add3A_357, %add3A_465 : i32
          %jit3A_467 = arith.constant 16 : i32
          %div3A_468 = arith.divsi %add3A_466, %jit3A_467 : i32
          %sign3A_469 = arith.constant 0 : i32
          %sign3A_470 = arith.cmpi sgt, %add3A_466, %sign3A_469 : i32
          %sign3A_471 = arith.extui %sign3A_470 : i1 to i32
          %sign3A_472 = arith.constant 0 : i32
          %sign3A_473 = arith.cmpi slt, %add3A_466, %sign3A_472 : i32
          %sign3A_474 = arith.extui %sign3A_473 : i1 to i32
          %sign3A_475 = arith.subi %sign3A_471, %sign3A_474 : i32
          %sign3A_476 = arith.constant 0 : i32
          %sign3A_477 = arith.cmpi sgt, %jit3A_467, %sign3A_476 : i32
          %sign3A_478 = arith.extui %sign3A_477 : i1 to i32
          %sign3A_479 = arith.constant 0 : i32
          %sign3A_480 = arith.cmpi slt, %jit3A_467, %sign3A_479 : i32
          %sign3A_481 = arith.extui %sign3A_480 : i1 to i32
          %sign3A_482 = arith.subi %sign3A_478, %sign3A_481 : i32
          %ne3A_483 = arith.cmpi ne, %sign3A_475, %sign3A_482 : i32
          %rem3A_484 = arith.remsi %add3A_466, %jit3A_467 : i32
          %ne3A_485 = arith.constant 0 : i32
          %ne3A_486 = arith.cmpi ne, %rem3A_484, %ne3A_485 : i32
          %and3A_487 = arith.andi %ne3A_483, %ne3A_486 : i1
          %sub3A_488 = arith.constant 1 : i32
          %sub3A_489 = arith.subi %div3A_468, %sub3A_488 : i32
          %select_n3A_490 = arith.select %and3A_487, %sub3A_489, %div3A_468 : i32
          %jit3A_491 = arith.constant 8 : i32
          %div3A_492 = arith.divsi %add3A_466, %jit3A_491 : i32
          %sign3A_493 = arith.constant 0 : i32
          %sign3A_494 = arith.cmpi sgt, %add3A_466, %sign3A_493 : i32
          %sign3A_495 = arith.extui %sign3A_494 : i1 to i32
          %sign3A_496 = arith.constant 0 : i32
          %sign3A_497 = arith.cmpi slt, %add3A_466, %sign3A_496 : i32
          %sign3A_498 = arith.extui %sign3A_497 : i1 to i32
          %sign3A_499 = arith.subi %sign3A_495, %sign3A_498 : i32
          %sign3A_500 = arith.constant 0 : i32
          %sign3A_501 = arith.cmpi sgt, %jit3A_491, %sign3A_500 : i32
          %sign3A_502 = arith.extui %sign3A_501 : i1 to i32
          %sign3A_503 = arith.constant 0 : i32
          %sign3A_504 = arith.cmpi slt, %jit3A_491, %sign3A_503 : i32
          %sign3A_505 = arith.extui %sign3A_504 : i1 to i32
          %sign3A_506 = arith.subi %sign3A_502, %sign3A_505 : i32
          %ne3A_507 = arith.cmpi ne, %sign3A_499, %sign3A_506 : i32
          %rem3A_508 = arith.remsi %add3A_466, %jit3A_491 : i32
          %ne3A_509 = arith.constant 0 : i32
          %ne3A_510 = arith.cmpi ne, %rem3A_508, %ne3A_509 : i32
          %and3A_511 = arith.andi %ne3A_507, %ne3A_510 : i1
          %sub3A_512 = arith.constant 1 : i32
          %sub3A_513 = arith.subi %div3A_492, %sub3A_512 : i32
          %select_n3A_514 = arith.select %and3A_511, %sub3A_513, %div3A_492 : i32
          %rem3A_515 = arith.constant 2 : i32
          %rem3A_516 = arith.remsi %select_n3A_514, %rem3A_515 : i32
          %rem3A_517 = arith.constant 8 : i32
          %rem3A_518 = arith.remsi %add3A_466, %rem3A_517 : i32
          %mul3A_519 = arith.constant 128 : i32
          %mul3A_520 = arith.muli %mul3A_519, %rem3A_516 : i32
          %dma_start3A_521 = arith.constant 1 : i32
          %dma_start3A_522 = arith.constant 0 : i32
          %dma_start3A_523 = arith.constant 0 : i32
          %dma_start3A_524 = tpu.memref_slice %arg5[%dma_start3A_521, %dma_start3A_522, %dma_start3A_523] : memref<2x128x256xf32, #tpu.memory_space<vmem>> -> memref<1x128x128xf32, #tpu.memory_space<vmem>>
          %dma_start3A_525 = tpu.memref_squeeze %dma_start3A_524 : memref<1x128x128xf32, #tpu.memory_space<vmem>> -> memref<128x128xf32, #tpu.memory_space<vmem>>
          %dma_start3A_526 = arith.constant 0 : i32
          %dma_start3A_527 = tpu.memref_slice %arg2[%select_n3A_42, %mul3A_520, %rem3A_44, %select_n3A_490, %rem3A_518, %dma_start3A_526] : memref<4x512x4x4x8x128xf32, #tpu.memory_space<hbm>> -> memref<1x128x1x1x1x128xf32, #tpu.memory_space<hbm>>
          %dma_start3A_528 = tpu.memref_squeeze %dma_start3A_527 : memref<1x128x1x1x1x128xf32, #tpu.memory_space<hbm>> -> memref<128x128xf32, #tpu.memory_space<hbm>>
          %dma_start3A_529 = arith.constant 0 : i32
          %dma_start3A_530 = arith.constant 0 : i32
          %dma_start3A_531 = tpu.memref_slice %arg5[%dma_start3A_521, %dma_start3A_529, %dma_start3A_530] : memref<2x128x256xf32, #tpu.memory_space<vmem>> -> memref<1x128x128xf32, #tpu.memory_space<vmem>>
          %dma_start3A_532 = tpu.memref_squeeze %dma_start3A_531 : memref<1x128x128xf32, #tpu.memory_space<vmem>> -> memref<128x128xf32, #tpu.memory_space<vmem>>
          %dma_start3A_533 = arith.constant 0 : i32
          %dma_start3A_534 = tpu.memref_slice %arg2[%select_n3A_42, %mul3A_520, %rem3A_44, %select_n3A_490, %rem3A_518, %dma_start3A_533] : memref<4x512x4x4x8x128xf32, #tpu.memory_space<hbm>> -> memref<1x128x1x1x1x128xf32, #tpu.memory_space<hbm>>
          %dma_start3A_535 = tpu.memref_squeeze %dma_start3A_534 : memref<1x128x1x1x1x128xf32, #tpu.memory_space<hbm>> -> memref<128x128xf32, #tpu.memory_space<hbm>>
          tpu.enqueue_dma source(%dma_start3A_535 : memref<128x128xf32, #tpu.memory_space<hbm>>) target(%dma_start3A_532 : memref<128x128xf32, #tpu.memory_space<vmem>>) target_semaphore(%arg7 : memref<!tpu.dma_semaphore, #tpu.memory_space<semaphore_mem>>)
        } else {
        }
      }
      %scan3A_199 = arith.constant 16 : i32
      %dma_wait3A = arith.constant 0 : i32
      %dma_wait3A_200 = arith.constant 0 : i32
      %dma_wait3A_201 = arith.constant 0 : i32
      %dma_wait3A_202 = arith.constant 0 : i32
      %dma_wait3A_203 = arith.constant 0 : i32
      %dma_wait3A_204 = arith.constant 0 : i32
      %dma_wait3A_205 = arith.constant 0 : i32
      %dma_wait3A_206 = tpu.memref_slice %arg6[%dma_wait3A_203, %dma_wait3A_204, %dma_wait3A_205] : memref<2x128x129xf32, #tpu.memory_space<vmem>> -> memref<1x128x128xf32, #tpu.memory_space<vmem>>
      %dma_wait3A_207 = tpu.memref_squeeze %dma_wait3A_206 : memref<1x128x128xf32, #tpu.memory_space<vmem>> -> memref<128x128xf32, #tpu.memory_space<vmem>>
      %dma_wait3A_208 = arith.constant 0 : i32
      %dma_wait3A_209 = arith.constant 0 : i32
      %dma_wait3A_210 = tpu.memref_slice %arg2[%dma_wait3A, %dma_wait3A_208, %dma_wait3A_200, %dma_wait3A_201, %dma_wait3A_202, %dma_wait3A_209] : memref<4x512x4x4x8x128xf32, #tpu.memory_space<hbm>> -> memref<1x128x1x1x1x128xf32, #tpu.memory_space<hbm>>
      %dma_wait3A_211 = tpu.memref_squeeze %dma_wait3A_210 : memref<1x128x1x1x1x128xf32, #tpu.memory_space<hbm>> -> memref<128x128xf32, #tpu.memory_space<hbm>>
      %dma_wait3A_212 = arith.constant 0 : i32
      %dma_wait3A_213 = arith.constant 0 : i32
      %dma_wait3A_214 = tpu.memref_slice %arg6[%dma_wait3A_203, %dma_wait3A_212, %dma_wait3A_213] : memref<2x128x129xf32, #tpu.memory_space<vmem>> -> memref<1x128x128xf32, #tpu.memory_space<vmem>>
      %dma_wait3A_215 = tpu.memref_squeeze %dma_wait3A_214 : memref<1x128x128xf32, #tpu.memory_space<vmem>> -> memref<128x128xf32, #tpu.memory_space<vmem>>
      %dma_wait3A_216 = arith.constant 0 : i32
      %dma_wait3A_217 = arith.constant 0 : i32
      %dma_wait3A_218 = tpu.memref_slice %arg2[%dma_wait3A, %dma_wait3A_216, %dma_wait3A_200, %dma_wait3A_201, %dma_wait3A_202, %dma_wait3A_217] : memref<4x512x4x4x8x128xf32, #tpu.memory_space<hbm>> -> memref<1x128x1x1x1x128xf32, #tpu.memory_space<hbm>>
      %dma_wait3A_219 = tpu.memref_squeeze %dma_wait3A_218 : memref<1x128x1x1x1x128xf32, #tpu.memory_space<hbm>> -> memref<128x128xf32, #tpu.memory_space<hbm>>
      tpu.wait_dma2 semaphore(%arg8 : memref<!tpu.dma_semaphore, #tpu.memory_space<semaphore_mem>>) src(%dma_wait3A_219 : memref<128x128xf32, #tpu.memory_space<hbm>>) dst(%dma_wait3A_215 : memref<128x128xf32, #tpu.memory_space<vmem>>)
      %dma_wait3A_220 = arith.constant 0 : i32
      %dma_wait3A_221 = arith.constant 0 : i32
      %dma_wait3A_222 = arith.constant 0 : i32
      %dma_wait3A_223 = arith.constant 0 : i32
      %dma_wait3A_224 = arith.constant 0 : i32
      %dma_wait3A_225 = arith.constant 0 : i32
      %dma_wait3A_226 = arith.constant 0 : i32
      %dma_wait3A_227 = tpu.memref_slice %arg6[%dma_wait3A_224, %dma_wait3A_225, %dma_wait3A_226] : memref<2x128x129xf32, #tpu.memory_space<vmem>> -> memref<1x128x128xf32, #tpu.memory_space<vmem>>
      %dma_wait3A_228 = tpu.memref_squeeze %dma_wait3A_227 : memref<1x128x128xf32, #tpu.memory_space<vmem>> -> memref<128x128xf32, #tpu.memory_space<vmem>>
      %dma_wait3A_229 = arith.constant 0 : i32
      %dma_wait3A_230 = arith.constant 0 : i32
      %dma_wait3A_231 = tpu.memref_slice %arg2[%dma_wait3A_220, %dma_wait3A_229, %dma_wait3A_221, %dma_wait3A_222, %dma_wait3A_223, %dma_wait3A_230] : memref<4x512x4x4x8x128xf32, #tpu.memory_space<hbm>> -> memref<1x128x1x1x1x128xf32, #tpu.memory_space<hbm>>
      %dma_wait3A_232 = tpu.memref_squeeze %dma_wait3A_231 : memref<1x128x1x1x1x128xf32, #tpu.memory_space<hbm>> -> memref<128x128xf32, #tpu.memory_space<hbm>>
      %dma_wait3A_233 = arith.constant 0 : i32
      %dma_wait3A_234 = arith.constant 0 : i32
      %dma_wait3A_235 = tpu.memref_slice %arg6[%dma_wait3A_224, %dma_wait3A_233, %dma_wait3A_234] : memref<2x128x129xf32, #tpu.memory_space<vmem>> -> memref<1x128x128xf32, #tpu.memory_space<vmem>>
      %dma_wait3A_236 = tpu.memref_squeeze %dma_wait3A_235 : memref<1x128x128xf32, #tpu.memory_space<vmem>> -> memref<128x128xf32, #tpu.memory_space<vmem>>
      %dma_wait3A_237 = arith.constant 0 : i32
      %dma_wait3A_238 = arith.constant 0 : i32
      %dma_wait3A_239 = tpu.memref_slice %arg2[%dma_wait3A_220, %dma_wait3A_237, %dma_wait3A_221, %dma_wait3A_222, %dma_wait3A_223, %dma_wait3A_238] : memref<4x512x4x4x8x128xf32, #tpu.memory_space<hbm>> -> memref<1x128x1x1x1x128xf32, #tpu.memory_space<hbm>>
      %dma_wait3A_240 = tpu.memref_squeeze %dma_wait3A_239 : memref<1x128x1x1x1x128xf32, #tpu.memory_space<hbm>> -> memref<128x128xf32, #tpu.memory_space<hbm>>
      tpu.wait_dma2 semaphore(%arg8 : memref<!tpu.dma_semaphore, #tpu.memory_space<semaphore_mem>>) src(%dma_wait3A_240 : memref<128x128xf32, #tpu.memory_space<hbm>>) dst(%dma_wait3A_236 : memref<128x128xf32, #tpu.memory_space<vmem>>)
    } else {
    }
    %eq3A_143 = arith.constant 1 : i32
    %eq3A_144 = arith.cmpi eq, %select_n3A, %eq3A_143 : i32
    %convert_element_type3A_145 = arith.extui %eq3A_144 : i1 to i32
    %cond3A_146 = arith.constant 0 : i32
    %cond3A_147 = arith.cmpi ne, %convert_element_type3A_145, %cond3A_146 : i32
    scf.if %cond3A_147 {
      %rem3A_148 = arith.constant 0 : i32
      %rem3A_149 = arith.constant 2 : i32
      %rem3A_150 = arith.remsi %rem3A_148, %rem3A_149 : i32
      %rem3A_151 = arith.constant 0 : i32
      %rem3A_152 = arith.constant 8 : i32
      %rem3A_153 = arith.remsi %rem3A_151, %rem3A_152 : i32
      %sub3A_154 = arith.constant 1 : i32
      %sub3A_155 = arith.subi %sub3A_154, %rem3A_150 : i32
      %mul3A_156 = arith.constant 128 : i32
      %mul3A_157 = arith.muli %mul3A_156, %sub3A_155 : i32
      %add3A_158 = arith.constant 0 : i32
      %add3A_159 = arith.addi %add3A_158, %rem3A_150 : i32
      %add3A_160 = arith.constant 0 : i32
      %add3A_161 = arith.addi %add3A_159, %add3A_160 : i32
      %dma_start3A = arith.constant 0 : i32
      %dma_start3A_162 = arith.constant 0 : i32
      %dma_start3A_163 = arith.constant 0 : i32
      %dma_start3A_164 = tpu.memref_slice %arg5[%dma_start3A, %dma_start3A_162, %dma_start3A_163] : memref<2x128x256xf32, #tpu.memory_space<vmem>> -> memref<1x128x128xf32, #tpu.memory_space<vmem>>
      %dma_start3A_165 = tpu.memref_squeeze %dma_start3A_164 : memref<1x128x128xf32, #tpu.memory_space<vmem>> -> memref<128x128xf32, #tpu.memory_space<vmem>>
      %dma_start3A_166 = arith.constant 0 : i32
      %dma_start3A_167 = tpu.memref_slice %arg2[%select_n3A_42, %mul3A_157, %rem3A_44, %add3A_161, %rem3A_153, %dma_start3A_166] : memref<4x512x4x4x8x128xf32, #tpu.memory_space<hbm>> -> memref<1x128x1x1x1x128xf32, #tpu.memory_space<hbm>>
      %dma_start3A_168 = tpu.memref_squeeze %dma_start3A_167 : memref<1x128x1x1x1x128xf32, #tpu.memory_space<hbm>> -> memref<128x128xf32, #tpu.memory_space<hbm>>
      %dma_start3A_169 = arith.constant 0 : i32
      %dma_start3A_170 = arith.constant 0 : i32
      %dma_start3A_171 = tpu.memref_slice %arg5[%dma_start3A, %dma_start3A_169, %dma_start3A_170] : memref<2x128x256xf32, #tpu.memory_space<vmem>> -> memref<1x128x128xf32, #tpu.memory_space<vmem>>
      %dma_start3A_172 = tpu.memref_squeeze %dma_start3A_171 : memref<1x128x128xf32, #tpu.memory_space<vmem>> -> memref<128x128xf32, #tpu.memory_space<vmem>>
      %dma_start3A_173 = arith.constant 0 : i32
      %dma_start3A_174 = tpu.memref_slice %arg2[%select_n3A_42, %mul3A_157, %rem3A_44, %add3A_161, %rem3A_153, %dma_start3A_173] : memref<4x512x4x4x8x128xf32, #tpu.memory_space<hbm>> -> memref<1x128x1x1x1x128xf32, #tpu.memory_space<hbm>>
      %dma_start3A_175 = tpu.memref_squeeze %dma_start3A_174 : memref<1x128x1x1x1x128xf32, #tpu.memory_space<hbm>> -> memref<128x128xf32, #tpu.memory_space<hbm>>
      tpu.enqueue_dma source(%dma_start3A_175 : memref<128x128xf32, #tpu.memory_space<hbm>>) target(%dma_start3A_172 : memref<128x128xf32, #tpu.memory_space<vmem>>) target_semaphore(%arg7 : memref<!tpu.dma_semaphore, #tpu.memory_space<semaphore_mem>>)
      %sub3A_176 = arith.constant 1 : i32
      %sub3A_177 = arith.subi %sub3A_176, %rem3A_150 : i32
      %mul3A_178 = arith.constant 128 : i32
      %mul3A_179 = arith.muli %mul3A_178, %sub3A_177 : i32
      %add3A_180 = arith.constant 0 : i32
      %add3A_181 = arith.addi %add3A_180, %rem3A_150 : i32
      %add3A_182 = arith.constant 1 : i32
      %add3A_183 = arith.addi %add3A_181, %add3A_182 : i32
      %dma_start3A_184 = arith.constant 0 : i32
      %dma_start3A_185 = arith.constant 0 : i32
      %dma_start3A_186 = arith.constant 128 : i32
      %dma_start3A_187 = tpu.memref_slice %arg5[%dma_start3A_184, %dma_start3A_185, %dma_start3A_186] : memref<2x128x256xf32, #tpu.memory_space<vmem>> -> memref<1x128x128xf32, #tpu.memory_space<vmem>>
      %dma_start3A_188 = tpu.memref_squeeze %dma_start3A_187 : memref<1x128x128xf32, #tpu.memory_space<vmem>> -> memref<128x128xf32, #tpu.memory_space<vmem>>
      %dma_start3A_189 = arith.constant 0 : i32
      %dma_start3A_190 = tpu.memref_slice %arg2[%select_n3A_42, %mul3A_179, %rem3A_44, %add3A_183, %rem3A_153, %dma_start3A_189] : memref<4x512x4x4x8x128xf32, #tpu.memory_space<hbm>> -> memref<1x128x1x1x1x128xf32, #tpu.memory_space<hbm>>
      %dma_start3A_191 = tpu.memref_squeeze %dma_start3A_190 : memref<1x128x1x1x1x128xf32, #tpu.memory_space<hbm>> -> memref<128x128xf32, #tpu.memory_space<hbm>>
      %dma_start3A_192 = arith.constant 0 : i32
      %dma_start3A_193 = arith.constant 128 : i32
      %dma_start3A_194 = tpu.memref_slice %arg5[%dma_start3A_184, %dma_start3A_192, %dma_start3A_193] : memref<2x128x256xf32, #tpu.memory_space<vmem>> -> memref<1x128x128xf32, #tpu.memory_space<vmem>>
      %dma_start3A_195 = tpu.memref_squeeze %dma_start3A_194 : memref<1x128x128xf32, #tpu.memory_space<vmem>> -> memref<128x128xf32, #tpu.memory_space<vmem>>
      %dma_start3A_196 = arith.constant 0 : i32
      %dma_start3A_197 = tpu.memref_slice %arg2[%select_n3A_42, %mul3A_179, %rem3A_44, %add3A_183, %rem3A_153, %dma_start3A_196] : memref<4x512x4x4x8x128xf32, #tpu.memory_space<hbm>> -> memref<1x128x1x1x1x128xf32, #tpu.memory_space<hbm>>
      %dma_start3A_198 = tpu.memref_squeeze %dma_start3A_197 : memref<1x128x1x1x1x128xf32, #tpu.memory_space<hbm>> -> memref<128x128xf32, #tpu.memory_space<hbm>>
      tpu.enqueue_dma source(%dma_start3A_198 : memref<128x128xf32, #tpu.memory_space<hbm>>) target(%dma_start3A_195 : memref<128x128xf32, #tpu.memory_space<vmem>>) target_semaphore(%arg7 : memref<!tpu.dma_semaphore, #tpu.memory_space<semaphore_mem>>)
      %rem3A_199 = arith.constant 0 : i32
      %rem3A_200 = arith.constant 2 : i32
      %rem3A_201 = arith.remsi %rem3A_199, %rem3A_200 : i32
      %rem3A_202 = arith.constant 1 : i32
      %rem3A_203 = arith.constant 8 : i32
      %rem3A_204 = arith.remsi %rem3A_202, %rem3A_203 : i32
      %sub3A_205 = arith.constant 1 : i32
      %sub3A_206 = arith.subi %sub3A_205, %rem3A_201 : i32
      %mul3A_207 = arith.constant 128 : i32
      %mul3A_208 = arith.muli %mul3A_207, %sub3A_206 : i32
      %add3A_209 = arith.constant 0 : i32
      %add3A_210 = arith.addi %add3A_209, %rem3A_201 : i32
      %add3A_211 = arith.constant 0 : i32
      %add3A_212 = arith.addi %add3A_210, %add3A_211 : i32
      %dma_start3A_213 = arith.constant 1 : i32
      %dma_start3A_214 = arith.constant 0 : i32
      %dma_start3A_215 = arith.constant 0 : i32
      %dma_start3A_216 = tpu.memref_slice %arg5[%dma_start3A_213, %dma_start3A_214, %dma_start3A_215] : memref<2x128x256xf32, #tpu.memory_space<vmem>> -> memref<1x128x128xf32, #tpu.memory_space<vmem>>
      %dma_start3A_217 = tpu.memref_squeeze %dma_start3A_216 : memref<1x128x128xf32, #tpu.memory_space<vmem>> -> memref<128x128xf32, #tpu.memory_space<vmem>>
      %dma_start3A_218 = arith.constant 0 : i32
      %dma_start3A_219 = tpu.memref_slice %arg2[%select_n3A_42, %mul3A_208, %rem3A_44, %add3A_212, %rem3A_204, %dma_start3A_218] : memref<4x512x4x4x8x128xf32, #tpu.memory_space<hbm>> -> memref<1x128x1x1x1x128xf32, #tpu.memory_space<hbm>>
      %dma_start3A_220 = tpu.memref_squeeze %dma_start3A_219 : memref<1x128x1x1x1x128xf32, #tpu.memory_space<hbm>> -> memref<128x128xf32, #tpu.memory_space<hbm>>
      %dma_start3A_221 = arith.constant 0 : i32
      %dma_start3A_222 = arith.constant 0 : i32
      %dma_start3A_223 = tpu.memref_slice %arg5[%dma_start3A_213, %dma_start3A_221, %dma_start3A_222] : memref<2x128x256xf32, #tpu.memory_space<vmem>> -> memref<1x128x128xf32, #tpu.memory_space<vmem>>
      %dma_start3A_224 = tpu.memref_squeeze %dma_start3A_223 : memref<1x128x128xf32, #tpu.memory_space<vmem>> -> memref<128x128xf32, #tpu.memory_space<vmem>>
      %dma_start3A_225 = arith.constant 0 : i32
      %dma_start3A_226 = tpu.memref_slice %arg2[%select_n3A_42, %mul3A_208, %rem3A_44, %add3A_212, %rem3A_204, %dma_start3A_225] : memref<4x512x4x4x8x128xf32, #tpu.memory_space<hbm>> -> memref<1x128x1x1x1x128xf32, #tpu.memory_space<hbm>>
      %dma_start3A_227 = tpu.memref_squeeze %dma_start3A_226 : memref<1x128x1x1x1x128xf32, #tpu.memory_space<hbm>> -> memref<128x128xf32, #tpu.memory_space<hbm>>
      tpu.enqueue_dma source(%dma_start3A_227 : memref<128x128xf32, #tpu.memory_space<hbm>>) target(%dma_start3A_224 : memref<128x128xf32, #tpu.memory_space<vmem>>) target_semaphore(%arg7 : memref<!tpu.dma_semaphore, #tpu.memory_space<semaphore_mem>>)
      %sub3A_228 = arith.constant 1 : i32
      %sub3A_229 = arith.subi %sub3A_228, %rem3A_201 : i32
      %mul3A_230 = arith.constant 128 : i32
      %mul3A_231 = arith.muli %mul3A_230, %sub3A_229 : i32
      %add3A_232 = arith.constant 0 : i32
      %add3A_233 = arith.addi %add3A_232, %rem3A_201 : i32
      %add3A_234 = arith.constant 1 : i32
      %add3A_235 = arith.addi %add3A_233, %add3A_234 : i32
      %dma_start3A_236 = arith.constant 1 : i32
      %dma_start3A_237 = arith.constant 0 : i32
      %dma_start3A_238 = arith.constant 128 : i32
      %dma_start3A_239 = tpu.memref_slice %arg5[%dma_start3A_236, %dma_start3A_237, %dma_start3A_238] : memref<2x128x256xf32, #tpu.memory_space<vmem>> -> memref<1x128x128xf32, #tpu.memory_space<vmem>>
      %dma_start3A_240 = tpu.memref_squeeze %dma_start3A_239 : memref<1x128x128xf32, #tpu.memory_space<vmem>> -> memref<128x128xf32, #tpu.memory_space<vmem>>
      %dma_start3A_241 = arith.constant 0 : i32
      %dma_start3A_242 = tpu.memref_slice %arg2[%select_n3A_42, %mul3A_231, %rem3A_44, %add3A_235, %rem3A_204, %dma_start3A_241] : memref<4x512x4x4x8x128xf32, #tpu.memory_space<hbm>> -> memref<1x128x1x1x1x128xf32, #tpu.memory_space<hbm>>
      %dma_start3A_243 = tpu.memref_squeeze %dma_start3A_242 : memref<1x128x1x1x1x128xf32, #tpu.memory_space<hbm>> -> memref<128x128xf32, #tpu.memory_space<hbm>>
      %dma_start3A_244 = arith.constant 0 : i32
      %dma_start3A_245 = arith.constant 128 : i32
      %dma_start3A_246 = tpu.memref_slice %arg5[%dma_start3A_236, %dma_start3A_244, %dma_start3A_245] : memref<2x128x256xf32, #tpu.memory_space<vmem>> -> memref<1x128x128xf32, #tpu.memory_space<vmem>>
      %dma_start3A_247 = tpu.memref_squeeze %dma_start3A_246 : memref<1x128x128xf32, #tpu.memory_space<vmem>> -> memref<128x128xf32, #tpu.memory_space<vmem>>
      %dma_start3A_248 = arith.constant 0 : i32
      %dma_start3A_249 = tpu.memref_slice %arg2[%select_n3A_42, %mul3A_231, %rem3A_44, %add3A_235, %rem3A_204, %dma_start3A_248] : memref<4x512x4x4x8x128xf32, #tpu.memory_space<hbm>> -> memref<1x128x1x1x1x128xf32, #tpu.memory_space<hbm>>
      %dma_start3A_250 = tpu.memref_squeeze %dma_start3A_249 : memref<1x128x1x1x1x128xf32, #tpu.memory_space<hbm>> -> memref<128x128xf32, #tpu.memory_space<hbm>>
      tpu.enqueue_dma source(%dma_start3A_250 : memref<128x128xf32, #tpu.memory_space<hbm>>) target(%dma_start3A_247 : memref<128x128xf32, #tpu.memory_space<vmem>>) target_semaphore(%arg7 : memref<!tpu.dma_semaphore, #tpu.memory_space<semaphore_mem>>)
      %scan3A = arith.constant 0 : i32
      %scan3A_251 = arith.constant 0 : i32
      %scan3A_252 = arith.constant 16 : i32
      %scan3A_253 = arith.addi %scan3A_251, %scan3A_252 : i32
      %scan3A_254 = arith.constant 1 : i32
      scf.for %scan3A_297 = %scan3A_251 to %scan3A_253 step %scan3A_254  : i32 {
        %mul3A_298 = arith.constant 2 : i32
        %mul3A_299 = arith.muli %mul3A_298, %scan3A_297 : i32
        %add3A_300 = arith.constant 0 : i32
        %add3A_301 = arith.addi %add3A_300, %mul3A_299 : i32
        %add3A_302 = arith.constant 0 : i32
        %add3A_303 = arith.addi %add3A_301, %add3A_302 : i32
        %dma_wait3A_304 = arith.constant 0 : i32
        %dma_wait3A_305 = arith.constant 0 : i32
        %dma_wait3A_306 = arith.constant 0 : i32
        %dma_wait3A_307 = arith.constant 0 : i32
        %dma_wait3A_308 = arith.constant 0 : i32
        %dma_wait3A_309 = arith.constant 0 : i32
        %dma_wait3A_310 = arith.constant 0 : i32
        %dma_wait3A_311 = tpu.memref_slice %arg5[%dma_wait3A_308, %dma_wait3A_309, %dma_wait3A_310] : memref<2x128x256xf32, #tpu.memory_space<vmem>> -> memref<1x128x128xf32, #tpu.memory_space<vmem>>
        %dma_wait3A_312 = tpu.memref_squeeze %dma_wait3A_311 : memref<1x128x128xf32, #tpu.memory_space<vmem>> -> memref<128x128xf32, #tpu.memory_space<vmem>>
        %dma_wait3A_313 = arith.constant 0 : i32
        %dma_wait3A_314 = arith.constant 0 : i32
        %dma_wait3A_315 = tpu.memref_slice %arg2[%dma_wait3A_304, %dma_wait3A_313, %dma_wait3A_305, %dma_wait3A_306, %dma_wait3A_307, %dma_wait3A_314] : memref<4x512x4x4x8x128xf32, #tpu.memory_space<hbm>> -> memref<1x128x1x1x1x128xf32, #tpu.memory_space<hbm>>
        %dma_wait3A_316 = tpu.memref_squeeze %dma_wait3A_315 : memref<1x128x1x1x1x128xf32, #tpu.memory_space<hbm>> -> memref<128x128xf32, #tpu.memory_space<hbm>>
        %dma_wait3A_317 = arith.constant 0 : i32
        %dma_wait3A_318 = arith.constant 0 : i32
        %dma_wait3A_319 = tpu.memref_slice %arg5[%dma_wait3A_308, %dma_wait3A_317, %dma_wait3A_318] : memref<2x128x256xf32, #tpu.memory_space<vmem>> -> memref<1x128x128xf32, #tpu.memory_space<vmem>>
        %dma_wait3A_320 = tpu.memref_squeeze %dma_wait3A_319 : memref<1x128x128xf32, #tpu.memory_space<vmem>> -> memref<128x128xf32, #tpu.memory_space<vmem>>
        %dma_wait3A_321 = arith.constant 0 : i32
        %dma_wait3A_322 = arith.constant 0 : i32
        %dma_wait3A_323 = tpu.memref_slice %arg2[%dma_wait3A_304, %dma_wait3A_321, %dma_wait3A_305, %dma_wait3A_306, %dma_wait3A_307, %dma_wait3A_322] : memref<4x512x4x4x8x128xf32, #tpu.memory_space<hbm>> -> memref<1x128x1x1x1x128xf32, #tpu.memory_space<hbm>>
        %dma_wait3A_324 = tpu.memref_squeeze %dma_wait3A_323 : memref<1x128x1x1x1x128xf32, #tpu.memory_space<hbm>> -> memref<128x128xf32, #tpu.memory_space<hbm>>
        tpu.wait_dma2 semaphore(%arg7 : memref<!tpu.dma_semaphore, #tpu.memory_space<semaphore_mem>>) src(%dma_wait3A_324 : memref<128x128xf32, #tpu.memory_space<hbm>>) dst(%dma_wait3A_320 : memref<128x128xf32, #tpu.memory_space<vmem>>)
        %dma_wait3A_325 = arith.constant 0 : i32
        %dma_wait3A_326 = arith.constant 0 : i32
        %dma_wait3A_327 = arith.constant 0 : i32
        %dma_wait3A_328 = arith.constant 0 : i32
        %dma_wait3A_329 = arith.constant 0 : i32
        %dma_wait3A_330 = arith.constant 0 : i32
        %dma_wait3A_331 = arith.constant 0 : i32
        %dma_wait3A_332 = tpu.memref_slice %arg5[%dma_wait3A_329, %dma_wait3A_330, %dma_wait3A_331] : memref<2x128x256xf32, #tpu.memory_space<vmem>> -> memref<1x128x128xf32, #tpu.memory_space<vmem>>
        %dma_wait3A_333 = tpu.memref_squeeze %dma_wait3A_332 : memref<1x128x128xf32, #tpu.memory_space<vmem>> -> memref<128x128xf32, #tpu.memory_space<vmem>>
        %dma_wait3A_334 = arith.constant 0 : i32
        %dma_wait3A_335 = arith.constant 0 : i32
        %dma_wait3A_336 = tpu.memref_slice %arg2[%dma_wait3A_325, %dma_wait3A_334, %dma_wait3A_326, %dma_wait3A_327, %dma_wait3A_328, %dma_wait3A_335] : memref<4x512x4x4x8x128xf32, #tpu.memory_space<hbm>> -> memref<1x128x1x1x1x128xf32, #tpu.memory_space<hbm>>
        %dma_wait3A_337 = tpu.memref_squeeze %dma_wait3A_336 : memref<1x128x1x1x1x128xf32, #tpu.memory_space<hbm>> -> memref<128x128xf32, #tpu.memory_space<hbm>>
        %dma_wait3A_338 = arith.constant 0 : i32
        %dma_wait3A_339 = arith.constant 0 : i32
        %dma_wait3A_340 = tpu.memref_slice %arg5[%dma_wait3A_329, %dma_wait3A_338, %dma_wait3A_339] : memref<2x128x256xf32, #tpu.memory_space<vmem>> -> memref<1x128x128xf32, #tpu.memory_space<vmem>>
        %dma_wait3A_341 = tpu.memref_squeeze %dma_wait3A_340 : memref<1x128x128xf32, #tpu.memory_space<vmem>> -> memref<128x128xf32, #tpu.memory_space<vmem>>
        %dma_wait3A_342 = arith.constant 0 : i32
        %dma_wait3A_343 = arith.constant 0 : i32
        %dma_wait3A_344 = tpu.memref_slice %arg2[%dma_wait3A_325, %dma_wait3A_342, %dma_wait3A_326, %dma_wait3A_327, %dma_wait3A_328, %dma_wait3A_343] : memref<4x512x4x4x8x128xf32, #tpu.memory_space<hbm>> -> memref<1x128x1x1x1x128xf32, #tpu.memory_space<hbm>>
        %dma_wait3A_345 = tpu.memref_squeeze %dma_wait3A_344 : memref<1x128x1x1x1x128xf32, #tpu.memory_space<hbm>> -> memref<128x128xf32, #tpu.memory_space<hbm>>
        tpu.wait_dma2 semaphore(%arg7 : memref<!tpu.dma_semaphore, #tpu.memory_space<semaphore_mem>>) src(%dma_wait3A_345 : memref<128x128xf32, #tpu.memory_space<hbm>>) dst(%dma_wait3A_341 : memref<128x128xf32, #tpu.memory_space<vmem>>)
        %ge3A = arith.constant 2 : i32
        %ge3A_346 = arith.cmpi sge, %add3A_303, %ge3A : i32
        %convert_element_type3A_347 = arith.extui %ge3A_346 : i1 to i32
        %cond3A_348 = arith.constant 0 : i32
        %cond3A_349 = arith.cmpi ne, %convert_element_type3A_347, %cond3A_348 : i32
        scf.if %cond3A_349 {
          %dma_wait3A_561 = arith.constant 0 : i32
          %dma_wait3A_562 = arith.constant 0 : i32
          %dma_wait3A_563 = arith.constant 0 : i32
          %dma_wait3A_564 = arith.constant 0 : i32
          %dma_wait3A_565 = arith.constant 0 : i32
          %dma_wait3A_566 = arith.constant 0 : i32
          %dma_wait3A_567 = arith.constant 0 : i32
          %dma_wait3A_568 = tpu.memref_slice %arg6[%dma_wait3A_565, %dma_wait3A_566, %dma_wait3A_567] : memref<2x128x129xf32, #tpu.memory_space<vmem>> -> memref<1x128x128xf32, #tpu.memory_space<vmem>>
          %dma_wait3A_569 = tpu.memref_squeeze %dma_wait3A_568 : memref<1x128x128xf32, #tpu.memory_space<vmem>> -> memref<128x128xf32, #tpu.memory_space<vmem>>
          %dma_wait3A_570 = arith.constant 0 : i32
          %dma_wait3A_571 = arith.constant 0 : i32
          %dma_wait3A_572 = tpu.memref_slice %arg2[%dma_wait3A_561, %dma_wait3A_570, %dma_wait3A_562, %dma_wait3A_563, %dma_wait3A_564, %dma_wait3A_571] : memref<4x512x4x4x8x128xf32, #tpu.memory_space<hbm>> -> memref<1x128x1x1x1x128xf32, #tpu.memory_space<hbm>>
          %dma_wait3A_573 = tpu.memref_squeeze %dma_wait3A_572 : memref<1x128x1x1x1x128xf32, #tpu.memory_space<hbm>> -> memref<128x128xf32, #tpu.memory_space<hbm>>
          %dma_wait3A_574 = arith.constant 0 : i32
          %dma_wait3A_575 = arith.constant 0 : i32
          %dma_wait3A_576 = tpu.memref_slice %arg6[%dma_wait3A_565, %dma_wait3A_574, %dma_wait3A_575] : memref<2x128x129xf32, #tpu.memory_space<vmem>> -> memref<1x128x128xf32, #tpu.memory_space<vmem>>
          %dma_wait3A_577 = tpu.memref_squeeze %dma_wait3A_576 : memref<1x128x128xf32, #tpu.memory_space<vmem>> -> memref<128x128xf32, #tpu.memory_space<vmem>>
          %dma_wait3A_578 = arith.constant 0 : i32
          %dma_wait3A_579 = arith.constant 0 : i32
          %dma_wait3A_580 = tpu.memref_slice %arg2[%dma_wait3A_561, %dma_wait3A_578, %dma_wait3A_562, %dma_wait3A_563, %dma_wait3A_564, %dma_wait3A_579] : memref<4x512x4x4x8x128xf32, #tpu.memory_space<hbm>> -> memref<1x128x1x1x1x128xf32, #tpu.memory_space<hbm>>
          %dma_wait3A_581 = tpu.memref_squeeze %dma_wait3A_580 : memref<1x128x1x1x1x128xf32, #tpu.memory_space<hbm>> -> memref<128x128xf32, #tpu.memory_space<hbm>>
          tpu.wait_dma2 semaphore(%arg8 : memref<!tpu.dma_semaphore, #tpu.memory_space<semaphore_mem>>) src(%dma_wait3A_581 : memref<128x128xf32, #tpu.memory_space<hbm>>) dst(%dma_wait3A_577 : memref<128x128xf32, #tpu.memory_space<vmem>>)
        } else {
        }
        %parallel_loop3A = arith.constant 0 : i32
        %parallel_loop3A_350 = arith.constant 128 : i32
        %parallel_loop3A_351 = arith.constant 1 : i32
        %parallel_loop3A_352 = arith.constant 0 : i32
        scf.for %parallel_loop3A_561 = %parallel_loop3A to %parallel_loop3A_350 step %parallel_loop3A_351  : i32 {
          %parallel_loop3A_562 = vector.broadcast %parallel_loop3A_561 : i32 to vector<16xi32>
          %parallel_loop3A_563 = arith.addi %add3A_119, %parallel_loop3A_562 : vector<16xi32>
          %parallel_loop3A_564 = arith.constant 0 : i32
          %parallel_loop3A_565 = arith.constant 0 : i32
          %parallel_loop3A_566 = tpu.memref_slice %arg5[%parallel_loop3A_352, %parallel_loop3A_564, %parallel_loop3A_565] : memref<2x128x256xf32, #tpu.memory_space<vmem>> -> memref<1x128x256xf32, #tpu.memory_space<vmem>>
          %parallel_loop3A_567 = tpu.memref_squeeze %parallel_loop3A_566 : memref<1x128x256xf32, #tpu.memory_space<vmem>> -> memref<128x256xf32, #tpu.memory_space<vmem>>
          %parallel_loop3A_568 = tpu.vector_load_idx %parallel_loop3A_567[%sub3A_74, %parallel_loop3A_563] : memref<128x256xf32, #tpu.memory_space<vmem>>[vector<16xi32>, vector<16xi32>], vector<16xf32>,
          %parallel_loop3A_569 = arith.constant 0 : i32
          %parallel_loop3A_570 = arith.index_cast %parallel_loop3A_569 : i32 to index
          %parallel_loop3A_571 = arith.index_cast %parallel_loop3A_561 : i32 to index
          %parallel_loop3A_572 = arith.constant 0 : index
          %parallel_loop3A_573 = tpu.vector_load %arg6[%parallel_loop3A_570, %parallel_loop3A_571, %parallel_loop3A_572] {strides = array<i32>} : memref<2x128x129xf32, #tpu.memory_space<vmem>>, vector<16xf32>,
          tpu.vector_store %arg6[%parallel_loop3A_570, %parallel_loop3A_571, %parallel_loop3A_572], %parallel_loop3A_568 {strides = array<i32>} : memref<2x128x129xf32, #tpu.memory_space<vmem>>, vector<16xf32>,
          %parallel_loop3A_574 = vector.broadcast %parallel_loop3A_561 : i32 to vector<16xi32>
          %parallel_loop3A_575 = arith.addi %add3A_122, %parallel_loop3A_574 : vector<16xi32>
          %parallel_loop3A_576 = arith.constant 0 : i32
          %parallel_loop3A_577 = arith.constant 0 : i32
          %parallel_loop3A_578 = tpu.memref_slice %arg5[%parallel_loop3A_352, %parallel_loop3A_576, %parallel_loop3A_577] : memref<2x128x256xf32, #tpu.memory_space<vmem>> -> memref<1x128x256xf32, #tpu.memory_space<vmem>>
          %parallel_loop3A_579 = tpu.memref_squeeze %parallel_loop3A_578 : memref<1x128x256xf32, #tpu.memory_space<vmem>> -> memref<128x256xf32, #tpu.memory_space<vmem>>
          %parallel_loop3A_580 = tpu.vector_load_idx %parallel_loop3A_579[%sub3A_80, %parallel_loop3A_575] : memref<128x256xf32, #tpu.memory_space<vmem>>[vector<16xi32>, vector<16xi32>], vector<16xf32>,
          %parallel_loop3A_581 = arith.constant 0 : i32
          %parallel_loop3A_582 = arith.index_cast %parallel_loop3A_581 : i32 to index
          %parallel_loop3A_583 = arith.index_cast %parallel_loop3A_561 : i32 to index
          %parallel_loop3A_584 = arith.constant 16 : index
          %parallel_loop3A_585 = tpu.vector_load %arg6[%parallel_loop3A_582, %parallel_loop3A_583, %parallel_loop3A_584] {strides = array<i32>} : memref<2x128x129xf32, #tpu.memory_space<vmem>>, vector<16xf32>,
          tpu.vector_store %arg6[%parallel_loop3A_582, %parallel_loop3A_583, %parallel_loop3A_584], %parallel_loop3A_580 {strides = array<i32>} : memref<2x128x129xf32, #tpu.memory_space<vmem>>, vector<16xf32>,
          %parallel_loop3A_586 = vector.broadcast %parallel_loop3A_561 : i32 to vector<16xi32>
          %parallel_loop3A_587 = arith.addi %add3A_125, %parallel_loop3A_586 : vector<16xi32>
          %parallel_loop3A_588 = arith.constant 0 : i32
          %parallel_loop3A_589 = arith.constant 0 : i32
          %parallel_loop3A_590 = tpu.memref_slice %arg5[%parallel_loop3A_352, %parallel_loop3A_588, %parallel_loop3A_589] : memref<2x128x256xf32, #tpu.memory_space<vmem>> -> memref<1x128x256xf32, #tpu.memory_space<vmem>>
          %parallel_loop3A_591 = tpu.memref_squeeze %parallel_loop3A_590 : memref<1x128x256xf32, #tpu.memory_space<vmem>> -> memref<128x256xf32, #tpu.memory_space<vmem>>
          %parallel_loop3A_592 = tpu.vector_load_idx %parallel_loop3A_591[%sub3A_86, %parallel_loop3A_587] : memref<128x256xf32, #tpu.memory_space<vmem>>[vector<16xi32>, vector<16xi32>], vector<16xf32>,
          %parallel_loop3A_593 = arith.constant 0 : i32
          %parallel_loop3A_594 = arith.index_cast %parallel_loop3A_593 : i32 to index
          %parallel_loop3A_595 = arith.index_cast %parallel_loop3A_561 : i32 to index
          %parallel_loop3A_596 = arith.constant 32 : index
          %parallel_loop3A_597 = tpu.vector_load %arg6[%parallel_loop3A_594, %parallel_loop3A_595, %parallel_loop3A_596] {strides = array<i32>} : memref<2x128x129xf32, #tpu.memory_space<vmem>>, vector<16xf32>,
          tpu.vector_store %arg6[%parallel_loop3A_594, %parallel_loop3A_595, %parallel_loop3A_596], %parallel_loop3A_592 {strides = array<i32>} : memref<2x128x129xf32, #tpu.memory_space<vmem>>, vector<16xf32>,
          %parallel_loop3A_598 = vector.broadcast %parallel_loop3A_561 : i32 to vector<16xi32>
          %parallel_loop3A_599 = arith.addi %add3A_128, %parallel_loop3A_598 : vector<16xi32>
          %parallel_loop3A_600 = arith.constant 0 : i32
          %parallel_loop3A_601 = arith.constant 0 : i32
          %parallel_loop3A_602 = tpu.memref_slice %arg5[%parallel_loop3A_352, %parallel_loop3A_600, %parallel_loop3A_601] : memref<2x128x256xf32, #tpu.memory_space<vmem>> -> memref<1x128x256xf32, #tpu.memory_space<vmem>>
          %parallel_loop3A_603 = tpu.memref_squeeze %parallel_loop3A_602 : memref<1x128x256xf32, #tpu.memory_space<vmem>> -> memref<128x256xf32, #tpu.memory_space<vmem>>
          %parallel_loop3A_604 = tpu.vector_load_idx %parallel_loop3A_603[%sub3A_92, %parallel_loop3A_599] : memref<128x256xf32, #tpu.memory_space<vmem>>[vector<16xi32>, vector<16xi32>], vector<16xf32>,
          %parallel_loop3A_605 = arith.constant 0 : i32
          %parallel_loop3A_606 = arith.index_cast %parallel_loop3A_605 : i32 to index
          %parallel_loop3A_607 = arith.index_cast %parallel_loop3A_561 : i32 to index
          %parallel_loop3A_608 = arith.constant 48 : index
          %parallel_loop3A_609 = tpu.vector_load %arg6[%parallel_loop3A_606, %parallel_loop3A_607, %parallel_loop3A_608] {strides = array<i32>} : memref<2x128x129xf32, #tpu.memory_space<vmem>>, vector<16xf32>,
          tpu.vector_store %arg6[%parallel_loop3A_606, %parallel_loop3A_607, %parallel_loop3A_608], %parallel_loop3A_604 {strides = array<i32>} : memref<2x128x129xf32, #tpu.memory_space<vmem>>, vector<16xf32>,
          %parallel_loop3A_610 = vector.broadcast %parallel_loop3A_561 : i32 to vector<16xi32>
          %parallel_loop3A_611 = arith.addi %add3A_131, %parallel_loop3A_610 : vector<16xi32>
          %parallel_loop3A_612 = arith.constant 0 : i32
          %parallel_loop3A_613 = arith.constant 0 : i32
          %parallel_loop3A_614 = tpu.memref_slice %arg5[%parallel_loop3A_352, %parallel_loop3A_612, %parallel_loop3A_613] : memref<2x128x256xf32, #tpu.memory_space<vmem>> -> memref<1x128x256xf32, #tpu.memory_space<vmem>>
          %parallel_loop3A_615 = tpu.memref_squeeze %parallel_loop3A_614 : memref<1x128x256xf32, #tpu.memory_space<vmem>> -> memref<128x256xf32, #tpu.memory_space<vmem>>
          %parallel_loop3A_616 = tpu.vector_load_idx %parallel_loop3A_615[%sub3A_98, %parallel_loop3A_611] : memref<128x256xf32, #tpu.memory_space<vmem>>[vector<16xi32>, vector<16xi32>], vector<16xf32>,
          %parallel_loop3A_617 = arith.constant 0 : i32
          %parallel_loop3A_618 = arith.index_cast %parallel_loop3A_617 : i32 to index
          %parallel_loop3A_619 = arith.index_cast %parallel_loop3A_561 : i32 to index
          %parallel_loop3A_620 = arith.constant 64 : index
          %parallel_loop3A_621 = tpu.vector_load %arg6[%parallel_loop3A_618, %parallel_loop3A_619, %parallel_loop3A_620] {strides = array<i32>} : memref<2x128x129xf32, #tpu.memory_space<vmem>>, vector<16xf32>,
          tpu.vector_store %arg6[%parallel_loop3A_618, %parallel_loop3A_619, %parallel_loop3A_620], %parallel_loop3A_616 {strides = array<i32>} : memref<2x128x129xf32, #tpu.memory_space<vmem>>, vector<16xf32>,
          %parallel_loop3A_622 = vector.broadcast %parallel_loop3A_561 : i32 to vector<16xi32>
          %parallel_loop3A_623 = arith.addi %add3A_134, %parallel_loop3A_622 : vector<16xi32>
          %parallel_loop3A_624 = arith.constant 0 : i32
          %parallel_loop3A_625 = arith.constant 0 : i32
          %parallel_loop3A_626 = tpu.memref_slice %arg5[%parallel_loop3A_352, %parallel_loop3A_624, %parallel_loop3A_625] : memref<2x128x256xf32, #tpu.memory_space<vmem>> -> memref<1x128x256xf32, #tpu.memory_space<vmem>>
          %parallel_loop3A_627 = tpu.memref_squeeze %parallel_loop3A_626 : memref<1x128x256xf32, #tpu.memory_space<vmem>> -> memref<128x256xf32, #tpu.memory_space<vmem>>
          %parallel_loop3A_628 = tpu.vector_load_idx %parallel_loop3A_627[%sub3A_104, %parallel_loop3A_623] : memref<128x256xf32, #tpu.memory_space<vmem>>[vector<16xi32>, vector<16xi32>], vector<16xf32>,
          %parallel_loop3A_629 = arith.constant 0 : i32
          %parallel_loop3A_630 = arith.index_cast %parallel_loop3A_629 : i32 to index
          %parallel_loop3A_631 = arith.index_cast %parallel_loop3A_561 : i32 to index
          %parallel_loop3A_632 = arith.constant 80 : index
          %parallel_loop3A_633 = tpu.vector_load %arg6[%parallel_loop3A_630, %parallel_loop3A_631, %parallel_loop3A_632] {strides = array<i32>} : memref<2x128x129xf32, #tpu.memory_space<vmem>>, vector<16xf32>,
          tpu.vector_store %arg6[%parallel_loop3A_630, %parallel_loop3A_631, %parallel_loop3A_632], %parallel_loop3A_628 {strides = array<i32>} : memref<2x128x129xf32, #tpu.memory_space<vmem>>, vector<16xf32>,
          %parallel_loop3A_634 = vector.broadcast %parallel_loop3A_561 : i32 to vector<16xi32>
          %parallel_loop3A_635 = arith.addi %add3A_137, %parallel_loop3A_634 : vector<16xi32>
          %parallel_loop3A_636 = arith.constant 0 : i32
          %parallel_loop3A_637 = arith.constant 0 : i32
          %parallel_loop3A_638 = tpu.memref_slice %arg5[%parallel_loop3A_352, %parallel_loop3A_636, %parallel_loop3A_637] : memref<2x128x256xf32, #tpu.memory_space<vmem>> -> memref<1x128x256xf32, #tpu.memory_space<vmem>>
          %parallel_loop3A_639 = tpu.memref_squeeze %parallel_loop3A_638 : memref<1x128x256xf32, #tpu.memory_space<vmem>> -> memref<128x256xf32, #tpu.memory_space<vmem>>
          %parallel_loop3A_640 = tpu.vector_load_idx %parallel_loop3A_639[%sub3A_110, %parallel_loop3A_635] : memref<128x256xf32, #tpu.memory_space<vmem>>[vector<16xi32>, vector<16xi32>], vector<16xf32>,
          %parallel_loop3A_641 = arith.constant 0 : i32
          %parallel_loop3A_642 = arith.index_cast %parallel_loop3A_641 : i32 to index
          %parallel_loop3A_643 = arith.index_cast %parallel_loop3A_561 : i32 to index
          %parallel_loop3A_644 = arith.constant 96 : index
          %parallel_loop3A_645 = tpu.vector_load %arg6[%parallel_loop3A_642, %parallel_loop3A_643, %parallel_loop3A_644] {strides = array<i32>} : memref<2x128x129xf32, #tpu.memory_space<vmem>>, vector<16xf32>,
          tpu.vector_store %arg6[%parallel_loop3A_642, %parallel_loop3A_643, %parallel_loop3A_644], %parallel_loop3A_640 {strides = array<i32>} : memref<2x128x129xf32, #tpu.memory_space<vmem>>, vector<16xf32>,
          %parallel_loop3A_646 = vector.broadcast %parallel_loop3A_561 : i32 to vector<16xi32>
          %parallel_loop3A_647 = arith.addi %add3A_140, %parallel_loop3A_646 : vector<16xi32>
          %parallel_loop3A_648 = arith.constant 0 : i32
          %parallel_loop3A_649 = arith.constant 0 : i32
          %parallel_loop3A_650 = tpu.memref_slice %arg5[%parallel_loop3A_352, %parallel_loop3A_648, %parallel_loop3A_649] : memref<2x128x256xf32, #tpu.memory_space<vmem>> -> memref<1x128x256xf32, #tpu.memory_space<vmem>>
          %parallel_loop3A_651 = tpu.memref_squeeze %parallel_loop3A_650 : memref<1x128x256xf32, #tpu.memory_space<vmem>> -> memref<128x256xf32, #tpu.memory_space<vmem>>
          %parallel_loop3A_652 = tpu.vector_load_idx %parallel_loop3A_651[%sub3A_116, %parallel_loop3A_647] : memref<128x256xf32, #tpu.memory_space<vmem>>[vector<16xi32>, vector<16xi32>], vector<16xf32>,
          %parallel_loop3A_653 = arith.constant 0 : i32
          %parallel_loop3A_654 = arith.index_cast %parallel_loop3A_653 : i32 to index
          %parallel_loop3A_655 = arith.index_cast %parallel_loop3A_561 : i32 to index
          %parallel_loop3A_656 = arith.constant 112 : index
          %parallel_loop3A_657 = tpu.vector_load %arg6[%parallel_loop3A_654, %parallel_loop3A_655, %parallel_loop3A_656] {strides = array<i32>} : memref<2x128x129xf32, #tpu.memory_space<vmem>>, vector<16xf32>,
          tpu.vector_store %arg6[%parallel_loop3A_654, %parallel_loop3A_655, %parallel_loop3A_656], %parallel_loop3A_652 {strides = array<i32>} : memref<2x128x129xf32, #tpu.memory_space<vmem>>, vector<16xf32>,
        } {sc.loop_unroll_factor = 4 : i64, sc.parallel_access}
        %jit3A_353 = arith.constant 16 : i32
        %div3A_354 = arith.divsi %add3A_303, %jit3A_353 : i32
        %sign3A_355 = arith.constant 0 : i32
        %sign3A_356 = arith.cmpi sgt, %add3A_303, %sign3A_355 : i32
        %sign3A_357 = arith.extui %sign3A_356 : i1 to i32
        %sign3A_358 = arith.constant 0 : i32
        %sign3A_359 = arith.cmpi slt, %add3A_303, %sign3A_358 : i32
        %sign3A_360 = arith.extui %sign3A_359 : i1 to i32
        %sign3A_361 = arith.subi %sign3A_357, %sign3A_360 : i32
        %sign3A_362 = arith.constant 0 : i32
        %sign3A_363 = arith.cmpi sgt, %jit3A_353, %sign3A_362 : i32
        %sign3A_364 = arith.extui %sign3A_363 : i1 to i32
        %sign3A_365 = arith.constant 0 : i32
        %sign3A_366 = arith.cmpi slt, %jit3A_353, %sign3A_365 : i32
        %sign3A_367 = arith.extui %sign3A_366 : i1 to i32
        %sign3A_368 = arith.subi %sign3A_364, %sign3A_367 : i32
        %ne3A_369 = arith.cmpi ne, %sign3A_361, %sign3A_368 : i32
        %rem3A_370 = arith.remsi %add3A_303, %jit3A_353 : i32
        %ne3A_371 = arith.constant 0 : i32
        %ne3A_372 = arith.cmpi ne, %rem3A_370, %ne3A_371 : i32
        %and3A_373 = arith.andi %ne3A_369, %ne3A_372 : i1
        %sub3A_374 = arith.constant 1 : i32
        %sub3A_375 = arith.subi %div3A_354, %sub3A_374 : i32
        %select_n3A_376 = arith.select %and3A_373, %sub3A_375, %div3A_354 : i32
        %jit3A_377 = arith.constant 8 : i32
        %div3A_378 = arith.divsi %add3A_303, %jit3A_377 : i32
        %sign3A_379 = arith.constant 0 : i32
        %sign3A_380 = arith.cmpi sgt, %add3A_303, %sign3A_379 : i32
        %sign3A_381 = arith.extui %sign3A_380 : i1 to i32
        %sign3A_382 = arith.constant 0 : i32
        %sign3A_383 = arith.cmpi slt, %add3A_303, %sign3A_382 : i32
        %sign3A_384 = arith.extui %sign3A_383 : i1 to i32
        %sign3A_385 = arith.subi %sign3A_381, %sign3A_384 : i32
        %sign3A_386 = arith.constant 0 : i32
        %sign3A_387 = arith.cmpi sgt, %jit3A_377, %sign3A_386 : i32
        %sign3A_388 = arith.extui %sign3A_387 : i1 to i32
        %sign3A_389 = arith.constant 0 : i32
        %sign3A_390 = arith.cmpi slt, %jit3A_377, %sign3A_389 : i32
        %sign3A_391 = arith.extui %sign3A_390 : i1 to i32
        %sign3A_392 = arith.subi %sign3A_388, %sign3A_391 : i32
        %ne3A_393 = arith.cmpi ne, %sign3A_385, %sign3A_392 : i32
        %rem3A_394 = arith.remsi %add3A_303, %jit3A_377 : i32
        %ne3A_395 = arith.constant 0 : i32
        %ne3A_396 = arith.cmpi ne, %rem3A_394, %ne3A_395 : i32
        %and3A_397 = arith.andi %ne3A_393, %ne3A_396 : i1
        %sub3A_398 = arith.constant 1 : i32
        %sub3A_399 = arith.subi %div3A_378, %sub3A_398 : i32
        %select_n3A_400 = arith.select %and3A_397, %sub3A_399, %div3A_378 : i32
        %rem3A_401 = arith.constant 2 : i32
        %rem3A_402 = arith.remsi %select_n3A_400, %rem3A_401 : i32
        %rem3A_403 = arith.constant 8 : i32
        %rem3A_404 = arith.remsi %add3A_303, %rem3A_403 : i32
        %mul3A_405 = arith.constant 128 : i32
        %mul3A_406 = arith.muli %mul3A_405, %select_n3A_376 : i32
        %dma_start3A_407 = arith.constant 0 : i32
        %dma_start3A_408 = arith.constant 0 : i32
        %dma_start3A_409 = arith.constant 0 : i32
        %dma_start3A_410 = tpu.memref_slice %arg6[%dma_start3A_407, %dma_start3A_408, %dma_start3A_409] : memref<2x128x129xf32, #tpu.memory_space<vmem>> -> memref<1x128x128xf32, #tpu.memory_space<vmem>>
        %dma_start3A_411 = tpu.memref_squeeze %dma_start3A_410 : memref<1x128x128xf32, #tpu.memory_space<vmem>> -> memref<128x128xf32, #tpu.memory_space<vmem>>
        %dma_start3A_412 = arith.constant 0 : i32
        %dma_start3A_413 = tpu.memref_slice %arg4[%select_n3A_42, %mul3A_406, %rem3A_44, %rem3A_402, %rem3A_404, %dma_start3A_412] : memref<4x256x4x2x8x128xf32, #tpu.memory_space<hbm>> -> memref<1x128x1x1x1x128xf32, #tpu.memory_space<hbm>>
        %dma_start3A_414 = tpu.memref_squeeze %dma_start3A_413 : memref<1x128x1x1x1x128xf32, #tpu.memory_space<hbm>> -> memref<128x128xf32, #tpu.memory_space<hbm>>
        %dma_start3A_415 = arith.constant 0 : i32
        %dma_start3A_416 = tpu.memref_slice %arg4[%select_n3A_42, %mul3A_406, %rem3A_44, %rem3A_402, %rem3A_404, %dma_start3A_415] : memref<4x256x4x2x8x128xf32, #tpu.memory_space<hbm>> -> memref<1x128x1x1x1x128xf32, #tpu.memory_space<hbm>>
        %dma_start3A_417 = tpu.memref_squeeze %dma_start3A_416 : memref<1x128x1x1x1x128xf32, #tpu.memory_space<hbm>> -> memref<128x128xf32, #tpu.memory_space<hbm>>
        %dma_start3A_418 = arith.constant 0 : i32
        %dma_start3A_419 = arith.constant 0 : i32
        %dma_start3A_420 = tpu.memref_slice %arg6[%dma_start3A_407, %dma_start3A_418, %dma_start3A_419] : memref<2x128x129xf32, #tpu.memory_space<vmem>> -> memref<1x128x128xf32, #tpu.memory_space<vmem>>
        %dma_start3A_421 = tpu.memref_squeeze %dma_start3A_420 : memref<1x128x128xf32, #tpu.memory_space<vmem>> -> memref<128x128xf32, #tpu.memory_space<vmem>>
        tpu.enqueue_dma source(%dma_start3A_421 : memref<128x128xf32, #tpu.memory_space<vmem>>) target(%dma_start3A_417 : memref<128x128xf32, #tpu.memory_space<hbm>>) target_semaphore(%arg8 : memref<!tpu.dma_semaphore, #tpu.memory_space<semaphore_mem>>)
        %add3A_422 = arith.constant 2 : i32
        %add3A_423 = arith.addi %add3A_303, %add3A_422 : i32
        %lt3A = arith.constant 32 : i32
        %lt3A_424 = arith.cmpi slt, %add3A_423, %lt3A : i32
        %convert_element_type3A_425 = arith.extui %lt3A_424 : i1 to i32
        %cond3A_426 = arith.constant 0 : i32
        %cond3A_427 = arith.cmpi ne, %convert_element_type3A_425, %cond3A_426 : i32
        scf.if %cond3A_427 {
          %add3A_561 = arith.constant 2 : i32
          %add3A_562 = arith.addi %add3A_303, %add3A_561 : i32
          %jit3A_563 = arith.constant 16 : i32
          %div3A_564 = arith.divsi %add3A_562, %jit3A_563 : i32
          %sign3A_565 = arith.constant 0 : i32
          %sign3A_566 = arith.cmpi sgt, %add3A_562, %sign3A_565 : i32
          %sign3A_567 = arith.extui %sign3A_566 : i1 to i32
          %sign3A_568 = arith.constant 0 : i32
          %sign3A_569 = arith.cmpi slt, %add3A_562, %sign3A_568 : i32
          %sign3A_570 = arith.extui %sign3A_569 : i1 to i32
          %sign3A_571 = arith.subi %sign3A_567, %sign3A_570 : i32
          %sign3A_572 = arith.constant 0 : i32
          %sign3A_573 = arith.cmpi sgt, %jit3A_563, %sign3A_572 : i32
          %sign3A_574 = arith.extui %sign3A_573 : i1 to i32
          %sign3A_575 = arith.constant 0 : i32
          %sign3A_576 = arith.cmpi slt, %jit3A_563, %sign3A_575 : i32
          %sign3A_577 = arith.extui %sign3A_576 : i1 to i32
          %sign3A_578 = arith.subi %sign3A_574, %sign3A_577 : i32
          %ne3A_579 = arith.cmpi ne, %sign3A_571, %sign3A_578 : i32
          %rem3A_580 = arith.remsi %add3A_562, %jit3A_563 : i32
          %ne3A_581 = arith.constant 0 : i32
          %ne3A_582 = arith.cmpi ne, %rem3A_580, %ne3A_581 : i32
          %and3A_583 = arith.andi %ne3A_579, %ne3A_582 : i1
          %sub3A_584 = arith.constant 1 : i32
          %sub3A_585 = arith.subi %div3A_564, %sub3A_584 : i32
          %select_n3A_586 = arith.select %and3A_583, %sub3A_585, %div3A_564 : i32
          %jit3A_587 = arith.constant 8 : i32
          %div3A_588 = arith.divsi %add3A_562, %jit3A_587 : i32
          %sign3A_589 = arith.constant 0 : i32
          %sign3A_590 = arith.cmpi sgt, %add3A_562, %sign3A_589 : i32
          %sign3A_591 = arith.extui %sign3A_590 : i1 to i32
          %sign3A_592 = arith.constant 0 : i32
          %sign3A_593 = arith.cmpi slt, %add3A_562, %sign3A_592 : i32
          %sign3A_594 = arith.extui %sign3A_593 : i1 to i32
          %sign3A_595 = arith.subi %sign3A_591, %sign3A_594 : i32
          %sign3A_596 = arith.constant 0 : i32
          %sign3A_597 = arith.cmpi sgt, %jit3A_587, %sign3A_596 : i32
          %sign3A_598 = arith.extui %sign3A_597 : i1 to i32
          %sign3A_599 = arith.constant 0 : i32
          %sign3A_600 = arith.cmpi slt, %jit3A_587, %sign3A_599 : i32
          %sign3A_601 = arith.extui %sign3A_600 : i1 to i32
          %sign3A_602 = arith.subi %sign3A_598, %sign3A_601 : i32
          %ne3A_603 = arith.cmpi ne, %sign3A_595, %sign3A_602 : i32
          %rem3A_604 = arith.remsi %add3A_562, %jit3A_587 : i32
          %ne3A_605 = arith.constant 0 : i32
          %ne3A_606 = arith.cmpi ne, %rem3A_604, %ne3A_605 : i32
          %and3A_607 = arith.andi %ne3A_603, %ne3A_606 : i1
          %sub3A_608 = arith.constant 1 : i32
          %sub3A_609 = arith.subi %div3A_588, %sub3A_608 : i32
          %select_n3A_610 = arith.select %and3A_607, %sub3A_609, %div3A_588 : i32
          %rem3A_611 = arith.constant 2 : i32
          %rem3A_612 = arith.remsi %select_n3A_610, %rem3A_611 : i32
          %rem3A_613 = arith.constant 8 : i32
          %rem3A_614 = arith.remsi %add3A_562, %rem3A_613 : i32
          %sub3A_615 = arith.constant 1 : i32
          %sub3A_616 = arith.subi %sub3A_615, %rem3A_612 : i32
          %mul3A_617 = arith.constant 128 : i32
          %mul3A_618 = arith.muli %mul3A_617, %sub3A_616 : i32
          %add3A_619 = arith.addi %select_n3A_586, %rem3A_612 : i32
          %add3A_620 = arith.constant 0 : i32
          %add3A_621 = arith.addi %add3A_619, %add3A_620 : i32
          %dma_start3A_622 = arith.constant 0 : i32
          %dma_start3A_623 = arith.constant 0 : i32
          %dma_start3A_624 = arith.constant 0 : i32
          %dma_start3A_625 = tpu.memref_slice %arg5[%dma_start3A_622, %dma_start3A_623, %dma_start3A_624] : memref<2x128x256xf32, #tpu.memory_space<vmem>> -> memref<1x128x128xf32, #tpu.memory_space<vmem>>
          %dma_start3A_626 = tpu.memref_squeeze %dma_start3A_625 : memref<1x128x128xf32, #tpu.memory_space<vmem>> -> memref<128x128xf32, #tpu.memory_space<vmem>>
          %dma_start3A_627 = arith.constant 0 : i32
          %dma_start3A_628 = tpu.memref_slice %arg2[%select_n3A_42, %mul3A_618, %rem3A_44, %add3A_621, %rem3A_614, %dma_start3A_627] : memref<4x512x4x4x8x128xf32, #tpu.memory_space<hbm>> -> memref<1x128x1x1x1x128xf32, #tpu.memory_space<hbm>>
          %dma_start3A_629 = tpu.memref_squeeze %dma_start3A_628 : memref<1x128x1x1x1x128xf32, #tpu.memory_space<hbm>> -> memref<128x128xf32, #tpu.memory_space<hbm>>
          %dma_start3A_630 = arith.constant 0 : i32
          %dma_start3A_631 = arith.constant 0 : i32
          %dma_start3A_632 = tpu.memref_slice %arg5[%dma_start3A_622, %dma_start3A_630, %dma_start3A_631] : memref<2x128x256xf32, #tpu.memory_space<vmem>> -> memref<1x128x128xf32, #tpu.memory_space<vmem>>
          %dma_start3A_633 = tpu.memref_squeeze %dma_start3A_632 : memref<1x128x128xf32, #tpu.memory_space<vmem>> -> memref<128x128xf32, #tpu.memory_space<vmem>>
          %dma_start3A_634 = arith.constant 0 : i32
          %dma_start3A_635 = tpu.memref_slice %arg2[%select_n3A_42, %mul3A_618, %rem3A_44, %add3A_621, %rem3A_614, %dma_start3A_634] : memref<4x512x4x4x8x128xf32, #tpu.memory_space<hbm>> -> memref<1x128x1x1x1x128xf32, #tpu.memory_space<hbm>>
          %dma_start3A_636 = tpu.memref_squeeze %dma_start3A_635 : memref<1x128x1x1x1x128xf32, #tpu.memory_space<hbm>> -> memref<128x128xf32, #tpu.memory_space<hbm>>
          tpu.enqueue_dma source(%dma_start3A_636 : memref<128x128xf32, #tpu.memory_space<hbm>>) target(%dma_start3A_633 : memref<128x128xf32, #tpu.memory_space<vmem>>) target_semaphore(%arg7 : memref<!tpu.dma_semaphore, #tpu.memory_space<semaphore_mem>>)
          %sub3A_637 = arith.constant 1 : i32
          %sub3A_638 = arith.subi %sub3A_637, %rem3A_612 : i32
          %mul3A_639 = arith.constant 128 : i32
          %mul3A_640 = arith.muli %mul3A_639, %sub3A_638 : i32
          %add3A_641 = arith.addi %select_n3A_586, %rem3A_612 : i32
          %add3A_642 = arith.constant 1 : i32
          %add3A_643 = arith.addi %add3A_641, %add3A_642 : i32
          %dma_start3A_644 = arith.constant 0 : i32
          %dma_start3A_645 = arith.constant 0 : i32
          %dma_start3A_646 = arith.constant 128 : i32
          %dma_start3A_647 = tpu.memref_slice %arg5[%dma_start3A_644, %dma_start3A_645, %dma_start3A_646] : memref<2x128x256xf32, #tpu.memory_space<vmem>> -> memref<1x128x128xf32, #tpu.memory_space<vmem>>
          %dma_start3A_648 = tpu.memref_squeeze %dma_start3A_647 : memref<1x128x128xf32, #tpu.memory_space<vmem>> -> memref<128x128xf32, #tpu.memory_space<vmem>>
          %dma_start3A_649 = arith.constant 0 : i32
          %dma_start3A_650 = tpu.memref_slice %arg2[%select_n3A_42, %mul3A_640, %rem3A_44, %add3A_643, %rem3A_614, %dma_start3A_649] : memref<4x512x4x4x8x128xf32, #tpu.memory_space<hbm>> -> memref<1x128x1x1x1x128xf32, #tpu.memory_space<hbm>>
          %dma_start3A_651 = tpu.memref_squeeze %dma_start3A_650 : memref<1x128x1x1x1x128xf32, #tpu.memory_space<hbm>> -> memref<128x128xf32, #tpu.memory_space<hbm>>
          %dma_start3A_652 = arith.constant 0 : i32
          %dma_start3A_653 = arith.constant 128 : i32
          %dma_start3A_654 = tpu.memref_slice %arg5[%dma_start3A_644, %dma_start3A_652, %dma_start3A_653] : memref<2x128x256xf32, #tpu.memory_space<vmem>> -> memref<1x128x128xf32, #tpu.memory_space<vmem>>
          %dma_start3A_655 = tpu.memref_squeeze %dma_start3A_654 : memref<1x128x128xf32, #tpu.memory_space<vmem>> -> memref<128x128xf32, #tpu.memory_space<vmem>>
          %dma_start3A_656 = arith.constant 0 : i32
          %dma_start3A_657 = tpu.memref_slice %arg2[%select_n3A_42, %mul3A_640, %rem3A_44, %add3A_643, %rem3A_614, %dma_start3A_656] : memref<4x512x4x4x8x128xf32, #tpu.memory_space<hbm>> -> memref<1x128x1x1x1x128xf32, #tpu.memory_space<hbm>>
          %dma_start3A_658 = tpu.memref_squeeze %dma_start3A_657 : memref<1x128x1x1x1x128xf32, #tpu.memory_space<hbm>> -> memref<128x128xf32, #tpu.memory_space<hbm>>
          tpu.enqueue_dma source(%dma_start3A_658 : memref<128x128xf32, #tpu.memory_space<hbm>>) target(%dma_start3A_655 : memref<128x128xf32, #tpu.memory_space<vmem>>) target_semaphore(%arg7 : memref<!tpu.dma_semaphore, #tpu.memory_space<semaphore_mem>>)
        } else {
        }
        %mul3A_428 = arith.constant 2 : i32
        %mul3A_429 = arith.muli %mul3A_428, %scan3A_297 : i32
        %add3A_430 = arith.constant 0 : i32
        %add3A_431 = arith.addi %add3A_430, %mul3A_429 : i32
        %add3A_432 = arith.constant 1 : i32
        %add3A_433 = arith.addi %add3A_431, %add3A_432 : i32
        %dma_wait3A_434 = arith.constant 0 : i32
        %dma_wait3A_435 = arith.constant 0 : i32
        %dma_wait3A_436 = arith.constant 0 : i32
        %dma_wait3A_437 = arith.constant 0 : i32
        %dma_wait3A_438 = arith.constant 0 : i32
        %dma_wait3A_439 = arith.constant 0 : i32
        %dma_wait3A_440 = arith.constant 0 : i32
        %dma_wait3A_441 = tpu.memref_slice %arg5[%dma_wait3A_438, %dma_wait3A_439, %dma_wait3A_440] : memref<2x128x256xf32, #tpu.memory_space<vmem>> -> memref<1x128x128xf32, #tpu.memory_space<vmem>>
        %dma_wait3A_442 = tpu.memref_squeeze %dma_wait3A_441 : memref<1x128x128xf32, #tpu.memory_space<vmem>> -> memref<128x128xf32, #tpu.memory_space<vmem>>
        %dma_wait3A_443 = arith.constant 0 : i32
        %dma_wait3A_444 = arith.constant 0 : i32
        %dma_wait3A_445 = tpu.memref_slice %arg2[%dma_wait3A_434, %dma_wait3A_443, %dma_wait3A_435, %dma_wait3A_436, %dma_wait3A_437, %dma_wait3A_444] : memref<4x512x4x4x8x128xf32, #tpu.memory_space<hbm>> -> memref<1x128x1x1x1x128xf32, #tpu.memory_space<hbm>>
        %dma_wait3A_446 = tpu.memref_squeeze %dma_wait3A_445 : memref<1x128x1x1x1x128xf32, #tpu.memory_space<hbm>> -> memref<128x128xf32, #tpu.memory_space<hbm>>
        %dma_wait3A_447 = arith.constant 0 : i32
        %dma_wait3A_448 = arith.constant 0 : i32
        %dma_wait3A_449 = tpu.memref_slice %arg5[%dma_wait3A_438, %dma_wait3A_447, %dma_wait3A_448] : memref<2x128x256xf32, #tpu.memory_space<vmem>> -> memref<1x128x128xf32, #tpu.memory_space<vmem>>
        %dma_wait3A_450 = tpu.memref_squeeze %dma_wait3A_449 : memref<1x128x128xf32, #tpu.memory_space<vmem>> -> memref<128x128xf32, #tpu.memory_space<vmem>>
        %dma_wait3A_451 = arith.constant 0 : i32
        %dma_wait3A_452 = arith.constant 0 : i32
        %dma_wait3A_453 = tpu.memref_slice %arg2[%dma_wait3A_434, %dma_wait3A_451, %dma_wait3A_435, %dma_wait3A_436, %dma_wait3A_437, %dma_wait3A_452] : memref<4x512x4x4x8x128xf32, #tpu.memory_space<hbm>> -> memref<1x128x1x1x1x128xf32, #tpu.memory_space<hbm>>
        %dma_wait3A_454 = tpu.memref_squeeze %dma_wait3A_453 : memref<1x128x1x1x1x128xf32, #tpu.memory_space<hbm>> -> memref<128x128xf32, #tpu.memory_space<hbm>>
        tpu.wait_dma2 semaphore(%arg7 : memref<!tpu.dma_semaphore, #tpu.memory_space<semaphore_mem>>) src(%dma_wait3A_454 : memref<128x128xf32, #tpu.memory_space<hbm>>) dst(%dma_wait3A_450 : memref<128x128xf32, #tpu.memory_space<vmem>>)
        %dma_wait3A_455 = arith.constant 0 : i32
        %dma_wait3A_456 = arith.constant 0 : i32
        %dma_wait3A_457 = arith.constant 0 : i32
        %dma_wait3A_458 = arith.constant 0 : i32
        %dma_wait3A_459 = arith.constant 0 : i32
        %dma_wait3A_460 = arith.constant 0 : i32
        %dma_wait3A_461 = arith.constant 0 : i32
        %dma_wait3A_462 = tpu.memref_slice %arg5[%dma_wait3A_459, %dma_wait3A_460, %dma_wait3A_461] : memref<2x128x256xf32, #tpu.memory_space<vmem>> -> memref<1x128x128xf32, #tpu.memory_space<vmem>>
        %dma_wait3A_463 = tpu.memref_squeeze %dma_wait3A_462 : memref<1x128x128xf32, #tpu.memory_space<vmem>> -> memref<128x128xf32, #tpu.memory_space<vmem>>
        %dma_wait3A_464 = arith.constant 0 : i32
        %dma_wait3A_465 = arith.constant 0 : i32
        %dma_wait3A_466 = tpu.memref_slice %arg2[%dma_wait3A_455, %dma_wait3A_464, %dma_wait3A_456, %dma_wait3A_457, %dma_wait3A_458, %dma_wait3A_465] : memref<4x512x4x4x8x128xf32, #tpu.memory_space<hbm>> -> memref<1x128x1x1x1x128xf32, #tpu.memory_space<hbm>>
        %dma_wait3A_467 = tpu.memref_squeeze %dma_wait3A_466 : memref<1x128x1x1x1x128xf32, #tpu.memory_space<hbm>> -> memref<128x128xf32, #tpu.memory_space<hbm>>
        %dma_wait3A_468 = arith.constant 0 : i32
        %dma_wait3A_469 = arith.constant 0 : i32
        %dma_wait3A_470 = tpu.memref_slice %arg5[%dma_wait3A_459, %dma_wait3A_468, %dma_wait3A_469] : memref<2x128x256xf32, #tpu.memory_space<vmem>> -> memref<1x128x128xf32, #tpu.memory_space<vmem>>
        %dma_wait3A_471 = tpu.memref_squeeze %dma_wait3A_470 : memref<1x128x128xf32, #tpu.memory_space<vmem>> -> memref<128x128xf32, #tpu.memory_space<vmem>>
        %dma_wait3A_472 = arith.constant 0 : i32
        %dma_wait3A_473 = arith.constant 0 : i32
        %dma_wait3A_474 = tpu.memref_slice %arg2[%dma_wait3A_455, %dma_wait3A_472, %dma_wait3A_456, %dma_wait3A_457, %dma_wait3A_458, %dma_wait3A_473] : memref<4x512x4x4x8x128xf32, #tpu.memory_space<hbm>> -> memref<1x128x1x1x1x128xf32, #tpu.memory_space<hbm>>
        %dma_wait3A_475 = tpu.memref_squeeze %dma_wait3A_474 : memref<1x128x1x1x1x128xf32, #tpu.memory_space<hbm>> -> memref<128x128xf32, #tpu.memory_space<hbm>>
        tpu.wait_dma2 semaphore(%arg7 : memref<!tpu.dma_semaphore, #tpu.memory_space<semaphore_mem>>) src(%dma_wait3A_475 : memref<128x128xf32, #tpu.memory_space<hbm>>) dst(%dma_wait3A_471 : memref<128x128xf32, #tpu.memory_space<vmem>>)
        %ge3A_476 = arith.constant 2 : i32
        %ge3A_477 = arith.cmpi sge, %add3A_433, %ge3A_476 : i32
        %convert_element_type3A_478 = arith.extui %ge3A_477 : i1 to i32
        %cond3A_479 = arith.constant 0 : i32
        %cond3A_480 = arith.cmpi ne, %convert_element_type3A_478, %cond3A_479 : i32
        scf.if %cond3A_480 {
          %dma_wait3A_561 = arith.constant 0 : i32
          %dma_wait3A_562 = arith.constant 0 : i32
          %dma_wait3A_563 = arith.constant 0 : i32
          %dma_wait3A_564 = arith.constant 0 : i32
          %dma_wait3A_565 = arith.constant 0 : i32
          %dma_wait3A_566 = arith.constant 0 : i32
          %dma_wait3A_567 = arith.constant 0 : i32
          %dma_wait3A_568 = tpu.memref_slice %arg6[%dma_wait3A_565, %dma_wait3A_566, %dma_wait3A_567] : memref<2x128x129xf32, #tpu.memory_space<vmem>> -> memref<1x128x128xf32, #tpu.memory_space<vmem>>
          %dma_wait3A_569 = tpu.memref_squeeze %dma_wait3A_568 : memref<1x128x128xf32, #tpu.memory_space<vmem>> -> memref<128x128xf32, #tpu.memory_space<vmem>>
          %dma_wait3A_570 = arith.constant 0 : i32
          %dma_wait3A_571 = arith.constant 0 : i32
          %dma_wait3A_572 = tpu.memref_slice %arg2[%dma_wait3A_561, %dma_wait3A_570, %dma_wait3A_562, %dma_wait3A_563, %dma_wait3A_564, %dma_wait3A_571] : memref<4x512x4x4x8x128xf32, #tpu.memory_space<hbm>> -> memref<1x128x1x1x1x128xf32, #tpu.memory_space<hbm>>
          %dma_wait3A_573 = tpu.memref_squeeze %dma_wait3A_572 : memref<1x128x1x1x1x128xf32, #tpu.memory_space<hbm>> -> memref<128x128xf32, #tpu.memory_space<hbm>>
          %dma_wait3A_574 = arith.constant 0 : i32
          %dma_wait3A_575 = arith.constant 0 : i32
          %dma_wait3A_576 = tpu.memref_slice %arg6[%dma_wait3A_565, %dma_wait3A_574, %dma_wait3A_575] : memref<2x128x129xf32, #tpu.memory_space<vmem>> -> memref<1x128x128xf32, #tpu.memory_space<vmem>>
          %dma_wait3A_577 = tpu.memref_squeeze %dma_wait3A_576 : memref<1x128x128xf32, #tpu.memory_space<vmem>> -> memref<128x128xf32, #tpu.memory_space<vmem>>
          %dma_wait3A_578 = arith.constant 0 : i32
          %dma_wait3A_579 = arith.constant 0 : i32
          %dma_wait3A_580 = tpu.memref_slice %arg2[%dma_wait3A_561, %dma_wait3A_578, %dma_wait3A_562, %dma_wait3A_563, %dma_wait3A_564, %dma_wait3A_579] : memref<4x512x4x4x8x128xf32, #tpu.memory_space<hbm>> -> memref<1x128x1x1x1x128xf32, #tpu.memory_space<hbm>>
          %dma_wait3A_581 = tpu.memref_squeeze %dma_wait3A_580 : memref<1x128x1x1x1x128xf32, #tpu.memory_space<hbm>> -> memref<128x128xf32, #tpu.memory_space<hbm>>
          tpu.wait_dma2 semaphore(%arg8 : memref<!tpu.dma_semaphore, #tpu.memory_space<semaphore_mem>>) src(%dma_wait3A_581 : memref<128x128xf32, #tpu.memory_space<hbm>>) dst(%dma_wait3A_577 : memref<128x128xf32, #tpu.memory_space<vmem>>)
        } else {
        }
        %parallel_loop3A_481 = arith.constant 0 : i32
        %parallel_loop3A_482 = arith.constant 128 : i32
        %parallel_loop3A_483 = arith.constant 1 : i32
        %parallel_loop3A_484 = arith.constant 1 : i32
        scf.for %parallel_loop3A_561 = %parallel_loop3A_481 to %parallel_loop3A_482 step %parallel_loop3A_483  : i32 {
          %parallel_loop3A_562 = vector.broadcast %parallel_loop3A_561 : i32 to vector<16xi32>
          %parallel_loop3A_563 = arith.addi %add3A_119, %parallel_loop3A_562 : vector<16xi32>
          %parallel_loop3A_564 = arith.constant 0 : i32
          %parallel_loop3A_565 = arith.constant 0 : i32
          %parallel_loop3A_566 = tpu.memref_slice %arg5[%parallel_loop3A_484, %parallel_loop3A_564, %parallel_loop3A_565] : memref<2x128x256xf32, #tpu.memory_space<vmem>> -> memref<1x128x256xf32, #tpu.memory_space<vmem>>
          %parallel_loop3A_567 = tpu.memref_squeeze %parallel_loop3A_566 : memref<1x128x256xf32, #tpu.memory_space<vmem>> -> memref<128x256xf32, #tpu.memory_space<vmem>>
          %parallel_loop3A_568 = tpu.vector_load_idx %parallel_loop3A_567[%sub3A_74, %parallel_loop3A_563] : memref<128x256xf32, #tpu.memory_space<vmem>>[vector<16xi32>, vector<16xi32>], vector<16xf32>,
          %parallel_loop3A_569 = arith.constant 1 : i32
          %parallel_loop3A_570 = arith.index_cast %parallel_loop3A_569 : i32 to index
          %parallel_loop3A_571 = arith.index_cast %parallel_loop3A_561 : i32 to index
          %parallel_loop3A_572 = arith.constant 0 : index
          %parallel_loop3A_573 = tpu.vector_load %arg6[%parallel_loop3A_570, %parallel_loop3A_571, %parallel_loop3A_572] {strides = array<i32>} : memref<2x128x129xf32, #tpu.memory_space<vmem>>, vector<16xf32>,
          tpu.vector_store %arg6[%parallel_loop3A_570, %parallel_loop3A_571, %parallel_loop3A_572], %parallel_loop3A_568 {strides = array<i32>} : memref<2x128x129xf32, #tpu.memory_space<vmem>>, vector<16xf32>,
          %parallel_loop3A_574 = vector.broadcast %parallel_loop3A_561 : i32 to vector<16xi32>
          %parallel_loop3A_575 = arith.addi %add3A_122, %parallel_loop3A_574 : vector<16xi32>
          %parallel_loop3A_576 = arith.constant 0 : i32
          %parallel_loop3A_577 = arith.constant 0 : i32
          %parallel_loop3A_578 = tpu.memref_slice %arg5[%parallel_loop3A_484, %parallel_loop3A_576, %parallel_loop3A_577] : memref<2x128x256xf32, #tpu.memory_space<vmem>> -> memref<1x128x256xf32, #tpu.memory_space<vmem>>
          %parallel_loop3A_579 = tpu.memref_squeeze %parallel_loop3A_578 : memref<1x128x256xf32, #tpu.memory_space<vmem>> -> memref<128x256xf32, #tpu.memory_space<vmem>>
          %parallel_loop3A_580 = tpu.vector_load_idx %parallel_loop3A_579[%sub3A_80, %parallel_loop3A_575] : memref<128x256xf32, #tpu.memory_space<vmem>>[vector<16xi32>, vector<16xi32>], vector<16xf32>,
          %parallel_loop3A_581 = arith.constant 1 : i32
          %parallel_loop3A_582 = arith.index_cast %parallel_loop3A_581 : i32 to index
          %parallel_loop3A_583 = arith.index_cast %parallel_loop3A_561 : i32 to index
          %parallel_loop3A_584 = arith.constant 16 : index
          %parallel_loop3A_585 = tpu.vector_load %arg6[%parallel_loop3A_582, %parallel_loop3A_583, %parallel_loop3A_584] {strides = array<i32>} : memref<2x128x129xf32, #tpu.memory_space<vmem>>, vector<16xf32>,
          tpu.vector_store %arg6[%parallel_loop3A_582, %parallel_loop3A_583, %parallel_loop3A_584], %parallel_loop3A_580 {strides = array<i32>} : memref<2x128x129xf32, #tpu.memory_space<vmem>>, vector<16xf32>,
          %parallel_loop3A_586 = vector.broadcast %parallel_loop3A_561 : i32 to vector<16xi32>
          %parallel_loop3A_587 = arith.addi %add3A_125, %parallel_loop3A_586 : vector<16xi32>
          %parallel_loop3A_588 = arith.constant 0 : i32
          %parallel_loop3A_589 = arith.constant 0 : i32
          %parallel_loop3A_590 = tpu.memref_slice %arg5[%parallel_loop3A_484, %parallel_loop3A_588, %parallel_loop3A_589] : memref<2x128x256xf32, #tpu.memory_space<vmem>> -> memref<1x128x256xf32, #tpu.memory_space<vmem>>
          %parallel_loop3A_591 = tpu.memref_squeeze %parallel_loop3A_590 : memref<1x128x256xf32, #tpu.memory_space<vmem>> -> memref<128x256xf32, #tpu.memory_space<vmem>>
          %parallel_loop3A_592 = tpu.vector_load_idx %parallel_loop3A_591[%sub3A_86, %parallel_loop3A_587] : memref<128x256xf32, #tpu.memory_space<vmem>>[vector<16xi32>, vector<16xi32>], vector<16xf32>,
          %parallel_loop3A_593 = arith.constant 1 : i32
          %parallel_loop3A_594 = arith.index_cast %parallel_loop3A_593 : i32 to index
          %parallel_loop3A_595 = arith.index_cast %parallel_loop3A_561 : i32 to index
          %parallel_loop3A_596 = arith.constant 32 : index
          %parallel_loop3A_597 = tpu.vector_load %arg6[%parallel_loop3A_594, %parallel_loop3A_595, %parallel_loop3A_596] {strides = array<i32>} : memref<2x128x129xf32, #tpu.memory_space<vmem>>, vector<16xf32>,
          tpu.vector_store %arg6[%parallel_loop3A_594, %parallel_loop3A_595, %parallel_loop3A_596], %parallel_loop3A_592 {strides = array<i32>} : memref<2x128x129xf32, #tpu.memory_space<vmem>>, vector<16xf32>,
          %parallel_loop3A_598 = vector.broadcast %parallel_loop3A_561 : i32 to vector<16xi32>
          %parallel_loop3A_599 = arith.addi %add3A_128, %parallel_loop3A_598 : vector<16xi32>
          %parallel_loop3A_600 = arith.constant 0 : i32
          %parallel_loop3A_601 = arith.constant 0 : i32
          %parallel_loop3A_602 = tpu.memref_slice %arg5[%parallel_loop3A_484, %parallel_loop3A_600, %parallel_loop3A_601] : memref<2x128x256xf32, #tpu.memory_space<vmem>> -> memref<1x128x256xf32, #tpu.memory_space<vmem>>
          %parallel_loop3A_603 = tpu.memref_squeeze %parallel_loop3A_602 : memref<1x128x256xf32, #tpu.memory_space<vmem>> -> memref<128x256xf32, #tpu.memory_space<vmem>>
          %parallel_loop3A_604 = tpu.vector_load_idx %parallel_loop3A_603[%sub3A_92, %parallel_loop3A_599] : memref<128x256xf32, #tpu.memory_space<vmem>>[vector<16xi32>, vector<16xi32>], vector<16xf32>,
          %parallel_loop3A_605 = arith.constant 1 : i32
          %parallel_loop3A_606 = arith.index_cast %parallel_loop3A_605 : i32 to index
          %parallel_loop3A_607 = arith.index_cast %parallel_loop3A_561 : i32 to index
          %parallel_loop3A_608 = arith.constant 48 : index
          %parallel_loop3A_609 = tpu.vector_load %arg6[%parallel_loop3A_606, %parallel_loop3A_607, %parallel_loop3A_608] {strides = array<i32>} : memref<2x128x129xf32, #tpu.memory_space<vmem>>, vector<16xf32>,
          tpu.vector_store %arg6[%parallel_loop3A_606, %parallel_loop3A_607, %parallel_loop3A_608], %parallel_loop3A_604 {strides = array<i32>} : memref<2x128x129xf32, #tpu.memory_space<vmem>>, vector<16xf32>,
          %parallel_loop3A_610 = vector.broadcast %parallel_loop3A_561 : i32 to vector<16xi32>
          %parallel_loop3A_611 = arith.addi %add3A_131, %parallel_loop3A_610 : vector<16xi32>
          %parallel_loop3A_612 = arith.constant 0 : i32
          %parallel_loop3A_613 = arith.constant 0 : i32
          %parallel_loop3A_614 = tpu.memref_slice %arg5[%parallel_loop3A_484, %parallel_loop3A_612, %parallel_loop3A_613] : memref<2x128x256xf32, #tpu.memory_space<vmem>> -> memref<1x128x256xf32, #tpu.memory_space<vmem>>
          %parallel_loop3A_615 = tpu.memref_squeeze %parallel_loop3A_614 : memref<1x128x256xf32, #tpu.memory_space<vmem>> -> memref<128x256xf32, #tpu.memory_space<vmem>>
          %parallel_loop3A_616 = tpu.vector_load_idx %parallel_loop3A_615[%sub3A_98, %parallel_loop3A_611] : memref<128x256xf32, #tpu.memory_space<vmem>>[vector<16xi32>, vector<16xi32>], vector<16xf32>,
          %parallel_loop3A_617 = arith.constant 1 : i32
          %parallel_loop3A_618 = arith.index_cast %parallel_loop3A_617 : i32 to index
          %parallel_loop3A_619 = arith.index_cast %parallel_loop3A_561 : i32 to index
          %parallel_loop3A_620 = arith.constant 64 : index
          %parallel_loop3A_621 = tpu.vector_load %arg6[%parallel_loop3A_618, %parallel_loop3A_619, %parallel_loop3A_620] {strides = array<i32>} : memref<2x128x129xf32, #tpu.memory_space<vmem>>, vector<16xf32>,
          tpu.vector_store %arg6[%parallel_loop3A_618, %parallel_loop3A_619, %parallel_loop3A_620], %parallel_loop3A_616 {strides = array<i32>} : memref<2x128x129xf32, #tpu.memory_space<vmem>>, vector<16xf32>,
          %parallel_loop3A_622 = vector.broadcast %parallel_loop3A_561 : i32 to vector<16xi32>
          %parallel_loop3A_623 = arith.addi %add3A_134, %parallel_loop3A_622 : vector<16xi32>
          %parallel_loop3A_624 = arith.constant 0 : i32
          %parallel_loop3A_625 = arith.constant 0 : i32
          %parallel_loop3A_626 = tpu.memref_slice %arg5[%parallel_loop3A_484, %parallel_loop3A_624, %parallel_loop3A_625] : memref<2x128x256xf32, #tpu.memory_space<vmem>> -> memref<1x128x256xf32, #tpu.memory_space<vmem>>
          %parallel_loop3A_627 = tpu.memref_squeeze %parallel_loop3A_626 : memref<1x128x256xf32, #tpu.memory_space<vmem>> -> memref<128x256xf32, #tpu.memory_space<vmem>>
          %parallel_loop3A_628 = tpu.vector_load_idx %parallel_loop3A_627[%sub3A_104, %parallel_loop3A_623] : memref<128x256xf32, #tpu.memory_space<vmem>>[vector<16xi32>, vector<16xi32>], vector<16xf32>,
          %parallel_loop3A_629 = arith.constant 1 : i32
          %parallel_loop3A_630 = arith.index_cast %parallel_loop3A_629 : i32 to index
          %parallel_loop3A_631 = arith.index_cast %parallel_loop3A_561 : i32 to index
          %parallel_loop3A_632 = arith.constant 80 : index
          %parallel_loop3A_633 = tpu.vector_load %arg6[%parallel_loop3A_630, %parallel_loop3A_631, %parallel_loop3A_632] {strides = array<i32>} : memref<2x128x129xf32, #tpu.memory_space<vmem>>, vector<16xf32>,
          tpu.vector_store %arg6[%parallel_loop3A_630, %parallel_loop3A_631, %parallel_loop3A_632], %parallel_loop3A_628 {strides = array<i32>} : memref<2x128x129xf32, #tpu.memory_space<vmem>>, vector<16xf32>,
          %parallel_loop3A_634 = vector.broadcast %parallel_loop3A_561 : i32 to vector<16xi32>
          %parallel_loop3A_635 = arith.addi %add3A_137, %parallel_loop3A_634 : vector<16xi32>
          %parallel_loop3A_636 = arith.constant 0 : i32
          %parallel_loop3A_637 = arith.constant 0 : i32
          %parallel_loop3A_638 = tpu.memref_slice %arg5[%parallel_loop3A_484, %parallel_loop3A_636, %parallel_loop3A_637] : memref<2x128x256xf32, #tpu.memory_space<vmem>> -> memref<1x128x256xf32, #tpu.memory_space<vmem>>
          %parallel_loop3A_639 = tpu.memref_squeeze %parallel_loop3A_638 : memref<1x128x256xf32, #tpu.memory_space<vmem>> -> memref<128x256xf32, #tpu.memory_space<vmem>>
          %parallel_loop3A_640 = tpu.vector_load_idx %parallel_loop3A_639[%sub3A_110, %parallel_loop3A_635] : memref<128x256xf32, #tpu.memory_space<vmem>>[vector<16xi32>, vector<16xi32>], vector<16xf32>,
          %parallel_loop3A_641 = arith.constant 1 : i32
          %parallel_loop3A_642 = arith.index_cast %parallel_loop3A_641 : i32 to index
          %parallel_loop3A_643 = arith.index_cast %parallel_loop3A_561 : i32 to index
          %parallel_loop3A_644 = arith.constant 96 : index
          %parallel_loop3A_645 = tpu.vector_load %arg6[%parallel_loop3A_642, %parallel_loop3A_643, %parallel_loop3A_644] {strides = array<i32>} : memref<2x128x129xf32, #tpu.memory_space<vmem>>, vector<16xf32>,
          tpu.vector_store %arg6[%parallel_loop3A_642, %parallel_loop3A_643, %parallel_loop3A_644], %parallel_loop3A_640 {strides = array<i32>} : memref<2x128x129xf32, #tpu.memory_space<vmem>>, vector<16xf32>,
          %parallel_loop3A_646 = vector.broadcast %parallel_loop3A_561 : i32 to vector<16xi32>
          %parallel_loop3A_647 = arith.addi %add3A_140, %parallel_loop3A_646 : vector<16xi32>
          %parallel_loop3A_648 = arith.constant 0 : i32
          %parallel_loop3A_649 = arith.constant 0 : i32
          %parallel_loop3A_650 = tpu.memref_slice %arg5[%parallel_loop3A_484, %parallel_loop3A_648, %parallel_loop3A_649] : memref<2x128x256xf32, #tpu.memory_space<vmem>> -> memref<1x128x256xf32, #tpu.memory_space<vmem>>
          %parallel_loop3A_651 = tpu.memref_squeeze %parallel_loop3A_650 : memref<1x128x256xf32, #tpu.memory_space<vmem>> -> memref<128x256xf32, #tpu.memory_space<vmem>>
          %parallel_loop3A_652 = tpu.vector_load_idx %parallel_loop3A_651[%sub3A_116, %parallel_loop3A_647] : memref<128x256xf32, #tpu.memory_space<vmem>>[vector<16xi32>, vector<16xi32>], vector<16xf32>,
          %parallel_loop3A_653 = arith.constant 1 : i32
          %parallel_loop3A_654 = arith.index_cast %parallel_loop3A_653 : i32 to index
          %parallel_loop3A_655 = arith.index_cast %parallel_loop3A_561 : i32 to index
          %parallel_loop3A_656 = arith.constant 112 : index
          %parallel_loop3A_657 = tpu.vector_load %arg6[%parallel_loop3A_654, %parallel_loop3A_655, %parallel_loop3A_656] {strides = array<i32>} : memref<2x128x129xf32, #tpu.memory_space<vmem>>, vector<16xf32>,
          tpu.vector_store %arg6[%parallel_loop3A_654, %parallel_loop3A_655, %parallel_loop3A_656], %parallel_loop3A_652 {strides = array<i32>} : memref<2x128x129xf32, #tpu.memory_space<vmem>>, vector<16xf32>,
        } {sc.loop_unroll_factor = 4 : i64, sc.parallel_access}
        %jit3A_485 = arith.constant 16 : i32
        %div3A_486 = arith.divsi %add3A_433, %jit3A_485 : i32
        %sign3A_487 = arith.constant 0 : i32
        %sign3A_488 = arith.cmpi sgt, %add3A_433, %sign3A_487 : i32
        %sign3A_489 = arith.extui %sign3A_488 : i1 to i32
        %sign3A_490 = arith.constant 0 : i32
        %sign3A_491 = arith.cmpi slt, %add3A_433, %sign3A_490 : i32
        %sign3A_492 = arith.extui %sign3A_491 : i1 to i32
        %sign3A_493 = arith.subi %sign3A_489, %sign3A_492 : i32
        %sign3A_494 = arith.constant 0 : i32
        %sign3A_495 = arith.cmpi sgt, %jit3A_485, %sign3A_494 : i32
        %sign3A_496 = arith.extui %sign3A_495 : i1 to i32
        %sign3A_497 = arith.constant 0 : i32
        %sign3A_498 = arith.cmpi slt, %jit3A_485, %sign3A_497 : i32
        %sign3A_499 = arith.extui %sign3A_498 : i1 to i32
        %sign3A_500 = arith.subi %sign3A_496, %sign3A_499 : i32
        %ne3A_501 = arith.cmpi ne, %sign3A_493, %sign3A_500 : i32
        %rem3A_502 = arith.remsi %add3A_433, %jit3A_485 : i32
        %ne3A_503 = arith.constant 0 : i32
        %ne3A_504 = arith.cmpi ne, %rem3A_502, %ne3A_503 : i32
        %and3A_505 = arith.andi %ne3A_501, %ne3A_504 : i1
        %sub3A_506 = arith.constant 1 : i32
        %sub3A_507 = arith.subi %div3A_486, %sub3A_506 : i32
        %select_n3A_508 = arith.select %and3A_505, %sub3A_507, %div3A_486 : i32
        %jit3A_509 = arith.constant 8 : i32
        %div3A_510 = arith.divsi %add3A_433, %jit3A_509 : i32
        %sign3A_511 = arith.constant 0 : i32
        %sign3A_512 = arith.cmpi sgt, %add3A_433, %sign3A_511 : i32
        %sign3A_513 = arith.extui %sign3A_512 : i1 to i32
        %sign3A_514 = arith.constant 0 : i32
        %sign3A_515 = arith.cmpi slt, %add3A_433, %sign3A_514 : i32
        %sign3A_516 = arith.extui %sign3A_515 : i1 to i32
        %sign3A_517 = arith.subi %sign3A_513, %sign3A_516 : i32
        %sign3A_518 = arith.constant 0 : i32
        %sign3A_519 = arith.cmpi sgt, %jit3A_509, %sign3A_518 : i32
        %sign3A_520 = arith.extui %sign3A_519 : i1 to i32
        %sign3A_521 = arith.constant 0 : i32
        %sign3A_522 = arith.cmpi slt, %jit3A_509, %sign3A_521 : i32
        %sign3A_523 = arith.extui %sign3A_522 : i1 to i32
        %sign3A_524 = arith.subi %sign3A_520, %sign3A_523 : i32
        %ne3A_525 = arith.cmpi ne, %sign3A_517, %sign3A_524 : i32
        %rem3A_526 = arith.remsi %add3A_433, %jit3A_509 : i32
        %ne3A_527 = arith.constant 0 : i32
        %ne3A_528 = arith.cmpi ne, %rem3A_526, %ne3A_527 : i32
        %and3A_529 = arith.andi %ne3A_525, %ne3A_528 : i1
        %sub3A_530 = arith.constant 1 : i32
        %sub3A_531 = arith.subi %div3A_510, %sub3A_530 : i32
        %select_n3A_532 = arith.select %and3A_529, %sub3A_531, %div3A_510 : i32
        %rem3A_533 = arith.constant 2 : i32
        %rem3A_534 = arith.remsi %select_n3A_532, %rem3A_533 : i32
        %rem3A_535 = arith.constant 8 : i32
        %rem3A_536 = arith.remsi %add3A_433, %rem3A_535 : i32
        %mul3A_537 = arith.constant 128 : i32
        %mul3A_538 = arith.muli %mul3A_537, %select_n3A_508 : i32
        %dma_start3A_539 = arith.constant 1 : i32
        %dma_start3A_540 = arith.constant 0 : i32
        %dma_start3A_541 = arith.constant 0 : i32
        %dma_start3A_542 = tpu.memref_slice %arg6[%dma_start3A_539, %dma_start3A_540, %dma_start3A_541] : memref<2x128x129xf32, #tpu.memory_space<vmem>> -> memref<1x128x128xf32, #tpu.memory_space<vmem>>
        %dma_start3A_543 = tpu.memref_squeeze %dma_start3A_542 : memref<1x128x128xf32, #tpu.memory_space<vmem>> -> memref<128x128xf32, #tpu.memory_space<vmem>>
        %dma_start3A_544 = arith.constant 0 : i32
        %dma_start3A_545 = tpu.memref_slice %arg4[%select_n3A_42, %mul3A_538, %rem3A_44, %rem3A_534, %rem3A_536, %dma_start3A_544] : memref<4x256x4x2x8x128xf32, #tpu.memory_space<hbm>> -> memref<1x128x1x1x1x128xf32, #tpu.memory_space<hbm>>
        %dma_start3A_546 = tpu.memref_squeeze %dma_start3A_545 : memref<1x128x1x1x1x128xf32, #tpu.memory_space<hbm>> -> memref<128x128xf32, #tpu.memory_space<hbm>>
        %dma_start3A_547 = arith.constant 0 : i32
        %dma_start3A_548 = tpu.memref_slice %arg4[%select_n3A_42, %mul3A_538, %rem3A_44, %rem3A_534, %rem3A_536, %dma_start3A_547] : memref<4x256x4x2x8x128xf32, #tpu.memory_space<hbm>> -> memref<1x128x1x1x1x128xf32, #tpu.memory_space<hbm>>
        %dma_start3A_549 = tpu.memref_squeeze %dma_start3A_548 : memref<1x128x1x1x1x128xf32, #tpu.memory_space<hbm>> -> memref<128x128xf32, #tpu.memory_space<hbm>>
        %dma_start3A_550 = arith.constant 0 : i32
        %dma_start3A_551 = arith.constant 0 : i32
        %dma_start3A_552 = tpu.memref_slice %arg6[%dma_start3A_539, %dma_start3A_550, %dma_start3A_551] : memref<2x128x129xf32, #tpu.memory_space<vmem>> -> memref<1x128x128xf32, #tpu.memory_space<vmem>>
        %dma_start3A_553 = tpu.memref_squeeze %dma_start3A_552 : memref<1x128x128xf32, #tpu.memory_space<vmem>> -> memref<128x128xf32, #tpu.memory_space<vmem>>
        tpu.enqueue_dma source(%dma_start3A_553 : memref<128x128xf32, #tpu.memory_space<vmem>>) target(%dma_start3A_549 : memref<128x128xf32, #tpu.memory_space<hbm>>) target_semaphore(%arg8 : memref<!tpu.dma_semaphore, #tpu.memory_space<semaphore_mem>>)
        %add3A_554 = arith.constant 2 : i32
        %add3A_555 = arith.addi %add3A_433, %add3A_554 : i32
        %lt3A_556 = arith.constant 32 : i32
        %lt3A_557 = arith.cmpi slt, %add3A_555, %lt3A_556 : i32
        %convert_element_type3A_558 = arith.extui %lt3A_557 : i1 to i32
        %cond3A_559 = arith.constant 0 : i32
        %cond3A_560 = arith.cmpi ne, %convert_element_type3A_558, %cond3A_559 : i32
        scf.if %cond3A_560 {
          %add3A_561 = arith.constant 2 : i32
          %add3A_562 = arith.addi %add3A_433, %add3A_561 : i32
          %jit3A_563 = arith.constant 16 : i32
          %div3A_564 = arith.divsi %add3A_562, %jit3A_563 : i32
          %sign3A_565 = arith.constant 0 : i32
          %sign3A_566 = arith.cmpi sgt, %add3A_562, %sign3A_565 : i32
          %sign3A_567 = arith.extui %sign3A_566 : i1 to i32
          %sign3A_568 = arith.constant 0 : i32
          %sign3A_569 = arith.cmpi slt, %add3A_562, %sign3A_568 : i32
          %sign3A_570 = arith.extui %sign3A_569 : i1 to i32
          %sign3A_571 = arith.subi %sign3A_567, %sign3A_570 : i32
          %sign3A_572 = arith.constant 0 : i32
          %sign3A_573 = arith.cmpi sgt, %jit3A_563, %sign3A_572 : i32
          %sign3A_574 = arith.extui %sign3A_573 : i1 to i32
          %sign3A_575 = arith.constant 0 : i32
          %sign3A_576 = arith.cmpi slt, %jit3A_563, %sign3A_575 : i32
          %sign3A_577 = arith.extui %sign3A_576 : i1 to i32
          %sign3A_578 = arith.subi %sign3A_574, %sign3A_577 : i32
          %ne3A_579 = arith.cmpi ne, %sign3A_571, %sign3A_578 : i32
          %rem3A_580 = arith.remsi %add3A_562, %jit3A_563 : i32
          %ne3A_581 = arith.constant 0 : i32
          %ne3A_582 = arith.cmpi ne, %rem3A_580, %ne3A_581 : i32
          %and3A_583 = arith.andi %ne3A_579, %ne3A_582 : i1
          %sub3A_584 = arith.constant 1 : i32
          %sub3A_585 = arith.subi %div3A_564, %sub3A_584 : i32
          %select_n3A_586 = arith.select %and3A_583, %sub3A_585, %div3A_564 : i32
          %jit3A_587 = arith.constant 8 : i32
          %div3A_588 = arith.divsi %add3A_562, %jit3A_587 : i32
          %sign3A_589 = arith.constant 0 : i32
          %sign3A_590 = arith.cmpi sgt, %add3A_562, %sign3A_589 : i32
          %sign3A_591 = arith.extui %sign3A_590 : i1 to i32
          %sign3A_592 = arith.constant 0 : i32
          %sign3A_593 = arith.cmpi slt, %add3A_562, %sign3A_592 : i32
          %sign3A_594 = arith.extui %sign3A_593 : i1 to i32
          %sign3A_595 = arith.subi %sign3A_591, %sign3A_594 : i32
          %sign3A_596 = arith.constant 0 : i32
          %sign3A_597 = arith.cmpi sgt, %jit3A_587, %sign3A_596 : i32
          %sign3A_598 = arith.extui %sign3A_597 : i1 to i32
          %sign3A_599 = arith.constant 0 : i32
          %sign3A_600 = arith.cmpi slt, %jit3A_587, %sign3A_599 : i32
          %sign3A_601 = arith.extui %sign3A_600 : i1 to i32
          %sign3A_602 = arith.subi %sign3A_598, %sign3A_601 : i32
          %ne3A_603 = arith.cmpi ne, %sign3A_595, %sign3A_602 : i32
          %rem3A_604 = arith.remsi %add3A_562, %jit3A_587 : i32
          %ne3A_605 = arith.constant 0 : i32
          %ne3A_606 = arith.cmpi ne, %rem3A_604, %ne3A_605 : i32
          %and3A_607 = arith.andi %ne3A_603, %ne3A_606 : i1
          %sub3A_608 = arith.constant 1 : i32
          %sub3A_609 = arith.subi %div3A_588, %sub3A_608 : i32
          %select_n3A_610 = arith.select %and3A_607, %sub3A_609, %div3A_588 : i32
          %rem3A_611 = arith.constant 2 : i32
          %rem3A_612 = arith.remsi %select_n3A_610, %rem3A_611 : i32
          %rem3A_613 = arith.constant 8 : i32
          %rem3A_614 = arith.remsi %add3A_562, %rem3A_613 : i32
          %sub3A_615 = arith.constant 1 : i32
          %sub3A_616 = arith.subi %sub3A_615, %rem3A_612 : i32
          %mul3A_617 = arith.constant 128 : i32
          %mul3A_618 = arith.muli %mul3A_617, %sub3A_616 : i32
          %add3A_619 = arith.addi %select_n3A_586, %rem3A_612 : i32
          %add3A_620 = arith.constant 0 : i32
          %add3A_621 = arith.addi %add3A_619, %add3A_620 : i32
          %dma_start3A_622 = arith.constant 1 : i32
          %dma_start3A_623 = arith.constant 0 : i32
          %dma_start3A_624 = arith.constant 0 : i32
          %dma_start3A_625 = tpu.memref_slice %arg5[%dma_start3A_622, %dma_start3A_623, %dma_start3A_624] : memref<2x128x256xf32, #tpu.memory_space<vmem>> -> memref<1x128x128xf32, #tpu.memory_space<vmem>>
          %dma_start3A_626 = tpu.memref_squeeze %dma_start3A_625 : memref<1x128x128xf32, #tpu.memory_space<vmem>> -> memref<128x128xf32, #tpu.memory_space<vmem>>
          %dma_start3A_627 = arith.constant 0 : i32
          %dma_start3A_628 = tpu.memref_slice %arg2[%select_n3A_42, %mul3A_618, %rem3A_44, %add3A_621, %rem3A_614, %dma_start3A_627] : memref<4x512x4x4x8x128xf32, #tpu.memory_space<hbm>> -> memref<1x128x1x1x1x128xf32, #tpu.memory_space<hbm>>
          %dma_start3A_629 = tpu.memref_squeeze %dma_start3A_628 : memref<1x128x1x1x1x128xf32, #tpu.memory_space<hbm>> -> memref<128x128xf32, #tpu.memory_space<hbm>>
          %dma_start3A_630 = arith.constant 0 : i32
          %dma_start3A_631 = arith.constant 0 : i32
          %dma_start3A_632 = tpu.memref_slice %arg5[%dma_start3A_622, %dma_start3A_630, %dma_start3A_631] : memref<2x128x256xf32, #tpu.memory_space<vmem>> -> memref<1x128x128xf32, #tpu.memory_space<vmem>>
          %dma_start3A_633 = tpu.memref_squeeze %dma_start3A_632 : memref<1x128x128xf32, #tpu.memory_space<vmem>> -> memref<128x128xf32, #tpu.memory_space<vmem>>
          %dma_start3A_634 = arith.constant 0 : i32
          %dma_start3A_635 = tpu.memref_slice %arg2[%select_n3A_42, %mul3A_618, %rem3A_44, %add3A_621, %rem3A_614, %dma_start3A_634] : memref<4x512x4x4x8x128xf32, #tpu.memory_space<hbm>> -> memref<1x128x1x1x1x128xf32, #tpu.memory_space<hbm>>
          %dma_start3A_636 = tpu.memref_squeeze %dma_start3A_635 : memref<1x128x1x1x1x128xf32, #tpu.memory_space<hbm>> -> memref<128x128xf32, #tpu.memory_space<hbm>>
          tpu.enqueue_dma source(%dma_start3A_636 : memref<128x128xf32, #tpu.memory_space<hbm>>) target(%dma_start3A_633 : memref<128x128xf32, #tpu.memory_space<vmem>>) target_semaphore(%arg7 : memref<!tpu.dma_semaphore, #tpu.memory_space<semaphore_mem>>)
          %sub3A_637 = arith.constant 1 : i32
          %sub3A_638 = arith.subi %sub3A_637, %rem3A_612 : i32
          %mul3A_639 = arith.constant 128 : i32
          %mul3A_640 = arith.muli %mul3A_639, %sub3A_638 : i32
          %add3A_641 = arith.addi %select_n3A_586, %rem3A_612 : i32
          %add3A_642 = arith.constant 1 : i32
          %add3A_643 = arith.addi %add3A_641, %add3A_642 : i32
          %dma_start3A_644 = arith.constant 1 : i32
          %dma_start3A_645 = arith.constant 0 : i32
          %dma_start3A_646 = arith.constant 128 : i32
          %dma_start3A_647 = tpu.memref_slice %arg5[%dma_start3A_644, %dma_start3A_645, %dma_start3A_646] : memref<2x128x256xf32, #tpu.memory_space<vmem>> -> memref<1x128x128xf32, #tpu.memory_space<vmem>>
          %dma_start3A_648 = tpu.memref_squeeze %dma_start3A_647 : memref<1x128x128xf32, #tpu.memory_space<vmem>> -> memref<128x128xf32, #tpu.memory_space<vmem>>
          %dma_start3A_649 = arith.constant 0 : i32
          %dma_start3A_650 = tpu.memref_slice %arg2[%select_n3A_42, %mul3A_640, %rem3A_44, %add3A_643, %rem3A_614, %dma_start3A_649] : memref<4x512x4x4x8x128xf32, #tpu.memory_space<hbm>> -> memref<1x128x1x1x1x128xf32, #tpu.memory_space<hbm>>
          %dma_start3A_651 = tpu.memref_squeeze %dma_start3A_650 : memref<1x128x1x1x1x128xf32, #tpu.memory_space<hbm>> -> memref<128x128xf32, #tpu.memory_space<hbm>>
          %dma_start3A_652 = arith.constant 0 : i32
          %dma_start3A_653 = arith.constant 128 : i32
          %dma_start3A_654 = tpu.memref_slice %arg5[%dma_start3A_644, %dma_start3A_652, %dma_start3A_653] : memref<2x128x256xf32, #tpu.memory_space<vmem>> -> memref<1x128x128xf32, #tpu.memory_space<vmem>>
          %dma_start3A_655 = tpu.memref_squeeze %dma_start3A_654 : memref<1x128x128xf32, #tpu.memory_space<vmem>> -> memref<128x128xf32, #tpu.memory_space<vmem>>
          %dma_start3A_656 = arith.constant 0 : i32
          %dma_start3A_657 = tpu.memref_slice %arg2[%select_n3A_42, %mul3A_640, %rem3A_44, %add3A_643, %rem3A_614, %dma_start3A_656] : memref<4x512x4x4x8x128xf32, #tpu.memory_space<hbm>> -> memref<1x128x1x1x1x128xf32, #tpu.memory_space<hbm>>
          %dma_start3A_658 = tpu.memref_squeeze %dma_start3A_657 : memref<1x128x1x1x1x128xf32, #tpu.memory_space<hbm>> -> memref<128x128xf32, #tpu.memory_space<hbm>>
          tpu.enqueue_dma source(%dma_start3A_658 : memref<128x128xf32, #tpu.memory_space<hbm>>) target(%dma_start3A_655 : memref<128x128xf32, #tpu.memory_space<vmem>>) target_semaphore(%arg7 : memref<!tpu.dma_semaphore, #tpu.memory_space<semaphore_mem>>)
        } else {
        }
      }
      %scan3A_255 = arith.constant 16 : i32
      %dma_wait3A = arith.constant 0 : i32
      %dma_wait3A_256 = arith.constant 0 : i32
      %dma_wait3A_257 = arith.constant 0 : i32
      %dma_wait3A_258 = arith.constant 0 : i32
      %dma_wait3A_259 = arith.constant 0 : i32
      %dma_wait3A_260 = arith.constant 0 : i32
      %dma_wait3A_261 = arith.constant 0 : i32
      %dma_wait3A_262 = tpu.memref_slice %arg6[%dma_wait3A_259, %dma_wait3A_260, %dma_wait3A_261] : memref<2x128x129xf32, #tpu.memory_space<vmem>> -> memref<1x128x128xf32, #tpu.memory_space<vmem>>
      %dma_wait3A_263 = tpu.memref_squeeze %dma_wait3A_262 : memref<1x128x128xf32, #tpu.memory_space<vmem>> -> memref<128x128xf32, #tpu.memory_space<vmem>>
      %dma_wait3A_264 = arith.constant 0 : i32
      %dma_wait3A_265 = arith.constant 0 : i32
      %dma_wait3A_266 = tpu.memref_slice %arg2[%dma_wait3A, %dma_wait3A_264, %dma_wait3A_256, %dma_wait3A_257, %dma_wait3A_258, %dma_wait3A_265] : memref<4x512x4x4x8x128xf32, #tpu.memory_space<hbm>> -> memref<1x128x1x1x1x128xf32, #tpu.memory_space<hbm>>
      %dma_wait3A_267 = tpu.memref_squeeze %dma_wait3A_266 : memref<1x128x1x1x1x128xf32, #tpu.memory_space<hbm>> -> memref<128x128xf32, #tpu.memory_space<hbm>>
      %dma_wait3A_268 = arith.constant 0 : i32
      %dma_wait3A_269 = arith.constant 0 : i32
      %dma_wait3A_270 = tpu.memref_slice %arg6[%dma_wait3A_259, %dma_wait3A_268, %dma_wait3A_269] : memref<2x128x129xf32, #tpu.memory_space<vmem>> -> memref<1x128x128xf32, #tpu.memory_space<vmem>>
      %dma_wait3A_271 = tpu.memref_squeeze %dma_wait3A_270 : memref<1x128x128xf32, #tpu.memory_space<vmem>> -> memref<128x128xf32, #tpu.memory_space<vmem>>
      %dma_wait3A_272 = arith.constant 0 : i32
      %dma_wait3A_273 = arith.constant 0 : i32
      %dma_wait3A_274 = tpu.memref_slice %arg2[%dma_wait3A, %dma_wait3A_272, %dma_wait3A_256, %dma_wait3A_257, %dma_wait3A_258, %dma_wait3A_273] : memref<4x512x4x4x8x128xf32, #tpu.memory_space<hbm>> -> memref<1x128x1x1x1x128xf32, #tpu.memory_space<hbm>>
      %dma_wait3A_275 = tpu.memref_squeeze %dma_wait3A_274 : memref<1x128x1x1x1x128xf32, #tpu.memory_space<hbm>> -> memref<128x128xf32, #tpu.memory_space<hbm>>
      tpu.wait_dma2 semaphore(%arg8 : memref<!tpu.dma_semaphore, #tpu.memory_space<semaphore_mem>>) src(%dma_wait3A_275 : memref<128x128xf32, #tpu.memory_space<hbm>>) dst(%dma_wait3A_271 : memref<128x128xf32, #tpu.memory_space<vmem>>)
      %dma_wait3A_276 = arith.constant 0 : i32
      %dma_wait3A_277 = arith.constant 0 : i32
      %dma_wait3A_278 = arith.constant 0 : i32
      %dma_wait3A_279 = arith.constant 0 : i32
      %dma_wait3A_280 = arith.constant 0 : i32
      %dma_wait3A_281 = arith.constant 0 : i32
      %dma_wait3A_282 = arith.constant 0 : i32
      %dma_wait3A_283 = tpu.memref_slice %arg6[%dma_wait3A_280, %dma_wait3A_281, %dma_wait3A_282] : memref<2x128x129xf32, #tpu.memory_space<vmem>> -> memref<1x128x128xf32, #tpu.memory_space<vmem>>
      %dma_wait3A_284 = tpu.memref_squeeze %dma_wait3A_283 : memref<1x128x128xf32, #tpu.memory_space<vmem>> -> memref<128x128xf32, #tpu.memory_space<vmem>>
      %dma_wait3A_285 = arith.constant 0 : i32
      %dma_wait3A_286 = arith.constant 0 : i32
      %dma_wait3A_287 = tpu.memref_slice %arg2[%dma_wait3A_276, %dma_wait3A_285, %dma_wait3A_277, %dma_wait3A_278, %dma_wait3A_279, %dma_wait3A_286] : memref<4x512x4x4x8x128xf32, #tpu.memory_space<hbm>> -> memref<1x128x1x1x1x128xf32, #tpu.memory_space<hbm>>
      %dma_wait3A_288 = tpu.memref_squeeze %dma_wait3A_287 : memref<1x128x1x1x1x128xf32, #tpu.memory_space<hbm>> -> memref<128x128xf32, #tpu.memory_space<hbm>>
      %dma_wait3A_289 = arith.constant 0 : i32
      %dma_wait3A_290 = arith.constant 0 : i32
      %dma_wait3A_291 = tpu.memref_slice %arg6[%dma_wait3A_280, %dma_wait3A_289, %dma_wait3A_290] : memref<2x128x129xf32, #tpu.memory_space<vmem>> -> memref<1x128x128xf32, #tpu.memory_space<vmem>>
      %dma_wait3A_292 = tpu.memref_squeeze %dma_wait3A_291 : memref<1x128x128xf32, #tpu.memory_space<vmem>> -> memref<128x128xf32, #tpu.memory_space<vmem>>
      %dma_wait3A_293 = arith.constant 0 : i32
      %dma_wait3A_294 = arith.constant 0 : i32
      %dma_wait3A_295 = tpu.memref_slice %arg2[%dma_wait3A_276, %dma_wait3A_293, %dma_wait3A_277, %dma_wait3A_278, %dma_wait3A_279, %dma_wait3A_294] : memref<4x512x4x4x8x128xf32, #tpu.memory_space<hbm>> -> memref<1x128x1x1x1x128xf32, #tpu.memory_space<hbm>>
      %dma_wait3A_296 = tpu.memref_squeeze %dma_wait3A_295 : memref<1x128x1x1x1x128xf32, #tpu.memory_space<hbm>> -> memref<128x128xf32, #tpu.memory_space<hbm>>
      tpu.wait_dma2 semaphore(%arg8 : memref<!tpu.dma_semaphore, #tpu.memory_space<semaphore_mem>>) src(%dma_wait3A_296 : memref<128x128xf32, #tpu.memory_space<hbm>>) dst(%dma_wait3A_292 : memref<128x128xf32, #tpu.memory_space<vmem>>)
    } else {
    }
    return
  }
}

</mosaic_0001>

<sc_bundles>
// kernel: kernel.3.cloned.1.call-start
scs
__scs_entry_jumppad:
0x0: {  	(pc) =	sbr.rel $0x88, $3  }
0x1: {  	(tag) =	ssettag $0x0;
	lr =	simm.s32 $0x1  }
0x2: {  	[smem:$0x3FA0] =	sst lr;
	_ =	strace $0xD0000000  }
0x3: {  	_ = 	snop  }
0x4: {  	_ = 	snop  }
0x5: {  	_ = 	snop  }
0x6: {  	_ = 	snop  }
0x7: {  	_ = 	snop  }
__scs_overlays_trampoline_lowered:
0x8: {  	[smem:$0x3FAF] =	sst s0  }
0x9: {  	[smem:$0x3FB0] =	sst s1  }
0xa: {  	[smem:$0x3FB1] =	sst s2  }
0xb: {  	[smem:$0x3FB2] =	sst s3  }
0xc: {  	[smem:$0x3FB3] =	sst s4  }
0xd: {  	[smem:$0x3FB4] =	sst s5  }
0xe: {  	[smem:$0x3FB5] =	sst s6  }
0xf: {  	[smem:$0x3FB6] =	sst s7  }
0x10: {  	[smem:$0x3FB7] =	sst s8  }
0x11: {  	[smem:$0x3FB8] =	sst s9;
	s0 =	simm.s32 @!p0 $0x0  }
0x12: {  	s1 =	sld [smem:$0x3F9E];
	s0 =	simm.s32 @p0 $0x1  }
0x13: {  	[smem:$0x3FB9] =	sst s0;
	s0 =	simm.s32 @!p1 $0x0  }
0x14: {  	s2 =	sld [smem:$0x3F9D];
	s0 =	simm.s32 @p1 $0x1  }
0x15: {  	[smem:$0x3FBA] =	sst s0;
	s0 =	simm.s32 @!p2 $0x0  }
0x16: {  	s3 =	sld [smem:$0x3FDB];
	s0 =	simm.s32 @p2 $0x1  }
0x17: {  	s4 =	simm.s32 $0x1BF5;
	[smem:$0x3FBC] =	sst s0  }
0x18: {  	s0 =	sld [smem:$0x3F9F];
	_ =	swait.ge [sflag:s4], $0x0  }
0x19: {  	s7 =	sld [smem:$0x3FA0]  }
0x1a: {  	s8 =	sadd.s32 $0xFFFFE003, lr  }
0x1b: {  	s9 =	sadd.s32 $0xFFFFFEF7, lr;
	s5 =	simm.s32 $0xFFFFFFFF;
	p2 =	slt.u32 s8, $0xFFFFF086  }
0x1c: {  	p1 =	slt.u32 s9, $0xF7A;
	s5 =	simm.s32 @!p2 $0x0  }
0x1d: {  	s5 =	simm.s32 @p1 $0x1;
	p0 =	seq.s32 s7, s2  }
0x1e: {  	s7 =	smul.u32 @!p0 $0xF7A, s2;
	p2 =	seq.s32 @!p0 s5, $0x0  }
0x1f: {  	s9 =	smul.u32 $0xF7A, s1;
	s8 =	simm.s32 @!p0 $0x1BF5;
	p2 =	por !p2, p0  }
0x20: {  	[sflag:s8] =	ssyncset.s32 @!p0 $0xFFFFF086;
	s6 =	sadd.s32 @!p0 s3, s7;
	s7 =	simm.s32 @!p0 $0x108  }
0x21: {  	s3 =	sadd.s32 s3, s9;
	s6 =	sadd.s32 @!p0 $0x88, s6;
	s7 =	simm.s32 @p2 $0x1082  }
0x22: {  	[simem:s7], [sflag:s8] =	dma.local @!p0 [hbm:s6], $0xF7A  }
0x23: {  	s9 =	sor.u32 $0xD0000000, s2;
	s6 =	simm.s32 $0x108;
	_ =	swait.ge @!p0 [sflag:s8], $0x0  }
0x24: {  	s3 =	sadd.s32 $0x88, s3;
	s6 =	simm.s32 @!p1 $0x1082;
	[sflag:s4] =	ssyncset.s32 $0xFFFFF086  }
0x25: {  	[simem:s6], [sflag:s4] =	dma.local [hbm:s3], $0xF7A  }
0x26: {  	[smem:$0x3FA0] =	sst s1;
	(tag) =	ssettag s2;
	_ =	strace s9  }
0x27: {  	s1 =	sld [smem:$0x3FB0]  }
0x28: {  	s2 =	sld [smem:$0x3FB1]  }
0x29: {  	s4 =	sld [smem:$0x3FB3]  }
0x2a: {  	p0 =	seq.s32 s5, $0x0;
	s5 =	sld [smem:$0x3FB4]  }
0x2b: {  	s6 =	sld [smem:$0x3FB5]  }
0x2c: {  	s7 =	sld [smem:$0x3FB6]  }
0x2d: {  	s3 =	simm.s32 $0x108;
	s8 =	sld [smem:$0x3FB7]  }
0x2e: {  	s3 =	simm.s32 @!p0 $0x1082;
	s9 =	sld [smem:$0x3FB8]  }
0x2f: {  	lr =	sadd.s32 s0, s3;
	s0 =	sld [smem:$0x3FAF]  }
0x30: {  	s3 =	sld [smem:$0x3FB2]  }
0x31: {  	[smem:$0x3FBB] =	sst s10  }
0x32: {  	s10 =	sld [smem:$0x3FB9];
	_ =	sdelay $0x3  }
0x33: {  	p0 =	seq.s32 s10, $0x1;
	s10 =	sld [smem:$0x3FBB];
	_ =	sdelay $0x3  }
0x34: {  	[smem:$0x3FBB] =	sst s10  }
0x35: {  	s10 =	sld [smem:$0x3FBA];
	_ =	sdelay $0x3  }
0x36: {  	p1 =	seq.s32 s10, $0x1;
	s10 =	sld [smem:$0x3FBB];
	_ =	sdelay $0x3  }
0x37: {  	[smem:$0x3FBB] =	sst s10  }
0x38: {  	s10 =	sld [smem:$0x3FBC]  }
0x39: {  	_ = 	snop;
	(pc) =	sbr.ind lr, $3  }
0x3a: {  	_ = 	snop  }
0x3b: {  	_ = 	snop  }
0x3c: {  	p2 =	seq.s32 s10, $0x1;
	s10 =	sld [smem:$0x3FBB]  }
0x3d: {  	_ =	shalt  }
0x3e: {  	_ =	shalt  }
0x3f: {  	_ =	shalt  }
0x40: {  	_ =	shalt  }
0x41: {  	_ =	shalt  }
0x42: {  	_ =	shalt  }
0x43: {  	_ =	shalt  }
0x44: {  	_ =	shalt  }
0x45: {  	_ =	shalt  }
0x46: {  	_ =	shalt  }
0x47: {  	_ =	shalt  }
0x48: {  	_ =	shalt  }
0x49: {  	_ =	shalt  }
0x4a: {  	_ =	shalt  }
0x4b: {  	_ =	shalt  }
0x4c: {  	_ =	shalt  }
0x4d: {  	_ =	shalt  }
0x4e: {  	_ =	shalt  }
0x4f: {  	_ =	shalt  }
0x50: {  	_ =	shalt  }
0x51: {  	_ =	shalt  }
0x52: {  	_ =	shalt  }
0x53: {  	_ =	shalt  }
0x54: {  	_ =	shalt  }
0x55: {  	_ =	shalt  }
0x56: {  	_ =	shalt  }
0x57: {  	_ =	shalt  }
0x58: {  	_ =	shalt  }
0x59: {  	_ =	shalt  }
0x5a: {  	_ =	shalt  }
0x5b: {  	_ =	shalt  }
0x5c: {  	_ =	shalt  }
0x5d: {  	_ =	shalt  }
0x5e: {  	_ =	shalt  }
0x5f: {  	_ =	shalt  }
0x60: {  	_ =	shalt  }
0x61: {  	_ =	shalt  }
0x62: {  	_ =	shalt  }
0x63: {  	_ =	shalt  }
0x64: {  	_ =	shalt  }
0x65: {  	_ =	shalt  }
0x66: {  	_ =	shalt  }
0x67: {  	_ =	shalt  }
0x68: {  	_ =	shalt  }
0x69: {  	_ =	shalt  }
0x6a: {  	_ =	shalt  }
0x6b: {  	_ =	shalt  }
0x6c: {  	_ =	shalt  }
0x6d: {  	_ =	shalt  }
0x6e: {  	_ =	shalt  }
0x6f: {  	_ =	shalt  }
0x70: {  	_ =	shalt  }
0x71: {  	_ =	shalt  }
0x72: {  	_ =	shalt  }
0x73: {  	_ =	shalt  }
0x74: {  	_ =	shalt  }
0x75: {  	_ =	shalt  }
0x76: {  	_ =	shalt  }
0x77: {  	_ =	shalt  }
0x78: {  	_ =	shalt  }
0x79: {  	_ =	shalt  }
0x7a: {  	_ =	shalt  }
0x7b: {  	_ =	shalt  }
0x7c: {  	_ =	shalt  }
0x7d: {  	_ =	shalt  }
0x7e: {  	_ =	shalt  }
0x7f: {  	_ =	shalt  }
0x80: {  	_ =	shalt  }
0x81: {  	_ =	shalt  }
0x82: {  	_ =	shalt  }
0x83: {  	_ =	shalt  }
0x84: {  	_ =	shalt  }
0x85: {  	_ =	shalt  }
0x86: {  	_ =	shalt  }
0x87: {  	_ =	shalt  }
.Lfunc_end0:
.L_simem_size_0:
called_computation_lowered:
.L_overlay_start_0:
0x88: {  	s2 =	sld [smem:$0x3FD9]  }
0x89: {  	s3 =	sld [smem:$0x3FFE];
	_ =	sdelay $0x1  }
0x8a: {  	s1 =	srdreg.scid  }
0x8b: {  	s0 =	sand.u32 $0x1, s1  }
0x8c: {  	s15 =	sshll.u32 s0, $0xA;
	s2 =	sadd.s32 s3, s2  }
0x8d: {  	s2 =	sadd.s32 s2, s15  }
0x8e: {  	[smem:$0x3FC7] =	sst s2  }
0x8f: {  	_ = 	snop  }
0x90: {  	s2 =	sld [smem:$0x3FD0];
	_ =	sdelay $0x2  }
0x91: {  	s4 =	simm.s32 $0xA;
	s5 =	simm.s32 $0x10;
	s16 =	sld [smem:$0x3FC9]  }
0x92: {  	[smem:s5], [sflag:s4] =	dma.local [hbm:s2], $0x1  }
0x93: {  	_ =	swait.eq [sflag:s4], $0x1  }
0x94: {  	[sflag:s4] =	ssyncset.done $0x0  }
0x95: {  	s17 =	sld [smem:$0x10];
	[sflag:s4] =	ssyncadd.s32 $0xFFFFFFFF  }
0x96: {  	s18 =	sld [smem:$0x11];
	(tm) =	ssettm $0x1  }
0x97: {  	s19 =	sld [smem:$0x3FFB];
	_ =	sdelay $0x3  }
0x98: {  	_ =	strace s19  }
0x99: {  	s5 =	sld [smem:$0x3FFC];
	_ =	sdelay $0x3  }
0x9a: {  	_ =	strace s5  }
0x9b: {  	s5 =	sld [smem:$0x3FFD];
	_ =	sdelay $0x3  }
0x9c: {  	_ =	strace s5  }
0x9d: {  	_ =	strace $0x8FFFFFFF  }
0x9e: {  	s20 =	sld [smem:$0x3FDB];
	_ =	sdelay $0x1  }
0x9f: {  	s6 =	simm.s32 $_scs_section_size  }
0xa0: {  	s7 =	simm.s32 $_size__tile_overlayer_lowered;
	s8 =	simm.s32 $_tile_overlayer_lowered  }
0xa1: {  	s23 =	simm.s32 $0x1BFF;
	s22 =	sshll.u32 s8, $0x1;
	s5 =	sadd.s32 s6, s20  }
0xa2: {  	s9 =	simm.s32 $0x0;
	s21 =	sshll.u32 s7, $0x1;
	s7 =	sadd.s32 s22, s5  }
0xa3: {  	[timem:s9], [sflag:s23] =	dma.local [hbm:s7], s21  }
0xa4: {  	_ =	swait.ge [sflag:s23], s21  }
0xa5: {  	s6 =	ssub.s32 $0x0, s21;
	[sflag:s23] =	ssyncset.done $0x0  }
0xa6: {  	[sflag:s23] =	ssyncadd.s32 s6;
	_ =	sdelay $0x1  }
0xa7: {  	s24 =	simm.s32 $0x1B8B  }
0xa8: {  	_ =	swait.ge [sflag:s24], $0x1  }
0xa9: {  	[sflag:s24] =	ssyncset.done $0x0  }
0xaa: {  	s25 =	simm.s32 $0x1B8E;
	[sflag:s24] =	ssyncadd.s32 $0xFFFFFFFF  }
0xab: {  	s26 =	simm.s32 $execute0_lowered;
	[smem:$0x3FD2] =	sst s25  }
0xac: {  	s6 =	sshll.u32 s26, $0x1;
	_ =	strace $0x80000046;
	[dreg:$0x1] =	wrdreg $0xFFFFFFFF  }
0xad: {  	s28 =	simm.s32 $_size_execute0_lowered;
	s5 =	sadd.s32 s5, s6;
	[dreg:$0x0] =	wrdreg $0x0  }
0xae: {  	s6 =	sshll.u32 s28, $0x1;
	[dreg:$0x2] =	wrdreg s5  }
0xaf: {  	[dreg:$0x3] =	wrdreg s6  }
0xb0: {  	[dreg:$0x4] =	wrdreg $0xC0  }
0xb1: {  	_ =	task [dreg:s9], $0x5FFFF  }
0xb2: {  	[dreg:$0x1] =	wrdreg $0xFFFFFFFF  }
0xb3: {  	[dreg:$0x0] =	wrdreg $0x60  }
0xb4: {  	[dreg:$0x2] =	wrdreg s16  }
0xb5: {  	[dreg:$0x3] =	wrdreg s17  }
0xb6: {  	[dreg:$0x4] =	wrdreg s18  }
0xb7: {  	[dreg:$0x5] =	wrdreg $0x9  }
0xb8: {  	_ =	task.clear_ibuf [dreg:s9], $0x6FFFF;
	_ =	strace $0x90000046  }
0xb9: {  	s29 =	simm.s32 $0x9;
	_ =	strace $0x80000048  }
0xba: {  	_ =	swait.ge [sflag:s29], $0x1  }
0xbb: {  	[sflag:s29] =	ssyncadd.s32 $0xFFFFFFFF  }
0xbc: {  	_ =	strace $0x90000048  }
0xbd: {  	_ =	sfence  }
0xbe: {  	s30 =	sld [smem:$0x0];
	_ =	sdelay $0x2  }
0xbf: {  	s31 =	sshll.u32 s1, $0xD;
	s1 =	sshrl.u32 s1, $0x2  }
0xc0: {  	s3 =	sand.u32 $0x4000, s31;
	s1 =	sadd.s32 s1, s30  }
0xc1: {  	s0 =	sor.u32 s3, s0;
	s1 =	sshll.u32 s1, $0x11  }
0xc2: {  	s0 =	sor.u32 s1, s0  }
0xc3: {  	s0 =	sadd.s32 $0x8F2B, s0  }
0xc4: {  	[sflag:s0] =	ssyncadd.remote.s32 $0x1  }
0xc5: {  	_ =	sfence.sel $0xFFFF  }
0xc6: {  	[dreg:$0x0] =	wrdreg $0xFFFFFFFF;
	(pc) =	sbr.abs _section_cstart, $3  }
0xc7: {  	[dreg:$0x1] =	wrdreg $0xFFFFFFFF  }
0xc8: {  	_ =	task.clear_ibuf [dreg:s9], $0x2FFFF;
	_ =	strace $0x9FFFFFFF  }
0xc9: {  	(tm) =	ssettm $0x7FFFFFFF  }
tec
execute0_lowered:
.L_overlay_start_1:
0x0: {  	(tag) =	ssettag $0x1  }
0x1: {  	s1 =	rddreg [dreg:$0x0]  }
0x2: {  	s2 =	rddreg [dreg:$0x1]  }
0x3: {  	s17 =	stileid.u32;
	s4 =	rddreg [dreg:$0x2]  }
0x4: {  	s0 =	srdreg.scid;
	s5 =	simm.s32 $0x0;
	s18 =	simm.s32 $0x1  }
0x5: {  	s19 =	simm.s32 $0x10000;
	s20 =	simm.s32 $0x2;
	s21 =	simm.s32 $0x8000  }
0x6: {  	s22 =	simm.s32 $0x14400;
	s23 =	simm.s32 $0x0;
	s3 =	sshll.u32 s17, $0x1  }
0x7: {  	s0 =	sand.u32 $0x1, s0;
	s6 =	sshrl.u32 s17, $0x1;
	[smem:$0x7FF] =	sst s5  }
0x8: {  	p0 =	sgt.u32 s17, $0x7;
	s3 =	sand.u32 $0x2, s3;
	s8 =	sand.u32 $0x3, s6  }
0x9: {  	v63 =	vlaneseq.u32;
	_ =	strace $0x80000047;
	s25 =	sshll.u32 s6, $0x17;
	s3 =	sor.u32 s0, s3  }
0xa: {  	v1 =	vmul.u32 $0x88, v63;
	v2 =	vor.u32 $0x10, v63;
	s7 =	sshll.u32 s8, $0x17;
	s0 =	ssub.s32 $0x2, s0;
	s9 =	sshll.u32 s3, $0xC  }
0xb: {  	v4 =	vor.u32 $0x20, v63;
	v6 =	vor.u32 $0x30, v63;
	v8 =	vor.u32 $0x40, v63;
	s16 =	sshll.u32 s6, $0x15;
	s11 =	sshrl.u32 s0, $0x1;
	s10 =	sor.u32 s7, s9  }
0xc: {  	v10 =	vor.u32 $0x50, v63;
	v22 =	vmul.u32 $0xFFFFFF01, v63;
	v12 =	vor.u32 $0x60, v63;
	s13 =	sshll.u32 s3, $0xB;
	s0 =	ssub.s32 s0, s11;
	s7 =	sshrl.u32 s10, $0x3  }
0xd: {  	v14 =	vor.u32 $0x70, v63;
	v24 =	vmul.u32 $0xFFFFFF00, v63;
	v23 =	vadd.s32 $0x71, v63;
	s11 =	sshll.u32 s8, $0x15;
	s0 =	smax.u32 s0, $0x1;
	s12 =	sadd.s32 s7, s1  }
.Ltmp0:
0xe: {  	v3 =	vadd.s32 $0x880, v1;
	v5 =	vadd.s32 $0x1100, v1;
	v7 =	vadd.s32 $0x1980, v1;
	[dreg:$0x8] =	wrdreg s0;
	s26 =	sadd.s32 $0x40000, s12;
	(pc) =	sbr.rel .LBB2_1-.Ltmp0, $4  }
0xf: {  	v9 =	vadd.s32 $0x2200, v1;
	v11 =	vadd.s32 $0x2A80, v1;
	v13 =	vadd.s32 $0x3300, v1;
	s7 =	sor.u32 s25, s9;
	s28 =	sadd.s32 $0x40080, s12;
	[dreg:$0x4] =	wrdreg s26  }
0x10: {  	v15 =	vadd.s32 $0x3B80, v1;
	v16 =	vadd.s32 $0x7F01, v22;
	v17 =	vadd.s32 $0x6F11, v22;
	s29 =	sadd.s32 $0x40010, s12;
	s30 =	sshrl.u32 s7, $0x3;
	[dreg:$0x5] =	wrdreg s28  }
0x11: {  	v18 =	vadd.s32 $0x5F21, v22;
	v19 =	vadd.s32 $0x4F31, v22;
	v20 =	vadd.s32 $0x3F41, v22;
	s31 =	sadd.s32 $0x40090, s12;
	[dreg:$0x6] =	wrdreg s29;
	s12 =	sadd.s32 s1, s30  }
0x12: {  	v21 =	vadd.s32 $0x2F51, v22;
	v22 =	vadd.s32 $0x1F61, v22;
	v24 =	vadd.s32 $0xF00, v24;
	[tilespmem:$0x1FFF0] =	vst v16;
	s14 =	sor.u32 $0x200000, s10;
	[dreg:$0x7] =	wrdreg s31;
	s15 =	sadd.s32 $0x10, s12  }
.LBB2_51:
0x13: {  	_ =	swait.ge [sflag:s20], $0x4000  }
0x14: {  	[sflag:s20] =	ssyncset.done $0x0  }
0x15: {  	[sflag:s20] =	ssyncadd.s32 $0xFFFFC000  }
0x16: {  	_ =	swait.ge [sflag:s20], $0x4000  }
0x17: {  	s23 =	sadd.s32 $0x1, s23;
	s0 =	rddreg [dreg:$0x8]  }
0x18: {  	p1 =	sne.s32 s23, s0  }
.Ltmp1:
0x19: {  	_ = 	snop;
	(pc) =	sbr.rel @!p1 .LBB2_52-.Ltmp1, $3  }
0x1a: {  	_ =	sdelay $0x1  }
0x1b: {  	[sflag:s20] =	ssyncset.done $0x0  }
0x1c: {  	[sflag:s20] =	ssyncadd.s32 $0xFFFFC000  }
.LBB2_1:
.Ltmp2:
0x1d: {  	(pc) =	sbr.rel @p0 .LBB2_24-.Ltmp2, $2  }
0x1e: {  	_ =	sdelay $0x2  }
0x1f: {  	s0 =	simm.s32 $0x400;
	s8 =	simm.s32 $0x0  }
0x20: {  	s3 =	sadd.s32 $0x800, s12;
	s6 =	smov.u32 s12  }
.LBB2_3:
0x21: {  	[tilespmem:s8], [sflag:$0x1] =	stream.linear.gather [hbm4b:s6+s5], $0x80, $0x38;
	[tilespmem:$0x18800] =	vst v63  }
0x22: {  	s8 =	smov.u32 s0;
	s6 =	smov.u32 s3;
	p1 =	sne.s32 s0, $0x1FC00  }
.Ltmp3:
0x23: {  	s0 =	sadd.s32 $0x400, s0;
	(pc) =	sbr.rel @p1 .LBB2_3-.Ltmp3, $2  }
0x24: {  	_ =	sdelay $0x2  }
0x25: {  	s3 =	sadd.s32 $0x800, s3;
	s8 =	sshra.s32 s8, $0x2  }
0x26: {  	[tilespmem:s8], [sflag:$0x1] =	stream.linear.gather [hbm4b:s6+s5], $0x80, $0x38;
	[tilespmem:$0x18800] =	vst v63  }
0x27: {  	s24 =	simm.s32 $0x0;
	s0 =	simm.s32 $0x8000  }
0x28: {  	[tilespmem:s0], [sflag:$0x1] =	stream.linear.gather [hbm4b:s15+s24], $0x80, $0x38;
	[tilespmem:$0x18800] =	vst v63  }
0x29: {  	s3 =	smov.u32 s15;
	s0 =	simm.s32 $0x400  }
.LBB2_5:
0x2a: {  	p1 =	sne.s32 s0, $0x1FC00  }
.Ltmp4:
0x2b: {  	_ = 	snop;
	(pc) =	sbr.rel @p1 .LBB2_5-.Ltmp4, $4  }
0x2c: {  	_ = 	snop  }
0x2d: {  	s6 =	sshra.s32 s0, $0x2;
	s0 =	sadd.s32 $0x400, s0  }
0x2e: {  	s3 =	sadd.s32 $0x800, s3;
	s6 =	sadd.s32 $0x8000, s6  }
0x2f: {  	[tilespmem:s6], [sflag:$0x1] =	stream.linear.gather [hbm4b:s3+s24], $0x80, $0x38;
	[tilespmem:$0x18800] =	vst v63  }
.Ltmp5:
0x30: {  	_ = 	snop;
	(pc) =	sbr.rel .LBB2_6-.Ltmp5, $1  }
0x31: {  	_ =	sdelay $0x3  }
.LBB2_23:
0x32: {  	s24 =	sadd.s32 $0x1, s24  }
.LBB2_6:
0x33: {  	s0 =	simm.s32 $0x1  }
0x34: {  	v25 =	vmov s0  }
0x35: {  	_ =	swait.ge [sflag:s18], $0x4000;
	s17 =	simm.s32 $0x2;
	v61 =	vshll.u32 v25, $0x8  }
0x36: {  	p1 =	seq.s32 s24, $0x0;
	s25 =	simm.s32 $0x3;
	[sflag:s18] =	ssyncset.done $0x0;
	v26 =	vmov s17;
	v27 =	vor.u32 v63, v61  }
0x37: {  	s3 =	simm.s32 @!p1 $0x2;
	v28 =	vmov s25;
	[sflag:s18] =	ssyncadd.s32 $0xFFFFC000;
	v35 =	vshll.u32 v26, $0x8  }
0x38: {  	v39 =	vshll.u32 v28, $0x8;
	_ =	swait.ge @!p1 [sflag:s3], $0x4000;
	v29 =	vor.u32 v63, v35  }
0x39: {  	v30 =	vor.u32 v63, v39;
	[sflag:s3] =	ssyncset.done @!p1 $0x0  }
0x3a: {  	s26 =	simm.s32 $0x0;
	v37 =	vand.u32 $0x7D, v25;
	[sflag:s3] =	ssyncadd.s32 @!p1 $0xFFFFC000  }
0x3b: {  	v25 =	vmov s26;
	v31 =	vadd.s32 v1, v37;
	v27 =	vld.idx.msk [tilespmem:v27+s5+$0x0], $0xffff  }
0x3c: {  	v41 =	vand.u32 $0x7E, v26;
	v40 =	vshll.u32 v25, $0x8;
	v26 =	vor.u32 v2, v61  }
0x3d: {  	v38 =	vand.u32 $0x7F, v28;
	v32 =	vor.u32 v63, v40;
	v28 =	vld.idx.msk [tilespmem:v29+s5+$0x0], $0xffff;
	v29 =	vadd.s32 v1, v41  }
0x3e: {  	v33 =	vor.u32 v2, v35;
	v34 =	vadd.s32 v1, v38;
	v30 =	vld.idx.msk [tilespmem:v30+s5+$0x0], $0xffff  }
0x3f: {  	v42 =	vor.u32 v2, v39  }
0x40: {  	[tilespmem:v31+s19+$0x0] =	vst.idx.msk $0xffff, v27  }
0x41: {  	v43 =	vand.u32 $0x7C, v25;
	v25 =	vld.idx.msk [tilespmem:v26+s5+$0x0], $0xffff;
	v26 =	vadd.s32 v3, v37  }
0x42: {  	v27 =	vld.idx.msk [tilespmem:v32+s5+$0x0], $0xffff;
	v31 =	vadd.s32 v1, v43;
	[tilespmem:v29+s19+$0x0] =	vst.idx.msk $0xffff, v28;
	v28 =	vor.u32 v4, v61  }
0x43: {  	v52 =	vadd.s32 v3, v41;
	v29 =	vor.u32 v2, v40;
	[tilespmem:v34+s19+$0x0] =	vst.idx.msk $0xffff, v30;
	v51 =	vld.idx.msk [tilespmem:v33+s5+$0x0], $0xffff  }
0x44: {  	v53 =	vadd.s32 v3, v38;
	v30 =	vor.u32 v4, v35;
	v34 =	vld.idx.msk [tilespmem:v42+s5+$0x0], $0xffff  }
0x45: {  	v44 =	vor.u32 v4, v39  }
0x46: {  	[tilespmem:v26+s19+$0x0] =	vst.idx.msk $0xffff, v25  }
0x47: {  	[tilespmem:v31+s19+$0x0] =	vst.idx.msk $0xffff, v27;
	v26 =	vadd.s32 v5, v37;
	v25 =	vld.idx.msk [tilespmem:v28+s5+$0x0], $0xffff  }
0x48: {  	v27 =	vld.idx.msk [tilespmem:v29+s5+$0x0], $0xffff;
	[tilespmem:v52+s19+$0x0] =	vst.idx.msk $0xffff, v51;
	v29 =	vor.u32 v6, v61;
	v28 =	vadd.s32 v3, v43  }
0x49: {  	v54 =	vadd.s32 v5, v41;
	v31 =	vor.u32 v4, v40;
	[tilespmem:v53+s19+$0x0] =	vst.idx.msk $0xffff, v34;
	v30 =	vld.idx.msk [tilespmem:v30+s5+$0x0], $0xffff  }
0x4a: {  	v55 =	vor.u32 v6, v35;
	v56 =	vadd.s32 v5, v38;
	v34 =	vld.idx.msk [tilespmem:v44+s5+$0x0], $0xffff  }
0x4b: {  	v57 =	vor.u32 v6, v39  }
0x4c: {  	[tilespmem:v26+s19+$0x0] =	vst.idx.msk $0xffff, v25  }
0x4d: {  	[tilespmem:v28+s19+$0x0] =	vst.idx.msk $0xffff, v27;
	v28 =	vadd.s32 v7, v37;
	v27 =	vld.idx.msk [tilespmem:v29+s5+$0x0], $0xffff  }
0x4e: {  	v25 =	vadd.s32 v5, v43;
	[tilespmem:v54+s19+$0x0] =	vst.idx.msk $0xffff, v30;
	v30 =	vor.u32 v8, v61;
	v29 =	vld.idx.msk [tilespmem:v31+s5+$0x0], $0xffff  }
0x4f: {  	s28 =	simm.s32 $0x4;
	v58 =	vadd.s32 v7, v41;
	[tilespmem:v56+s19+$0x0] =	vst.idx.msk $0xffff, v34;
	v31 =	vor.u32 v6, v40;
	v32 =	vld.idx.msk [tilespmem:v55+s5+$0x0], $0xffff  }
0x50: {  	s29 =	simm.s32 $0x5;
	v47 =	vmov s28;
	v45 =	vadd.s32 v7, v38;
	v59 =	vor.u32 v8, v35;
	v44 =	vld.idx.msk [tilespmem:v57+s5+$0x0], $0xffff  }
0x51: {  	v49 =	vmov s29;
	v48 =	vor.u32 v8, v39;
	v26 =	vshll.u32 v47, $0x8  }
0x52: {  	s30 =	simm.s32 $0x6;
	v46 =	vor.u32 v10, v61;
	v51 =	vor.u32 v63, v26;
	[tilespmem:v28+s19+$0x0] =	vst.idx.msk $0xffff, v27;
	v27 =	vshll.u32 v49, $0x8  }
0x53: {  	v50 =	vadd.s32 v9, v37;
	[tilespmem:v25+s19+$0x0] =	vst.idx.msk $0xffff, v29;
	v29 =	vmov s30;
	v60 =	vld.idx.msk [tilespmem:v30+s5+$0x0], $0xffff;
	v52 =	vor.u32 v63, v27  }
0x54: {  	v36 =	vor.u32 v10, v39;
	[tilespmem:v58+s19+$0x0] =	vst.idx.msk $0xffff, v32;
	v53 =	vld.idx.msk [tilespmem:v31+s5+$0x0], $0xffff;
	v31 =	vshll.u32 v29, $0x8  }
0x55: {  	v42 =	vadd.s32 v9, v41;
	[tilespmem:v45+s19+$0x0] =	vst.idx.msk $0xffff, v44;
	v34 =	vld.idx.msk [tilespmem:v59+s5+$0x0], $0xffff;
	v62 =	vor.u32 v63, v31  }
0x56: {  	s31 =	simm.s32 $0x7;
	v55 =	vadd.s32 v9, v38;
	v25 =	vand.u32 $0x7C, v47;
	v45 =	vor.u32 v10, v35;
	v48 =	vld.idx.msk [tilespmem:v48+s5+$0x0], $0xffff  }
0x57: {  	v0 =	vor.u32 v12, v40;
	v51 =	vld.idx.msk [tilespmem:v51+s5+$0x0], $0xffff;
	v30 =	vmov s31;
	v56 =	vadd.s32 v1, v25  }
0x58: {  	v57 =	vor.u32 v2, v26;
	v32 =	vshll.u32 v30, $0x8;
	v52 =	vld.idx.msk [tilespmem:v52+s5+$0x0], $0xffff;
	[tilespmem:v50+s19+$0x0] =	vst.idx.msk $0xffff, v60  }
0x59: {  	v28 =	vand.u32 $0x7D, v49;
	v44 =	vadd.s32 v7, v43;
	v54 =	vor.u32 v63, v32;
	v46 =	vld.idx.msk [tilespmem:v46+s5+$0x0], $0xffff  }
0x5a: {  	v58 =	vadd.s32 v1, v28;
	v59 =	vor.u32 v2, v27;
	[tilespmem:v42+s19+$0x0] =	vst.idx.msk $0xffff, v34;
	v49 =	vld.idx.msk [tilespmem:v62+s5+$0x0], $0xffff  }
0x5b: {  	v29 =	vand.u32 $0x7E, v29;
	v30 =	vand.u32 $0x7F, v30;
	v60 =	vadd.s32 v11, v37;
	[tilespmem:v55+s19+$0x0] =	vst.idx.msk $0xffff, v48;
	v42 =	vld.idx.msk [tilespmem:v45+s5+$0x0], $0xffff  }
0x5c: {  	v50 =	vor.u32 v8, v40;
	v34 =	vadd.s32 v1, v29;
	[tilespmem:v56+s19+$0x0] =	vst.idx.msk $0xffff, v51;
	v47 =	vld.idx.msk [tilespmem:v36+s5+$0x0], $0xffff  }
0x5d: {  	v33 =	vadd.s32 v7, v30;
	v45 =	vor.u32 v2, v31;
	v55 =	vld.idx.msk [tilespmem:v57+s5+$0x0], $0xffff;
	v57 =	vadd.s32 v3, v25  }
0x5e: {  	[tilespmem:v44+s19+$0x0] =	vst.idx.msk $0xffff, v53;
	v36 =	vor.u32 v12, v61;
	v53 =	vld.idx.msk [tilespmem:v54+s5+$0x0], $0xffff;
	v54 =	vadd.s32 v11, v41  }
0x5f: {  	v48 =	vadd.s32 v1, v30;
	v51 =	vor.u32 v12, v35;
	[tilespmem:v58+s19+$0x0] =	vst.idx.msk $0xffff, v52  }
0x60: {  	v62 =	vadd.s32 v11, v38;
	v52 =	vor.u32 v2, v32;
	v58 =	vld.idx.msk [tilespmem:v59+s5+$0x0], $0xffff;
	[tilespmem:v60+s19+$0x0] =	vst.idx.msk $0xffff, v46  }
0x61: {  	v59 =	vor.u32 v4, v26;
	v60 =	vadd.s32 v3, v28;
	[tilespmem:v34+s19+$0x0] =	vst.idx.msk $0xffff, v49;
	v49 =	vld.idx.msk [tilespmem:v50+s5+$0x0], $0xffff  }
0x62: {  	v56 =	vadd.s32 v9, v43;
	v50 =	vor.u32 v4, v27;
	[tilespmem:v57+s19+$0x0] =	vst.idx.msk $0xffff, v55;
	v45 =	vld.idx.msk [tilespmem:v45+s5+$0x0], $0xffff  }
0x63: {  	v44 =	vor.u32 v10, v40;
	[tilespmem:v54+s19+$0x0] =	vst.idx.msk $0xffff, v42;
	v54 =	vadd.s32 v3, v29;
	v42 =	vld.idx.msk [tilespmem:v36+s5+$0x0], $0xffff  }
0x64: {  	v63 =	vadd.s32 v5, v28;
	[tilespmem:v48+s19+$0x0] =	vst.idx.msk $0xffff, v53;
	v36 =	vor.u32 v12, v39;
	v51 =	vld.idx.msk [tilespmem:v51+s5+$0x0], $0xffff  }
0x65: {  	v55 =	vadd.s32 v3, v30;
	[tilespmem:v62+s19+$0x0] =	vst.idx.msk $0xffff, v47;
	v53 =	vor.u32 v4, v31;
	v52 =	vld.idx.msk [tilespmem:v52+s5+$0x0], $0xffff  }
0x66: {  	v57 =	vld.idx.msk [tilespmem:v59+s5+$0x0], $0xffff;
	[tilespmem:v60+s19+$0x0] =	vst.idx.msk $0xffff, v58;
	v58 =	vor.u32 v4, v32;
	v59 =	vadd.s32 v13, v41  }
0x67: {  	v60 =	vadd.s32 v5, v25;
	[tilespmem:v56+s19+$0x0] =	vst.idx.msk $0xffff, v49;
	v49 =	vor.u32 v14, v35;
	v50 =	vld.idx.msk [tilespmem:v50+s5+$0x0], $0xffff  }
0x68: {  	v34 =	vadd.s32 v15, v43;
	v56 =	vor.u32 v6, v26;
	[tilespmem:v54+s19+$0x0] =	vst.idx.msk $0xffff, v45;
	v45 =	vld.idx.msk [tilespmem:v44+s5+$0x0], $0xffff  }
0x69: {  	v47 =	vadd.s32 v5, v29;
	v48 =	vadd.s32 v11, v43;
	v54 =	vor.u32 v6, v27;
	v62 =	vld.idx.msk [tilespmem:v36+s5+$0x0], $0xffff  }
0x6a: {  	v46 =	vor.u32 v14, v40;
	v43 =	vadd.s32 v13, v43;
	v53 =	vld.idx.msk [tilespmem:v53+s5+$0x0], $0xffff;
	[tilespmem:v55+s19+$0x0] =	vst.idx.msk $0xffff, v52  }
0x6b: {  	v36 =	vor.u32 v6, v31;
	v58 =	vld.idx.msk [tilespmem:v58+s5+$0x0], $0xffff;
	[tilespmem:v59+s19+$0x0] =	vst.idx.msk $0xffff, v51;
	v51 =	vadd.s32 v13, v38  }
0x6c: {  	v39 =	vor.u32 v14, v39;
	[tilespmem:v60+s19+$0x0] =	vst.idx.msk $0xffff, v57;
	v59 =	vadd.s32 v5, v30;
	v60 =	vld.idx.msk [tilespmem:v49+s5+$0x0], $0xffff  }
0x6d: {  	v44 =	vld.idx.msk [tilespmem:v56+s5+$0x0], $0xffff;
	[tilespmem:v63+s19+$0x0] =	vst.idx.msk $0xffff, v50;
	v56 =	vor.u32 v6, v32;
	v63 =	vadd.s32 v15, v41  }
0x6e: {  	v35 =	vadd.s32 v15, v37;
	v37 =	vadd.s32 v13, v37;
	[tilespmem:v48+s19+$0x0] =	vst.idx.msk $0xffff, v45;
	v52 =	vld.idx.msk [tilespmem:v54+s5+$0x0], $0xffff  }
0x6f: {  	v55 =	vadd.s32 v7, v28;
	v57 =	vadd.s32 v7, v29;
	[tilespmem:v47+s19+$0x0] =	vst.idx.msk $0xffff, v53;
	v49 =	vld.idx.msk [tilespmem:v0+s5+$0x0], $0xffff  }
0x70: {  	v41 =	vor.u32 v14, v61;
	v48 =	vor.u32 v10, v27;
	v54 =	vld.idx.msk [tilespmem:v36+s5+$0x0], $0xffff;
	[tilespmem:v51+s19+$0x0] =	vst.idx.msk $0xffff, v62  }
0x71: {  	v53 =	vor.u32 v8, v27;
	v47 =	vadd.s32 v15, v38;
	[tilespmem:v59+s19+$0x0] =	vst.idx.msk $0xffff, v58;
	v50 =	vld.idx.msk [tilespmem:v39+s5+$0x0], $0xffff  }
0x72: {  	v16 =	vlaneseq.u32;
	s25 =	sshll.u32 s24, $0x1;
	s0 =	simm.s32 $0x8;
	v58 =	vor.u32 v8, v31;
	v51 =	vadd.s32 v9, v29;
	v56 =	vld.idx.msk [tilespmem:v56+s5+$0x0], $0xffff;
	[tilespmem:v63+s19+$0x0] =	vst.idx.msk $0xffff, v60  }
.LBB2_7:
0x73: {  	v0 =	vmov s0;
	s3 =	sadd.s32 $0x1, s0;
	v59 =	vadd.s32 v9, v28;
	v60 =	vor.u32 v8, v32;
	[tilespmem:v37+s19+$0x0] =	vst.idx.msk $0xffff, v42;
	v37 =	vmovc v26  }
0x74: {  	p2 =	slt.u32 s0, $0x7C;
	v45 =	vmovc v25;
	v36 =	vmovc v27;
	v61 =	vmov v31;
	v38 =	vmov v28;
	v40 =	vmov v32;
	s6 =	smov.u32 s0;
	s0 =	sadd.s32 $0x4, s0  }
0x75: {  	v39 =	vmovc v30;
	v26 =	vshll.u32 v0, $0x8;
	v25 =	vand.u32 $0x7C, v0;
	v28 =	vmov s3;
	s3 =	sadd.s32 $0x2, s6;
	[tilespmem:v55+s19+$0x0] =	vst.idx.msk $0xffff, v52;
	v42 =	vld.idx.msk [tilespmem:v41+s5+$0x0], $0xffff;
	v41 =	vmovc v29  }
0x76: {  	v52 =	vor.u32 v16, v26;
	v27 =	vshll.u32 v28, $0x8;
	v29 =	vmov s3;
	s3 =	sadd.s32 $0x3, s6;
	v53 =	vld.idx.msk [tilespmem:v53+s5+$0x0], $0xffff;
	[tilespmem:v43+s19+$0x0] =	vst.idx.msk $0xffff, v49  }
0x77: {  	v43 =	vor.u32 v16, v27;
	v31 =	vshll.u32 v29, $0x8;
	v30 =	vmov s3;
	[tilespmem:v57+s19+$0x0] =	vst.idx.msk $0xffff, v54;
	v46 =	vld.idx.msk [tilespmem:v46+s5+$0x0], $0xffff  }
0x78: {  	v28 =	vand.u32 $0x7D, v28;
	v49 =	vor.u32 v16, v31;
	v32 =	vshll.u32 v30, $0x8;
	v54 =	vld.idx.msk [tilespmem:v58+s5+$0x0], $0xffff;
	[tilespmem:v47+s19+$0x0] =	vst.idx.msk $0xffff, v50  }
0x79: {  	v29 =	vand.u32 $0x7E, v29;
	v30 =	vand.u32 $0x7F, v30;
	v47 =	vor.u32 v16, v32;
	[tilespmem:v33+s19+$0x0] =	vst.idx.msk $0xffff, v56  }
0x7a: {  	v55 =	vor.u32 v10, v61;
	v50 =	vadd.s32 v7, v45;
	v33 =	vadd.s32 v7, v30;
	v56 =	vld.idx.msk [tilespmem:v60+s5+$0x0], $0xffff  }
0x7b: {  	v57 =	vor.u32 v8, v37;
	v58 =	vadd.s32 v9, v39;
	v52 =	vld.idx.msk [tilespmem:v52+s5+$0x0], $0xffff;
	[tilespmem:v35+s19+$0x0] =	vst.idx.msk $0xffff, v42  }
0x7c: {  	v35 =	vadd.s32 v1, v25;
	v42 =	vld.idx.msk [tilespmem:v43+s5+$0x0], $0xffff;
	[tilespmem:v59+s19+$0x0] =	vst.idx.msk $0xffff, v53;
	v43 =	vor.u32 v10, v40  }
0x7d: {  	v53 =	vor.u32 v2, v26;
	v59 =	vadd.s32 v1, v28;
	v48 =	vld.idx.msk [tilespmem:v48+s5+$0x0], $0xffff;
	[tilespmem:v34+s19+$0x0] =	vst.idx.msk $0xffff, v46  }
0x7e: {  	v34 =	vor.u32 v2, v27;
	v46 =	vld.idx.msk [tilespmem:v49+s5+$0x0], $0xffff;
	v49 =	vadd.s32 v11, v38;
	[tilespmem:v51+s19+$0x0] =	vst.idx.msk $0xffff, v54  }
0x7f: {  	v51 =	vadd.s32 v1, v29;
	[tilespmem:v50+s19+$0x0] =	vst.idx.msk $0xffff, v44;
	v44 =	vor.u32 v10, v37;
	v50 =	vld.idx.msk [tilespmem:v55+s5+$0x0], $0xffff  }
0x80: {  	v54 =	vor.u32 v2, v31;
	v55 =	vadd.s32 v11, v41;
	v47 =	vld.idx.msk [tilespmem:v47+s5+$0x0], $0xffff;
	[tilespmem:v58+s19+$0x0] =	vst.idx.msk $0xffff, v56  }
0x81: {  	[tilespmem:v35+s19+$0x0] =	vst.idx.msk $0xffff, v52;
	v35 =	vadd.s32 v1, v30;
	v52 =	vor.u32 v12, v61;
	v43 =	vld.idx.msk [tilespmem:v43+s5+$0x0], $0xffff  }
0x82: {  	v56 =	vadd.s32 v9, v45;
	v53 =	vld.idx.msk [tilespmem:v53+s5+$0x0], $0xffff;
	[tilespmem:v59+s19+$0x0] =	vst.idx.msk $0xffff, v42;
	v42 =	vor.u32 v2, v32  }
0x83: {  	v58 =	vadd.s32 v3, v25;
	v59 =	vld.idx.msk [tilespmem:v34+s5+$0x0], $0xffff;
	[tilespmem:v49+s19+$0x0] =	vst.idx.msk $0xffff, v48;
	v48 =	vor.u32 v12, v36  }
0x84: {  	v60 =	vadd.s32 v3, v28;
	v49 =	vor.u32 v4, v26;
	[tilespmem:v51+s19+$0x0] =	vst.idx.msk $0xffff, v46;
	v46 =	vld.idx.msk [tilespmem:v57+s5+$0x0], $0xffff  }
0x85: {  	v34 =	vadd.s32 v15, v45;
	v51 =	vor.u32 v4, v27;
	v54 =	vld.idx.msk [tilespmem:v54+s5+$0x0], $0xffff;
	[tilespmem:v55+s19+$0x0] =	vst.idx.msk $0xffff, v50  }
0x86: {  	v50 =	vadd.s32 v3, v29;
	[tilespmem:v35+s19+$0x0] =	vst.idx.msk $0xffff, v47;
	v47 =	vor.u32 v12, v37;
	v52 =	vld.idx.msk [tilespmem:v52+s5+$0x0], $0xffff  }
0x87: {  	v62 =	vadd.s32 v11, v39;
	v57 =	vadd.s32 v11, v45;
	v35 =	vor.u32 v4, v31;
	v55 =	vld.idx.msk [tilespmem:v42+s5+$0x0], $0xffff  }
0x88: {  	[tilespmem:v58+s19+$0x0] =	vst.idx.msk $0xffff, v53;
	v53 =	vadd.s32 v3, v30;
	v42 =	vld.idx.msk [tilespmem:v48+s5+$0x0], $0xffff;
	v48 =	vor.u32 v12, v40  }
0x89: {  	v58 =	vor.u32 v4, v32;
	v49 =	vld.idx.msk [tilespmem:v49+s5+$0x0], $0xffff;
	[tilespmem:v60+s19+$0x0] =	vst.idx.msk $0xffff, v59;
	v59 =	vadd.s32 v13, v41  }
0x8a: {  	v60 =	vadd.s32 v5, v25;
	v51 =	vld.idx.msk [tilespmem:v51+s5+$0x0], $0xffff;
	[tilespmem:v56+s19+$0x0] =	vst.idx.msk $0xffff, v46;
	v46 =	vor.u32 v14, v61  }
0x8b: {  	v56 =	vor.u32 v6, v26;
	v61 =	vadd.s32 v5, v28;
	[tilespmem:v50+s19+$0x0] =	vst.idx.msk $0xffff, v54;
	v50 =	vld.idx.msk [tilespmem:v44+s5+$0x0], $0xffff  }
0x8c: {  	v54 =	vor.u32 v6, v27;
	v63 =	vld.idx.msk [tilespmem:v35+s5+$0x0], $0xffff;
	v35 =	vadd.s32 v15, v38;
	[tilespmem:v62+s19+$0x0] =	vst.idx.msk $0xffff, v43  }
0x8d: {  	v62 =	vadd.s32 v5, v29;
	v43 =	vadd.s32 v13, v45;
	[tilespmem:v53+s19+$0x0] =	vst.idx.msk $0xffff, v55;
	v45 =	vld.idx.msk [tilespmem:v48+s5+$0x0], $0xffff  }
0x8e: {  	v48 =	vor.u32 v6, v31;
	v58 =	vld.idx.msk [tilespmem:v58+s5+$0x0], $0xffff;
	[tilespmem:v59+s19+$0x0] =	vst.idx.msk $0xffff, v52;
	v59 =	vadd.s32 v13, v39  }
0x8f: {  	v40 =	vor.u32 v14, v40;
	[tilespmem:v60+s19+$0x0] =	vst.idx.msk $0xffff, v49;
	v60 =	vadd.s32 v5, v30;
	v0 =	vld.idx.msk [tilespmem:v46+s5+$0x0], $0xffff  }
0x90: {  	v44 =	vld.idx.msk [tilespmem:v56+s5+$0x0], $0xffff;
	[tilespmem:v61+s19+$0x0] =	vst.idx.msk $0xffff, v51;
	v56 =	vor.u32 v6, v32;
	v61 =	vadd.s32 v15, v41  }
.Ltmp6:
0x91: {  	v46 =	vor.u32 v14, v37;
	v37 =	vadd.s32 v13, v38;
	v52 =	vld.idx.msk [tilespmem:v54+s5+$0x0], $0xffff;
	[tilespmem:v57+s19+$0x0] =	vst.idx.msk $0xffff, v50;
	(pc) =	sbr.rel @p2 .LBB2_7-.Ltmp6, $4  }
0x92: {  	v55 =	vadd.s32 v7, v28;
	v41 =	vor.u32 v14, v36;
	[tilespmem:v62+s19+$0x0] =	vst.idx.msk $0xffff, v63;
	v49 =	vld.idx.msk [tilespmem:v47+s5+$0x0], $0xffff  }
0x93: {  	v53 =	vor.u32 v8, v27;
	v47 =	vadd.s32 v15, v39;
	v54 =	vld.idx.msk [tilespmem:v48+s5+$0x0], $0xffff;
	[tilespmem:v59+s19+$0x0] =	vst.idx.msk $0xffff, v45  }
0x94: {  	v57 =	vadd.s32 v7, v29;
	v48 =	vor.u32 v10, v27;
	[tilespmem:v60+s19+$0x0] =	vst.idx.msk $0xffff, v58;
	v50 =	vld.idx.msk [tilespmem:v40+s5+$0x0], $0xffff  }
0x95: {  	v51 =	vadd.s32 v9, v29;
	v58 =	vor.u32 v8, v31;
	v56 =	vld.idx.msk [tilespmem:v56+s5+$0x0], $0xffff;
	[tilespmem:v61+s19+$0x0] =	vst.idx.msk $0xffff, v0  }
0x96: {  	_ =	sdelay $0x1  }
0x97: {  	v0 =	vor.u32 v8, v32;
	v36 =	vadd.s32 v7, v25  }
0x98: {  	v38 =	vor.u32 v8, v26  }
0x99: {  	[tilespmem:v57+s19+$0x0] =	vst.idx.msk $0xffff, v54  }
0x9a: {  	[tilespmem:v55+s19+$0x0] =	vst.idx.msk $0xffff, v52;
	v39 =	vld.idx.msk [tilespmem:v58+s5+$0x0], $0xffff  }
0x9b: {  	v61 =	vor.u32 v10, v31;
	v45 =	vadd.s32 v9, v28;
	v52 =	vld.idx.msk [tilespmem:v53+s5+$0x0], $0xffff;
	[tilespmem:v33+s19+$0x0] =	vst.idx.msk $0xffff, v56  }
0x9c: {  	v40 =	vadd.s32 v9, v30;
	v0 =	vld.idx.msk [tilespmem:v0+s5+$0x0], $0xffff;
	[tilespmem:v36+s19+$0x0] =	vst.idx.msk $0xffff, v44  }
0x9d: {  	v62 =	vor.u32 v10, v32;
	v63 =	vadd.s32 v9, v25;
	v38 =	vld.idx.msk [tilespmem:v38+s5+$0x0], $0xffff  }
0x9e: {  	v56 =	vor.u32 v10, v26  }
0x9f: {  	[tilespmem:v51+s19+$0x0] =	vst.idx.msk $0xffff, v39  }
0xa0: {  	v57 =	vadd.s32 v11, v29;
	[tilespmem:v45+s19+$0x0] =	vst.idx.msk $0xffff, v52;
	v33 =	vld.idx.msk [tilespmem:v61+s5+$0x0], $0xffff  }
0xa1: {  	v59 =	vadd.s32 v11, v28;
	v48 =	vld.idx.msk [tilespmem:v48+s5+$0x0], $0xffff;
	[tilespmem:v40+s19+$0x0] =	vst.idx.msk $0xffff, v0;
	v0 =	vor.u32 v12, v31  }
0xa2: {  	v58 =	vadd.s32 v11, v30;
	v61 =	vor.u32 v12, v27;
	v40 =	vld.idx.msk [tilespmem:v62+s5+$0x0], $0xffff;
	[tilespmem:v63+s19+$0x0] =	vst.idx.msk $0xffff, v38  }
0xa3: {  	v60 =	vor.u32 v12, v32;
	v62 =	vadd.s32 v11, v25;
	v44 =	vld.idx.msk [tilespmem:v56+s5+$0x0], $0xffff  }
0xa4: {  	[tilespmem:v37+s19+$0x0] =	vst.idx.msk $0xffff, v42;
	v63 =	vor.u32 v12, v26  }
0xa5: {  	[tilespmem:v57+s19+$0x0] =	vst.idx.msk $0xffff, v33  }
0xa6: {  	v53 =	vadd.s32 v13, v29;
	[tilespmem:v59+s19+$0x0] =	vst.idx.msk $0xffff, v48;
	v0 =	vld.idx.msk [tilespmem:v0+s5+$0x0], $0xffff  }
0xa7: {  	v54 =	vor.u32 v14, v31;
	v36 =	vld.idx.msk [tilespmem:v61+s5+$0x0], $0xffff;
	[tilespmem:v58+s19+$0x0] =	vst.idx.msk $0xffff, v40;
	v58 =	vadd.s32 v13, v28  }
0xa8: {  	v27 =	vor.u32 v14, v27;
	v56 =	vadd.s32 v13, v30;
	v55 =	vld.idx.msk [tilespmem:v60+s5+$0x0], $0xffff;
	[tilespmem:v62+s19+$0x0] =	vst.idx.msk $0xffff, v44  }
0xa9: {  	[tilespmem:v43+s19+$0x0] =	vst.idx.msk $0xffff, v49;
	v59 =	vadd.s32 v13, v25;
	v57 =	vor.u32 v14, v32;
	v37 =	vld.idx.msk [tilespmem:v63+s5+$0x0], $0xffff  }
0xaa: {  	v41 =	vld.idx.msk [tilespmem:v41+s5+$0x0], $0xffff;
	[tilespmem:v47+s19+$0x0] =	vst.idx.msk $0xffff, v50;
	v26 =	vor.u32 v14, v26  }
0xab: {  	v43 =	vld.idx.msk [tilespmem:v46+s5+$0x0], $0xffff;
	[tilespmem:v53+s19+$0x0] =	vst.idx.msk $0xffff, v0  }
0xac: {  	v60 =	vadd.s32 v15, v29;
	v0 =	vld.idx.msk [tilespmem:v54+s5+$0x0], $0xffff;
	[tilespmem:v58+s19+$0x0] =	vst.idx.msk $0xffff, v36  }
0xad: {  	v63 =	vadd.s32 v15, v28;
	[tilespmem:v56+s19+$0x0] =	vst.idx.msk $0xffff, v55;
	v27 =	vld.idx.msk [tilespmem:v27+s5+$0x0], $0xffff  }
0xae: {  	s0 =	sshll.u32 s24, $0x8;
	s3 =	sshll.u32 s24, $0x11;
	v61 =	vadd.s32 v15, v30;
	v62 =	vld.idx.msk [tilespmem:v57+s5+$0x0], $0xffff;
	[tilespmem:v59+s19+$0x0] =	vst.idx.msk $0xffff, v37  }
0xaf: {  	s6 =	sand.u32 $0x300, s0;
	s3 =	sand.u32 $0x100000, s3;
	s0 =	sand.u32 $0x400, s0;
	[tilespmem:v35+s19+$0x0] =	vst.idx.msk $0xffff, v41;
	v25 =	vadd.s32 v15, v25;
	v26 =	vld.idx.msk [tilespmem:v26+s5+$0x0], $0xffff  }
0xb0: {  	s0 =	sor.u32 s0, s3;
	s30 =	sor.u32 s6, s16;
	[tilespmem:v34+s19+$0x0] =	vst.idx.msk $0xffff, v43  }
0xb1: {  	s0 =	sor.u32 s0, s30;
	[tilespmem:v60+s19+$0x0] =	vst.idx.msk $0xffff, v0  }
0xb2: {  	s0 =	sor.u32 s13, s0;
	[tilespmem:v63+s19+$0x0] =	vst.idx.msk $0xffff, v27  }
0xb3: {  	s26 =	sshrl.u32 s0, $0x3;
	[tilespmem:v61+s19+$0x0] =	vst.idx.msk $0xffff, v62  }
0xb4: {  	s31 =	simm.s32 $0x10000;
	s3 =	simm.s32 $0x220;
	s0 =	sadd.s32 s2, s26;
	[tilespmem:v25+s19+$0x0] =	vst.idx.msk $0xffff, v26  }
0xb5: {  	[hbm4b:s0+s5] =	stream.linear.scatter [tilespmem:s31], [sflag:$0x2], $0x80, $0x38;
	[tilespmem:$0x18800] =	vst v63  }
.LBB2_9:
0xb6: {  	p2 =	sne.s32 s3, $0x10DE0  }
.Ltmp7:
0xb7: {  	_ = 	snop;
	(pc) =	sbr.rel @p2 .LBB2_9-.Ltmp7, $4  }
0xb8: {  	_ = 	snop  }
0xb9: {  	s6 =	sshra.s32 s3, $0x2;
	s3 =	sadd.s32 $0x220, s3  }
0xba: {  	s0 =	sadd.s32 $0x400, s0;
	s6 =	sadd.s32 $0x10000, s6  }
0xbb: {  	[hbm4b:s0+s5] =	stream.linear.scatter [tilespmem:s6], [sflag:$0x2], $0x80, $0x38;
	[tilespmem:$0x18800] =	vst v63  }
0xbc: {  	p2 =	sne.s32 s24, $0xF  }
.Ltmp8:
0xbd: {  	v16 =	vld [tilespmem:$0x1FFF0];
	(pc) =	sbr.rel @p2 .LBB2_12-.Ltmp8, $2  }
0xbe: {  	_ =	sdelay $0x2  }
0xbf: {  	v63 =	vlaneseq.u32  }
.Ltmp9:
0xc0: {  	(pc) =	sbr.rel .LBB2_15-.Ltmp9, $4  }
0xc1: {  	_ = 	snop  }
0xc2: {  	_ =	swait.ge [sflag:s18], $0x4000  }
0xc3: {  	[sflag:s18] =	ssyncset.done $0x0  }
0xc4: {  	[sflag:s18] =	ssyncadd.s32 $0xFFFFC000  }
.LBB2_12:
0xc5: {  	s0 =	sadd.s32 $0x2, s25  }
0xc6: {  	s3 =	sshll.u32 s0, $0x12;
	s6 =	sshll.u32 s0, $0x6  }
0xc7: {  	s0 =	sshll.u32 s0, $0x7;
	s3 =	sand.u32 $0x200000, s3;
	s6 =	sand.u32 $0xC00, s6  }
0xc8: {  	s0 =	sand.u32 $0x300, s0;
	s3 =	sor.u32 s3, s6  }
0xc9: {  	s0 =	sor.u32 s0, s3  }
0xca: {  	s0 =	sor.u32 s7, s0  }
0xcb: {  	s0 =	sshrl.u32 s0, $0x3  }
0xcc: {  	s0 =	sadd.s32 s1, s0  }
0xcd: {  	s8 =	simm.s32 $0x0;
	s3 =	simm.s32 $0x400;
	s6 =	sadd.s32 $0x800, s0  }
.LBB2_13:
0xce: {  	[tilespmem:s8], [sflag:$0x1] =	stream.linear.gather [hbm4b:s0+s5], $0x80, $0x38;
	[tilespmem:$0x18800] =	vst v63  }
0xcf: {  	s8 =	smov.u32 s3;
	s0 =	smov.u32 s6;
	p2 =	sne.s32 s3, $0x1FC00  }
.Ltmp10:
0xd0: {  	s3 =	sadd.s32 $0x400, s3;
	(pc) =	sbr.rel @p2 .LBB2_13-.Ltmp10, $2  }
0xd1: {  	_ =	sdelay $0x2  }
0xd2: {  	s6 =	sadd.s32 $0x800, s6;
	s8 =	sshra.s32 s8, $0x2  }
.Ltmp11:
0xd3: {  	(pc) =	sbr.rel @p1 .LBB2_16-.Ltmp11, $4  }
0xd4: {  	[tilespmem:s8], [sflag:$0x1] =	stream.linear.gather [hbm4b:s0+s5], $0x80, $0x38;
	[tilespmem:$0x18800] =	vst v63  }
0xd5: {  	_ =	swait.ge [sflag:s18], $0x4000  }
0xd6: {  	[sflag:s18] =	ssyncset.done $0x0  }
0xd7: {  	[sflag:s18] =	ssyncadd.s32 $0xFFFFC000  }
.LBB2_15:
0xd8: {  	_ =	swait.ge [sflag:s20], $0x4000  }
0xd9: {  	[sflag:s20] =	ssyncset.done $0x0  }
0xda: {  	[sflag:s20] =	ssyncadd.s32 $0xFFFFC000  }
.LBB2_16:
0xdb: {  	s0 =	simm.s32 $0x1  }
0xdc: {  	v0 =	vmov s0  }
0xdd: {  	s9 =	simm.s32 $0x2;
	v36 =	vshll.u32 v0, $0x8  }
0xde: {  	s10 =	simm.s32 $0x3;
	v25 =	vmov s9;
	v26 =	vor.u32 v63, v36  }
0xdf: {  	v27 =	vmov s10;
	v35 =	vshll.u32 v25, $0x8  }
0xe0: {  	v40 =	vshll.u32 v27, $0x8;
	v28 =	vor.u32 v63, v35  }
0xe1: {  	v29 =	vor.u32 v63, v40  }
0xe2: {  	s17 =	simm.s32 $0x0;
	v37 =	vand.u32 $0x7D, v0  }
0xe3: {  	v0 =	vmov s17;
	v30 =	vadd.s32 v1, v37;
	v26 =	vld.idx.msk [tilespmem:v26+s21+$0x0], $0xffff  }
0xe4: {  	v41 =	vand.u32 $0x7E, v25;
	v39 =	vshll.u32 v0, $0x8;
	v25 =	vor.u32 v2, v36  }
0xe5: {  	v38 =	vand.u32 $0x7F, v27;
	v31 =	vor.u32 v63, v39;
	v27 =	vld.idx.msk [tilespmem:v28+s21+$0x0], $0xffff;
	v28 =	vadd.s32 v1, v41  }
0xe6: {  	v32 =	vor.u32 v2, v35;
	v33 =	vadd.s32 v1, v38;
	v29 =	vld.idx.msk [tilespmem:v29+s21+$0x0], $0xffff  }
0xe7: {  	v34 =	vor.u32 v2, v40  }
0xe8: {  	[tilespmem:v30+s22+$0x0] =	vst.idx.msk $0xffff, v26  }
0xe9: {  	v43 =	vand.u32 $0x7C, v0;
	v0 =	vld.idx.msk [tilespmem:v25+s21+$0x0], $0xffff;
	v25 =	vadd.s32 v3, v37  }
0xea: {  	v26 =	vld.idx.msk [tilespmem:v31+s21+$0x0], $0xffff;
	v30 =	vadd.s32 v1, v43;
	[tilespmem:v28+s22+$0x0] =	vst.idx.msk $0xffff, v27;
	v27 =	vor.u32 v4, v36  }
0xeb: {  	v54 =	vadd.s32 v3, v41;
	v28 =	vor.u32 v2, v39;
	[tilespmem:v33+s22+$0x0] =	vst.idx.msk $0xffff, v29;
	v31 =	vld.idx.msk [tilespmem:v32+s21+$0x0], $0xffff  }
0xec: {  	v55 =	vadd.s32 v3, v38;
	v29 =	vor.u32 v4, v35;
	v33 =	vld.idx.msk [tilespmem:v34+s21+$0x0], $0xffff  }
0xed: {  	v42 =	vor.u32 v4, v40  }
0xee: {  	[tilespmem:v25+s22+$0x0] =	vst.idx.msk $0xffff, v0  }
0xef: {  	[tilespmem:v30+s22+$0x0] =	vst.idx.msk $0xffff, v26;
	v25 =	vadd.s32 v5, v37;
	v0 =	vld.idx.msk [tilespmem:v27+s21+$0x0], $0xffff  }
0xf0: {  	v26 =	vld.idx.msk [tilespmem:v28+s21+$0x0], $0xffff;
	[tilespmem:v54+s22+$0x0] =	vst.idx.msk $0xffff, v31;
	v28 =	vor.u32 v6, v36;
	v27 =	vadd.s32 v3, v43  }
0xf1: {  	v30 =	vor.u32 v4, v39;
	v31 =	vadd.s32 v5, v41;
	[tilespmem:v55+s22+$0x0] =	vst.idx.msk $0xffff, v33;
	v29 =	vld.idx.msk [tilespmem:v29+s21+$0x0], $0xffff  }
0xf2: {  	v56 =	vor.u32 v6, v35;
	v57 =	vadd.s32 v5, v38;
	v33 =	vld.idx.msk [tilespmem:v42+s21+$0x0], $0xffff  }
0xf3: {  	v58 =	vor.u32 v6, v40  }
0xf4: {  	[tilespmem:v25+s22+$0x0] =	vst.idx.msk $0xffff, v0  }
0xf5: {  	[tilespmem:v27+s22+$0x0] =	vst.idx.msk $0xffff, v26;
	v27 =	vadd.s32 v7, v37;
	v25 =	vld.idx.msk [tilespmem:v28+s21+$0x0], $0xffff  }
0xf6: {  	v0 =	vadd.s32 v5, v43;
	[tilespmem:v31+s22+$0x0] =	vst.idx.msk $0xffff, v29;
	v28 =	vld.idx.msk [tilespmem:v30+s21+$0x0], $0xffff  }
0xf7: {  	s29 =	simm.s32 $0x5;
	v46 =	vadd.s32 v7, v41;
	v29 =	vor.u32 v8, v36;
	[tilespmem:v57+s22+$0x0] =	vst.idx.msk $0xffff, v33;
	v32 =	vld.idx.msk [tilespmem:v56+s21+$0x0], $0xffff  }
0xf8: {  	s28 =	simm.s32 $0x4;
	v48 =	vmov s29;
	v44 =	vadd.s32 v7, v38;
	v59 =	vor.u32 v8, v35;
	v42 =	vld.idx.msk [tilespmem:v58+s21+$0x0], $0xffff  }
0xf9: {  	v45 =	vor.u32 v10, v36;
	v31 =	vmov s28;
	v30 =	vor.u32 v6, v39  }
0xfa: {  	v47 =	vor.u32 v8, v40;
	v49 =	vadd.s32 v9, v37;
	v26 =	vshll.u32 v31, $0x8;
	[tilespmem:v27+s22+$0x0] =	vst.idx.msk $0xffff, v25  }
0xfb: {  	s30 =	simm.s32 $0x6;
	v60 =	vor.u32 v10, v35;
	v50 =	vor.u32 v63, v26;
	v27 =	vshll.u32 v48, $0x8;
	[tilespmem:v0+s22+$0x0] =	vst.idx.msk $0xffff, v28  }
0xfc: {  	v34 =	vadd.s32 v9, v41;
	v0 =	vmov s30;
	[tilespmem:v46+s22+$0x0] =	vst.idx.msk $0xffff, v32;
	v51 =	vld.idx.msk [tilespmem:v29+s21+$0x0], $0xffff;
	v52 =	vor.u32 v63, v27  }
0xfd: {  	v25 =	vand.u32 $0x7C, v31;
	v28 =	vand.u32 $0x7D, v48;
	[tilespmem:v44+s22+$0x0] =	vst.idx.msk $0xffff, v42;
	v31 =	vshll.u32 v0, $0x8;
	v48 =	vld.idx.msk [tilespmem:v59+s21+$0x0], $0xffff  }
0xfe: {  	s31 =	simm.s32 $0x7;
	v53 =	vld.idx.msk [tilespmem:v30+s21+$0x0], $0xffff;
	v29 =	vand.u32 $0x7E, v0;
	v0 =	vadd.s32 v7, v43;
	v46 =	vor.u32 v63, v31  }
0xff: {  	v62 =	vor.u32 v10, v40;
	v54 =	vadd.s32 v9, v38;
	v30 =	vmov s31;
	v44 =	vld.idx.msk [tilespmem:v47+s21+$0x0], $0xffff  }
0x100: {  	v56 =	vor.u32 v2, v26;
	v50 =	vld.idx.msk [tilespmem:v50+s21+$0x0], $0xffff;
	v55 =	vadd.s32 v1, v25;
	v32 =	vshll.u32 v30, $0x8  }
0x101: {  	v57 =	vadd.s32 v1, v28;
	v61 =	vor.u32 v63, v32;
	v52 =	vld.idx.msk [tilespmem:v52+s21+$0x0], $0xffff;
	[tilespmem:v49+s22+$0x0] =	vst.idx.msk $0xffff, v51  }
0x102: {  	v58 =	vor.u32 v2, v27;
	v30 =	vand.u32 $0x7F, v30;
	[tilespmem:v34+s22+$0x0] =	vst.idx.msk $0xffff, v48;
	v45 =	vld.idx.msk [tilespmem:v45+s21+$0x0], $0xffff  }
0x103: {  	v59 =	vadd.s32 v11, v37;
	v33 =	vadd.s32 v7, v30;
	[tilespmem:v0+s22+$0x0] =	vst.idx.msk $0xffff, v53;
	v46 =	vld.idx.msk [tilespmem:v46+s21+$0x0], $0xffff  }
0x104: {  	v51 =	vor.u32 v8, v39;
	v34 =	vadd.s32 v1, v29;
	[tilespmem:v54+s22+$0x0] =	vst.idx.msk $0xffff, v44;
	v42 =	vld.idx.msk [tilespmem:v60+s21+$0x0], $0xffff  }
0x105: {  	v0 =	vor.u32 v10, v39;
	v48 =	vor.u32 v2, v31;
	v53 =	vadd.s32 v11, v41;
	v49 =	vld.idx.msk [tilespmem:v62+s21+$0x0], $0xffff  }
0x106: {  	[tilespmem:v55+s22+$0x0] =	vst.idx.msk $0xffff, v50;
	v60 =	vadd.s32 v1, v30;
	v47 =	vld.idx.msk [tilespmem:v61+s21+$0x0], $0xffff;
	v61 =	vor.u32 v12, v35  }
0x107: {  	v54 =	vld.idx.msk [tilespmem:v56+s21+$0x0], $0xffff;
	v62 =	vor.u32 v2, v32;
	v56 =	vadd.s32 v3, v25;
	[tilespmem:v57+s22+$0x0] =	vst.idx.msk $0xffff, v52  }
0x108: {  	v55 =	vadd.s32 v9, v43;
	v57 =	vld.idx.msk [tilespmem:v58+s21+$0x0], $0xffff;
	[tilespmem:v59+s22+$0x0] =	vst.idx.msk $0xffff, v45;
	v45 =	vor.u32 v12, v36  }
0x109: {  	v58 =	vor.u32 v4, v26;
	v59 =	vadd.s32 v3, v28;
	[tilespmem:v34+s22+$0x0] =	vst.idx.msk $0xffff, v46;
	v46 =	vld.idx.msk [tilespmem:v51+s21+$0x0], $0xffff  }
0x10a: {  	v44 =	vor.u32 v12, v39;
	v51 =	vor.u32 v4, v27;
	[tilespmem:v53+s22+$0x0] =	vst.idx.msk $0xffff, v42;
	v48 =	vld.idx.msk [tilespmem:v48+s21+$0x0], $0xffff  }
0x10b: {  	v50 =	vor.u32 v4, v31;
	v53 =	vadd.s32 v3, v29;
	[tilespmem:v60+s22+$0x0] =	vst.idx.msk $0xffff, v47;
	v47 =	vld.idx.msk [tilespmem:v61+s21+$0x0], $0xffff  }
0x10c: {  	v34 =	vadd.s32 v15, v43;
	[tilespmem:v56+s22+$0x0] =	vst.idx.msk $0xffff, v54;
	v61 =	vadd.s32 v11, v38;
	v52 =	vld.idx.msk [tilespmem:v62+s21+$0x0], $0xffff  }
0x10d: {  	v54 =	vadd.s32 v3, v30;
	v60 =	vadd.s32 v11, v43;
	v42 =	vld.idx.msk [tilespmem:v45+s21+$0x0], $0xffff;
	v45 =	vor.u32 v12, v40  }
0x10e: {  	v56 =	vld.idx.msk [tilespmem:v58+s21+$0x0], $0xffff;
	[tilespmem:v59+s22+$0x0] =	vst.idx.msk $0xffff, v57;
	v57 =	vor.u32 v4, v32;
	v58 =	vadd.s32 v13, v41  }
0x10f: {  	v59 =	vadd.s32 v5, v25;
	[tilespmem:v55+s22+$0x0] =	vst.idx.msk $0xffff, v46;
	v46 =	vor.u32 v14, v35;
	v51 =	vld.idx.msk [tilespmem:v51+s21+$0x0], $0xffff  }
0x110: {  	v62 =	vadd.s32 v5, v28;
	v55 =	vor.u32 v6, v26;
	[tilespmem:v53+s22+$0x0] =	vst.idx.msk $0xffff, v48;
	v0 =	vld.idx.msk [tilespmem:v0+s21+$0x0], $0xffff  }
0x111: {  	v43 =	vadd.s32 v13, v43;
	v48 =	vor.u32 v6, v27;
	[tilespmem:v61+s22+$0x0] =	vst.idx.msk $0xffff, v49;
	v50 =	vld.idx.msk [tilespmem:v50+s21+$0x0], $0xffff  }
0x112: {  	v35 =	vadd.s32 v15, v37;
	v49 =	vadd.s32 v5, v29;
	[tilespmem:v54+s22+$0x0] =	vst.idx.msk $0xffff, v52;
	v45 =	vld.idx.msk [tilespmem:v45+s21+$0x0], $0xffff  }
0x113: {  	v54 =	vor.u32 v6, v31;
	v61 =	vld.idx.msk [tilespmem:v57+s21+$0x0], $0xffff;
	[tilespmem:v58+s22+$0x0] =	vst.idx.msk $0xffff, v47;
	v47 =	vadd.s32 v13, v38  }
0x114: {  	[tilespmem:v59+s22+$0x0] =	vst.idx.msk $0xffff, v56;
	v56 =	vadd.s32 v5, v30;
	v58 =	vor.u32 v14, v40;
	v59 =	vld.idx.msk [tilespmem:v46+s21+$0x0], $0xffff  }
0x115: {  	v41 =	vadd.s32 v15, v41;
	v40 =	vld.idx.msk [tilespmem:v55+s21+$0x0], $0xffff;
	[tilespmem:v62+s22+$0x0] =	vst.idx.msk $0xffff, v51;
	v62 =	vor.u32 v6, v32  }
0x116: {  	v37 =	vadd.s32 v13, v37;
	v53 =	vor.u32 v8, v27;
	[tilespmem:v60+s22+$0x0] =	vst.idx.msk $0xffff, v0;
	v52 =	vld.idx.msk [tilespmem:v48+s21+$0x0], $0xffff  }
0x117: {  	v57 =	vadd.s32 v7, v29;
	v46 =	vor.u32 v14, v39;
	[tilespmem:v49+s22+$0x0] =	vst.idx.msk $0xffff, v50;
	v49 =	vld.idx.msk [tilespmem:v44+s21+$0x0], $0xffff  }
0x118: {  	v55 =	vadd.s32 v7, v28;
	v44 =	vor.u32 v14, v36;
	v54 =	vld.idx.msk [tilespmem:v54+s21+$0x0], $0xffff;
	[tilespmem:v47+s22+$0x0] =	vst.idx.msk $0xffff, v45  }
0x119: {  	v51 =	vadd.s32 v9, v29;
	v48 =	vor.u32 v10, v27;
	[tilespmem:v56+s22+$0x0] =	vst.idx.msk $0xffff, v61;
	v50 =	vld.idx.msk [tilespmem:v58+s21+$0x0], $0xffff  }
0x11a: {  	s0 =	simm.s32 $0x8;
	v47 =	vadd.s32 v15, v38;
	v58 =	vor.u32 v8, v31;
	v56 =	vld.idx.msk [tilespmem:v62+s21+$0x0], $0xffff;
	[tilespmem:v41+s22+$0x0] =	vst.idx.msk $0xffff, v59  }
.LBB2_17:
0x11b: {  	v0 =	vmov s0;
	s3 =	sadd.s32 $0x1, s0;
	v59 =	vadd.s32 v9, v28;
	v60 =	vor.u32 v8, v32;
	[tilespmem:v37+s22+$0x0] =	vst.idx.msk $0xffff, v42;
	v37 =	vmovc v26  }
0x11c: {  	p1 =	slt.u32 s0, $0x7C;
	v45 =	vmovc v25;
	v36 =	vmovc v27;
	v61 =	vmov v31;
	v38 =	vmov v28;
	v41 =	vmov v32;
	s6 =	smov.u32 s0;
	s0 =	sadd.s32 $0x4, s0  }
0x11d: {  	v39 =	vmovc v30;
	v26 =	vshll.u32 v0, $0x8;
	v25 =	vand.u32 $0x7C, v0;
	v0 =	vmov s3;
	s3 =	sadd.s32 $0x2, s6;
	[tilespmem:v55+s22+$0x0] =	vst.idx.msk $0xffff, v52;
	v42 =	vld.idx.msk [tilespmem:v44+s21+$0x0], $0xffff;
	v44 =	vmovc v29  }
0x11e: {  	v52 =	vor.u32 v63, v26;
	v27 =	vshll.u32 v0, $0x8;
	v29 =	vmov s3;
	s3 =	sadd.s32 $0x3, s6;
	v53 =	vld.idx.msk [tilespmem:v53+s21+$0x0], $0xffff;
	[tilespmem:v43+s22+$0x0] =	vst.idx.msk $0xffff, v49  }
0x11f: {  	v43 =	vor.u32 v63, v27;
	v31 =	vshll.u32 v29, $0x8;
	v30 =	vmov s3;
	[tilespmem:v57+s22+$0x0] =	vst.idx.msk $0xffff, v54;
	v46 =	vld.idx.msk [tilespmem:v46+s21+$0x0], $0xffff  }
0x120: {  	v28 =	vand.u32 $0x7D, v0;
	v0 =	vor.u32 v63, v31;
	v32 =	vshll.u32 v30, $0x8;
	v49 =	vld.idx.msk [tilespmem:v58+s21+$0x0], $0xffff;
	[tilespmem:v47+s22+$0x0] =	vst.idx.msk $0xffff, v50  }
0x121: {  	v29 =	vand.u32 $0x7E, v29;
	v30 =	vand.u32 $0x7F, v30;
	v47 =	vor.u32 v63, v32;
	[tilespmem:v33+s22+$0x0] =	vst.idx.msk $0xffff, v56  }
0x122: {  	v54 =	vor.u32 v10, v61;
	v50 =	vadd.s32 v7, v45;
	v33 =	vadd.s32 v7, v30;
	v55 =	vld.idx.msk [tilespmem:v60+s21+$0x0], $0xffff  }
0x123: {  	v57 =	vadd.s32 v9, v39;
	v56 =	vor.u32 v8, v37;
	v52 =	vld.idx.msk [tilespmem:v52+s21+$0x0], $0xffff;
	[tilespmem:v35+s22+$0x0] =	vst.idx.msk $0xffff, v42  }
0x124: {  	v35 =	vadd.s32 v1, v25;
	v42 =	vld.idx.msk [tilespmem:v43+s21+$0x0], $0xffff;
	[tilespmem:v59+s22+$0x0] =	vst.idx.msk $0xffff, v53;
	v43 =	vor.u32 v10, v41  }
0x125: {  	v58 =	vadd.s32 v1, v28;
	v53 =	vor.u32 v2, v26;
	v48 =	vld.idx.msk [tilespmem:v48+s21+$0x0], $0xffff;
	[tilespmem:v34+s22+$0x0] =	vst.idx.msk $0xffff, v46  }
0x126: {  	v34 =	vor.u32 v2, v27;
	v46 =	vadd.s32 v11, v38;
	v0 =	vld.idx.msk [tilespmem:v0+s21+$0x0], $0xffff;
	[tilespmem:v51+s22+$0x0] =	vst.idx.msk $0xffff, v49  }
0x127: {  	v49 =	vadd.s32 v1, v29;
	[tilespmem:v50+s22+$0x0] =	vst.idx.msk $0xffff, v40;
	v40 =	vor.u32 v10, v37;
	v50 =	vld.idx.msk [tilespmem:v54+s21+$0x0], $0xffff  }
0x128: {  	v51 =	vor.u32 v2, v31;
	v54 =	vadd.s32 v11, v44;
	v47 =	vld.idx.msk [tilespmem:v47+s21+$0x0], $0xffff;
	[tilespmem:v57+s22+$0x0] =	vst.idx.msk $0xffff, v55  }
0x129: {  	[tilespmem:v35+s22+$0x0] =	vst.idx.msk $0xffff, v52;
	v35 =	vadd.s32 v1, v30;
	v52 =	vor.u32 v12, v61;
	v43 =	vld.idx.msk [tilespmem:v43+s21+$0x0], $0xffff  }
0x12a: {  	v55 =	vadd.s32 v9, v45;
	v53 =	vld.idx.msk [tilespmem:v53+s21+$0x0], $0xffff;
	[tilespmem:v58+s22+$0x0] =	vst.idx.msk $0xffff, v42;
	v42 =	vor.u32 v2, v32  }
0x12b: {  	v57 =	vadd.s32 v3, v25;
	v58 =	vld.idx.msk [tilespmem:v34+s21+$0x0], $0xffff;
	[tilespmem:v46+s22+$0x0] =	vst.idx.msk $0xffff, v48;
	v46 =	vor.u32 v12, v36  }
0x12c: {  	v59 =	vadd.s32 v3, v28;
	v48 =	vor.u32 v4, v26;
	[tilespmem:v49+s22+$0x0] =	vst.idx.msk $0xffff, v0;
	v0 =	vld.idx.msk [tilespmem:v56+s21+$0x0], $0xffff  }
0x12d: {  	v34 =	vadd.s32 v15, v45;
	v49 =	vor.u32 v4, v27;
	v51 =	vld.idx.msk [tilespmem:v51+s21+$0x0], $0xffff;
	[tilespmem:v54+s22+$0x0] =	vst.idx.msk $0xffff, v50  }
0x12e: {  	v50 =	vadd.s32 v3, v29;
	[tilespmem:v35+s22+$0x0] =	vst.idx.msk $0xffff, v47;
	v47 =	vor.u32 v12, v37;
	v52 =	vld.idx.msk [tilespmem:v52+s21+$0x0], $0xffff  }
0x12f: {  	v60 =	vadd.s32 v11, v39;
	v56 =	vadd.s32 v11, v45;
	v35 =	vor.u32 v4, v31;
	v54 =	vld.idx.msk [tilespmem:v42+s21+$0x0], $0xffff  }
0x130: {  	[tilespmem:v57+s22+$0x0] =	vst.idx.msk $0xffff, v53;
	v53 =	vadd.s32 v3, v30;
	v42 =	vld.idx.msk [tilespmem:v46+s21+$0x0], $0xffff;
	v46 =	vor.u32 v12, v41  }
0x131: {  	v57 =	vor.u32 v4, v32;
	v48 =	vld.idx.msk [tilespmem:v48+s21+$0x0], $0xffff;
	[tilespmem:v59+s22+$0x0] =	vst.idx.msk $0xffff, v58;
	v58 =	vadd.s32 v13, v44  }
0x132: {  	v59 =	vadd.s32 v5, v25;
	v49 =	vld.idx.msk [tilespmem:v49+s21+$0x0], $0xffff;
	[tilespmem:v55+s22+$0x0] =	vst.idx.msk $0xffff, v0;
	v0 =	vor.u32 v14, v61  }
0x133: {  	v55 =	vor.u32 v6, v26;
	v61 =	vadd.s32 v5, v28;
	[tilespmem:v50+s22+$0x0] =	vst.idx.msk $0xffff, v51;
	v50 =	vld.idx.msk [tilespmem:v40+s21+$0x0], $0xffff  }
0x134: {  	v51 =	vor.u32 v6, v27;
	v62 =	vld.idx.msk [tilespmem:v35+s21+$0x0], $0xffff;
	v35 =	vadd.s32 v15, v38;
	[tilespmem:v60+s22+$0x0] =	vst.idx.msk $0xffff, v43  }
0x135: {  	v60 =	vadd.s32 v5, v29;
	v43 =	vadd.s32 v13, v45;
	[tilespmem:v53+s22+$0x0] =	vst.idx.msk $0xffff, v54;
	v45 =	vld.idx.msk [tilespmem:v46+s21+$0x0], $0xffff  }
0x136: {  	v54 =	vor.u32 v6, v31;
	v63 =	vld.idx.msk [tilespmem:v57+s21+$0x0], $0xffff;
	[tilespmem:v58+s22+$0x0] =	vst.idx.msk $0xffff, v52;
	v57 =	vadd.s32 v13, v39  }
0x137: {  	v41 =	vor.u32 v14, v41;
	v58 =	vadd.s32 v5, v30;
	[tilespmem:v59+s22+$0x0] =	vst.idx.msk $0xffff, v48;
	v0 =	vld.idx.msk [tilespmem:v0+s21+$0x0], $0xffff  }
0x138: {  	v59 =	vor.u32 v6, v32;
	v40 =	vld.idx.msk [tilespmem:v55+s21+$0x0], $0xffff;
	[tilespmem:v61+s22+$0x0] =	vst.idx.msk $0xffff, v49;
	v61 =	vadd.s32 v15, v44  }
.Ltmp12:
0x139: {  	v46 =	vor.u32 v14, v37;
	v37 =	vadd.s32 v13, v38;
	v52 =	vld.idx.msk [tilespmem:v51+s21+$0x0], $0xffff;
	[tilespmem:v56+s22+$0x0] =	vst.idx.msk $0xffff, v50;
	(pc) =	sbr.rel @p1 .LBB2_17-.Ltmp12, $4  }
0x13a: {  	v55 =	vadd.s32 v7, v28;
	v44 =	vor.u32 v14, v36;
	[tilespmem:v60+s22+$0x0] =	vst.idx.msk $0xffff, v62;
	v49 =	vld.idx.msk [tilespmem:v47+s21+$0x0], $0xffff  }
0x13b: {  	v53 =	vor.u32 v8, v27;
	v47 =	vadd.s32 v15, v39;
	v54 =	vld.idx.msk [tilespmem:v54+s21+$0x0], $0xffff;
	[tilespmem:v57+s22+$0x0] =	vst.idx.msk $0xffff, v45  }
0x13c: {  	v48 =	vor.u32 v10, v27;
	v57 =	vadd.s32 v7, v29;
	[tilespmem:v58+s22+$0x0] =	vst.idx.msk $0xffff, v63;
	v63 =	vlaneseq.u32;
	v50 =	vld.idx.msk [tilespmem:v41+s21+$0x0], $0xffff  }
0x13d: {  	v51 =	vadd.s32 v9, v29;
	v58 =	vor.u32 v8, v31;
	v56 =	vld.idx.msk [tilespmem:v59+s21+$0x0], $0xffff;
	[tilespmem:v61+s22+$0x0] =	vst.idx.msk $0xffff, v0  }
0x13e: {  	_ =	sdelay $0x1  }
0x13f: {  	v0 =	vor.u32 v8, v32;
	v36 =	vadd.s32 v7, v25  }
0x140: {  	v38 =	vor.u32 v8, v26  }
0x141: {  	[tilespmem:v57+s22+$0x0] =	vst.idx.msk $0xffff, v54  }
0x142: {  	[tilespmem:v55+s22+$0x0] =	vst.idx.msk $0xffff, v52;
	v39 =	vld.idx.msk [tilespmem:v58+s21+$0x0], $0xffff  }
0x143: {  	v45 =	vadd.s32 v9, v28;
	v52 =	vld.idx.msk [tilespmem:v53+s21+$0x0], $0xffff;
	v58 =	vor.u32 v10, v31;
	[tilespmem:v33+s22+$0x0] =	vst.idx.msk $0xffff, v56  }
0x144: {  	v41 =	vadd.s32 v9, v30;
	v0 =	vld.idx.msk [tilespmem:v0+s21+$0x0], $0xffff;
	[tilespmem:v36+s22+$0x0] =	vst.idx.msk $0xffff, v40  }
0x145: {  	v59 =	vor.u32 v10, v32;
	v60 =	vadd.s32 v9, v25;
	v38 =	vld.idx.msk [tilespmem:v38+s21+$0x0], $0xffff  }
0x146: {  	v61 =	vor.u32 v10, v26  }
0x147: {  	[tilespmem:v51+s22+$0x0] =	vst.idx.msk $0xffff, v39  }
0x148: {  	v62 =	vadd.s32 v11, v29;
	[tilespmem:v45+s22+$0x0] =	vst.idx.msk $0xffff, v52;
	v33 =	vld.idx.msk [tilespmem:v58+s21+$0x0], $0xffff  }
0x149: {  	v57 =	vadd.s32 v11, v28;
	v48 =	vld.idx.msk [tilespmem:v48+s21+$0x0], $0xffff;
	[tilespmem:v41+s22+$0x0] =	vst.idx.msk $0xffff, v0;
	v0 =	vor.u32 v12, v31  }
0x14a: {  	v56 =	vadd.s32 v11, v30;
	v41 =	vld.idx.msk [tilespmem:v59+s21+$0x0], $0xffff;
	[tilespmem:v60+s22+$0x0] =	vst.idx.msk $0xffff, v38;
	v59 =	vor.u32 v12, v27  }
0x14b: {  	v58 =	vor.u32 v12, v32;
	v60 =	vadd.s32 v11, v25;
	v40 =	vld.idx.msk [tilespmem:v61+s21+$0x0], $0xffff  }
0x14c: {  	[tilespmem:v37+s22+$0x0] =	vst.idx.msk $0xffff, v42;
	v61 =	vor.u32 v12, v26  }
0x14d: {  	[tilespmem:v62+s22+$0x0] =	vst.idx.msk $0xffff, v33  }
0x14e: {  	[tilespmem:v57+s22+$0x0] =	vst.idx.msk $0xffff, v48;
	v62 =	vadd.s32 v13, v29;
	v0 =	vld.idx.msk [tilespmem:v0+s21+$0x0], $0xffff  }
0x14f: {  	v53 =	vor.u32 v14, v31;
	v57 =	vadd.s32 v13, v28;
	[tilespmem:v56+s22+$0x0] =	vst.idx.msk $0xffff, v41;
	v36 =	vld.idx.msk [tilespmem:v59+s21+$0x0], $0xffff  }
0x150: {  	v55 =	vadd.s32 v13, v30;
	v27 =	vor.u32 v14, v27;
	v54 =	vld.idx.msk [tilespmem:v58+s21+$0x0], $0xffff;
	[tilespmem:v60+s22+$0x0] =	vst.idx.msk $0xffff, v40  }
0x151: {  	[tilespmem:v43+s22+$0x0] =	vst.idx.msk $0xffff, v49;
	v56 =	vor.u32 v14, v32;
	v58 =	vadd.s32 v13, v25;
	v37 =	vld.idx.msk [tilespmem:v61+s21+$0x0], $0xffff  }
0x152: {  	v42 =	vld.idx.msk [tilespmem:v44+s21+$0x0], $0xffff;
	[tilespmem:v47+s22+$0x0] =	vst.idx.msk $0xffff, v50;
	v26 =	vor.u32 v14, v26  }
0x153: {  	v43 =	vld.idx.msk [tilespmem:v46+s21+$0x0], $0xffff;
	[tilespmem:v62+s22+$0x0] =	vst.idx.msk $0xffff, v0  }
0x154: {  	v59 =	vadd.s32 v15, v29;
	v0 =	vld.idx.msk [tilespmem:v53+s21+$0x0], $0xffff;
	[tilespmem:v57+s22+$0x0] =	vst.idx.msk $0xffff, v36  }
0x155: {  	v62 =	vadd.s32 v15, v28;
	[tilespmem:v55+s22+$0x0] =	vst.idx.msk $0xffff, v54;
	v27 =	vld.idx.msk [tilespmem:v27+s21+$0x0], $0xffff  }
0x156: {  	v60 =	vadd.s32 v15, v30;
	v61 =	vld.idx.msk [tilespmem:v56+s21+$0x0], $0xffff;
	[tilespmem:v58+s22+$0x0] =	vst.idx.msk $0xffff, v37  }
0x157: {  	[tilespmem:v35+s22+$0x0] =	vst.idx.msk $0xffff, v42;
	v25 =	vadd.s32 v15, v25;
	v26 =	vld.idx.msk [tilespmem:v26+s21+$0x0], $0xffff  }
0x158: {  	[tilespmem:v34+s22+$0x0] =	vst.idx.msk $0xffff, v43  }
0x159: {  	[tilespmem:v59+s22+$0x0] =	vst.idx.msk $0xffff, v0  }
0x15a: {  	[tilespmem:v62+s22+$0x0] =	vst.idx.msk $0xffff, v27  }
0x15b: {  	s0 =	sadd.s32 s26, s2;
	[tilespmem:v60+s22+$0x0] =	vst.idx.msk $0xffff, v61  }
0x15c: {  	s3 =	simm.s32 $0x14400;
	s0 =	sadd.s32 $0x10, s0;
	[tilespmem:v25+s22+$0x0] =	vst.idx.msk $0xffff, v26  }
0x15d: {  	[hbm4b:s0+s5] =	stream.linear.scatter [tilespmem:s3], [sflag:$0x2], $0x80, $0x38;
	[tilespmem:$0x18800] =	vst v63  }
0x15e: {  	s3 =	simm.s32 $0x220  }
.LBB2_19:
0x15f: {  	p1 =	sne.s32 s3, $0x10DE0  }
.Ltmp13:
0x160: {  	_ = 	snop;
	(pc) =	sbr.rel @p1 .LBB2_19-.Ltmp13, $4  }
0x161: {  	_ = 	snop  }
0x162: {  	s6 =	sshra.s32 s3, $0x2;
	s3 =	sadd.s32 $0x220, s3  }
0x163: {  	s0 =	sadd.s32 $0x400, s0;
	s6 =	sadd.s32 $0x14400, s6  }
0x164: {  	[hbm4b:s0+s5] =	stream.linear.scatter [tilespmem:s6], [sflag:$0x2], $0x80, $0x38;
	[tilespmem:$0x18800] =	vst v63  }
0x165: {  	p1 =	seq.s32 s24, $0xF  }
.Ltmp14:
0x166: {  	_ = 	snop;
	(pc) =	sbr.rel @p1 .LBB2_51-.Ltmp14, $1  }
0x167: {  	_ =	sdelay $0x3  }
0x168: {  	s0 =	sadd.s32 $0x3, s25  }
0x169: {  	s3 =	sshll.u32 s0, $0x12;
	s6 =	sshll.u32 s0, $0x6  }
0x16a: {  	s0 =	sshll.u32 s0, $0x7;
	s3 =	sand.u32 $0x200000, s3;
	s6 =	sand.u32 $0xC00, s6  }
0x16b: {  	s0 =	sand.u32 $0x380, s0;
	s3 =	sor.u32 s3, s6  }
0x16c: {  	s0 =	sor.u32 s0, s3  }
0x16d: {  	s0 =	sor.u32 s7, s0  }
0x16e: {  	s0 =	sshrl.u32 s0, $0x3  }
0x16f: {  	s31 =	simm.s32 $0x8000;
	s3 =	simm.s32 $0x400;
	s0 =	sadd.s32 s1, s0  }
0x170: {  	[tilespmem:s31], [sflag:$0x1] =	stream.linear.gather [hbm4b:s0+s5], $0x80, $0x38;
	[tilespmem:$0x18800] =	vst v63  }
.LBB2_22:
0x171: {  	p1 =	sne.s32 s3, $0x1FC00  }
.Ltmp15:
0x172: {  	_ = 	snop;
	(pc) =	sbr.rel @p1 .LBB2_22-.Ltmp15, $4  }
0x173: {  	_ = 	snop  }
0x174: {  	s6 =	sshra.s32 s3, $0x2;
	s3 =	sadd.s32 $0x400, s3  }
0x175: {  	s0 =	sadd.s32 $0x800, s0;
	s6 =	sadd.s32 $0x8000, s6  }
0x176: {  	[tilespmem:s6], [sflag:$0x1] =	stream.linear.gather [hbm4b:s0+s5], $0x80, $0x38;
	[tilespmem:$0x18800] =	vst v63  }
.Ltmp16:
0x177: {  	_ = 	snop;
	(pc) =	sbr.rel .LBB2_23-.Ltmp16, $1  }
0x178: {  	_ =	sdelay $0x3  }
.LBB2_24:
0x179: {  	s6 =	rddreg [dreg:$0x4]  }
0x17a: {  	s3 =	sadd.s32 $0x800, s6  }
.LBB2_25:
0x17b: {  	[tilespmem:s8], [sflag:$0x1] =	stream.linear.gather [hbm4b:s6+s5], $0x80, $0x38;
	[tilespmem:$0x18800] =	vst v63  }
0x17c: {  	s8 =	smov.u32 s0;
	s6 =	smov.u32 s3;
	p1 =	sne.s32 s0, $0x1FC00  }
.Ltmp17:
0x17d: {  	s0 =	sadd.s32 $0x400, s0;
	(pc) =	sbr.rel @p1 .LBB2_25-.Ltmp17, $2  }
0x17e: {  	_ =	sdelay $0x2  }
0x17f: {  	s3 =	sadd.s32 $0x800, s3;
	s8 =	sshra.s32 s8, $0x2  }
0x180: {  	[tilespmem:s8], [sflag:$0x1] =	stream.linear.gather [hbm4b:s6+s5], $0x80, $0x38;
	[tilespmem:$0x18800] =	vst v63  }
0x181: {  	s0 =	simm.s32 $0x80;
	s3 =	rddreg [dreg:$0x5]  }
0x182: {  	[tilespmem:s0], [sflag:$0x1] =	stream.linear.gather [hbm4b:s3+s5], $0x80, $0x38;
	[tilespmem:$0x18800] =	vst v63  }
0x183: {  	s0 =	simm.s32 $0x400  }
.LBB2_27:
0x184: {  	p1 =	sne.s32 s0, $0x1FC00  }
.Ltmp18:
0x185: {  	_ = 	snop;
	(pc) =	sbr.rel @p1 .LBB2_27-.Ltmp18, $4  }
0x186: {  	_ = 	snop  }
0x187: {  	s6 =	sshra.s32 s0, $0x2;
	s0 =	sadd.s32 $0x400, s0  }
0x188: {  	s3 =	sadd.s32 $0x800, s3;
	s6 =	sadd.s32 $0x80, s6  }
0x189: {  	[tilespmem:s6], [sflag:$0x1] =	stream.linear.gather [hbm4b:s3+s5], $0x80, $0x38;
	[tilespmem:$0x18800] =	vst v63  }
0x18a: {  	s0 =	simm.s32 $0x8000;
	s3 =	rddreg [dreg:$0x6]  }
0x18b: {  	[tilespmem:s0], [sflag:$0x1] =	stream.linear.gather [hbm4b:s3+s5], $0x80, $0x38;
	[tilespmem:$0x18800] =	vst v63  }
0x18c: {  	s0 =	simm.s32 $0x400  }
.LBB2_29:
0x18d: {  	p1 =	sne.s32 s0, $0x1FC00  }
.Ltmp19:
0x18e: {  	_ = 	snop;
	(pc) =	sbr.rel @p1 .LBB2_29-.Ltmp19, $4  }
0x18f: {  	_ = 	snop  }
0x190: {  	s6 =	sshra.s32 s0, $0x2;
	s0 =	sadd.s32 $0x400, s0  }
0x191: {  	s3 =	sadd.s32 $0x800, s3;
	s6 =	sadd.s32 $0x8000, s6  }
0x192: {  	[tilespmem:s6], [sflag:$0x1] =	stream.linear.gather [hbm4b:s3+s5], $0x80, $0x38;
	[tilespmem:$0x18800] =	vst v63  }
0x193: {  	s24 =	simm.s32 $0x0;
	s0 =	simm.s32 $0x8080;
	s3 =	rddreg [dreg:$0x7]  }
0x194: {  	[tilespmem:s0], [sflag:$0x1] =	stream.linear.gather [hbm4b:s3+s24], $0x80, $0x38;
	[tilespmem:$0x18800] =	vst v63  }
0x195: {  	s0 =	simm.s32 $0x400  }
.LBB2_31:
0x196: {  	p1 =	sne.s32 s0, $0x1FC00  }
.Ltmp20:
0x197: {  	_ = 	snop;
	(pc) =	sbr.rel @p1 .LBB2_31-.Ltmp20, $4  }
0x198: {  	_ = 	snop  }
0x199: {  	s6 =	sshra.s32 s0, $0x2;
	s0 =	sadd.s32 $0x400, s0  }
0x19a: {  	s3 =	sadd.s32 $0x800, s3;
	s6 =	sadd.s32 $0x8080, s6  }
0x19b: {  	[tilespmem:s6], [sflag:$0x1] =	stream.linear.gather [hbm4b:s3+s24], $0x80, $0x38;
	[tilespmem:$0x18800] =	vst v63  }
.Ltmp21:
0x19c: {  	_ = 	snop;
	(pc) =	sbr.rel .LBB2_32-.Ltmp21, $1  }
0x19d: {  	_ =	sdelay $0x3  }
.LBB2_50:
0x19e: {  	s24 =	sadd.s32 $0x1, s24  }
.LBB2_32:
0x19f: {  	_ =	swait.ge [sflag:s18], $0x4000  }
0x1a0: {  	[sflag:s18] =	ssyncset.done $0x0  }
0x1a1: {  	[sflag:s18] =	ssyncadd.s32 $0xFFFFC000  }
0x1a2: {  	s0 =	simm.s32 $0x3;
	_ =	swait.ge [sflag:s18], $0x4000  }
0x1a3: {  	p1 =	seq.s32 s24, $0x0;
	s9 =	simm.s32 $0x1;
	v0 =	vadd.s32 s0, v16;
	[sflag:s18] =	ssyncset.done $0x0  }
0x1a4: {  	s8 =	simm.s32 $0x2;
	s3 =	simm.s32 @!p1 $0x2;
	v25 =	vadd.s32 s9, v16;
	[sflag:s18] =	ssyncadd.s32 $0xFFFFC000  }
0x1a5: {  	s6 =	simm.s32 $0x0;
	v26 =	vadd.s32 s8, v16;
	_ =	swait.ge @!p1 [sflag:s3], $0x4000  }
0x1a6: {  	v27 =	vadd.s32 s6, v16;
	[sflag:s3] =	ssyncset.done @!p1 $0x0  }
0x1a7: {  	[sflag:s3] =	ssyncadd.s32 @!p1 $0xFFFFC000  }
0x1a8: {  	v0 =	vld.idx.msk [tilespmem:v0+s5+$0x0], $0xffff  }
0x1a9: {  	v28 =	vadd.s32 s0, v17;
	v25 =	vld.idx.msk [tilespmem:v25+s5+$0x0], $0xffff  }
0x1aa: {  	v29 =	vadd.s32 s9, v17;
	v26 =	vld.idx.msk [tilespmem:v26+s5+$0x0], $0xffff  }
0x1ab: {  	v30 =	vadd.s32 s8, v17;
	v27 =	vld.idx.msk [tilespmem:v27+s5+$0x0], $0xffff  }
0x1ac: {  	v31 =	vadd.s32 s6, v17;
	s3 =	simm.s32 $0x10110  }
0x1ad: {  	[tilespmem:s3+$0x88] =	vst v0  }
0x1ae: {  	[tilespmem:s3+$0xFFFFFF78] =	vst v25;
	v0 =	vld.idx.msk [tilespmem:v28+s5+$0x0], $0xffff  }
0x1af: {  	[tilespmem:s3+$0x0] =	vst v26;
	v26 =	vadd.s32 s0, v18;
	v25 =	vld.idx.msk [tilespmem:v29+s5+$0x0], $0xffff  }
0x1b0: {  	[tilespmem:s3+$0xFFFFFEF0] =	vst v27;
	v28 =	vld.idx.msk [tilespmem:v30+s5+$0x0], $0xffff;
	v29 =	vadd.s32 s9, v18  }
0x1b1: {  	v27 =	vadd.s32 s8, v18;
	v30 =	vld.idx.msk [tilespmem:v31+s5+$0x0], $0xffff  }
0x1b2: {  	v31 =	vadd.s32 s6, v18  }
0x1b3: {  	s17 =	simm.s32 $0x7;
	[tilespmem:s3+$0x98] =	vst v0  }
0x1b4: {  	v33 =	vadd.s32 s17, v16;
	[tilespmem:s3+$0xFFFFFF88] =	vst v25;
	v0 =	vld.idx.msk [tilespmem:v26+s5+$0x0], $0xffff  }
0x1b5: {  	[tilespmem:s3+$0x10] =	vst v28;
	v25 =	vld.idx.msk [tilespmem:v29+s5+$0x0], $0xffff;
	v26 =	vadd.s32 s0, v19  }
0x1b6: {  	v28 =	vadd.s32 s9, v19;
	[tilespmem:s3+$0xFFFFFF00] =	vst v30;
	v27 =	vld.idx.msk [tilespmem:v27+s5+$0x0], $0xffff  }
0x1b7: {  	v29 =	vadd.s32 s8, v19;
	v31 =	vld.idx.msk [tilespmem:v31+s5+$0x0], $0xffff  }
0x1b8: {  	s30 =	simm.s32 $0x5;
	v32 =	vadd.s32 s6, v19  }
0x1b9: {  	s26 =	simm.s32 $0x4;
	v47 =	vld.idx.msk [tilespmem:v33+s5+$0x0], $0xffff;
	[tilespmem:s3+$0xA8] =	vst v0;
	v0 =	vadd.s32 s30, v16  }
0x1ba: {  	v30 =	vadd.s32 s26, v16;
	[tilespmem:s3+$0xFFFFFF98] =	vst v25;
	v25 =	vld.idx.msk [tilespmem:v26+s5+$0x0], $0xffff  }
0x1bb: {  	[tilespmem:s3+$0x20] =	vst v27;
	v27 =	vadd.s32 s0, v20;
	v26 =	vld.idx.msk [tilespmem:v28+s5+$0x0], $0xffff  }
0x1bc: {  	[tilespmem:s3+$0xFFFFFF10] =	vst v31;
	v28 =	vld.idx.msk [tilespmem:v29+s5+$0x0], $0xffff;
	v29 =	vadd.s32 s9, v20  }
0x1bd: {  	s28 =	simm.s32 $0x10330;
	v31 =	vadd.s32 s8, v20;
	v32 =	vld.idx.msk [tilespmem:v32+s5+$0x0], $0xffff  }
0x1be: {  	v37 =	vadd.s32 s17, v17;
	[tilespmem:s28+$0x88] =	vst v47;
	v0 =	vld.idx.msk [tilespmem:v0+s5+$0x0], $0xffff  }
0x1bf: {  	s31 =	simm.s32 $0x6;
	v30 =	vld.idx.msk [tilespmem:v30+s5+$0x0], $0xffff;
	[tilespmem:s3+$0xB8] =	vst v25;
	v25 =	vadd.s32 s6, v20  }
0x1c0: {  	s29 =	simm.s32 $0x8;
	[tilespmem:s3+$0xFFFFFFA8] =	vst v26;
	v26 =	vld.idx.msk [tilespmem:v27+s5+$0x0], $0xffff;
	v27 =	vadd.s32 s31, v16  }
0x1c1: {  	v35 =	vadd.s32 s29, v16;
	[tilespmem:s3+$0x30] =	vst v28;
	v29 =	vld.idx.msk [tilespmem:v29+s5+$0x0], $0xffff  }
0x1c2: {  	v50 =	vadd.s32 s26, v17;
	[tilespmem:s3+$0xFFFFFF20] =	vst v32;
	v31 =	vld.idx.msk [tilespmem:v31+s5+$0x0], $0xffff  }
0x1c3: {  	v28 =	vadd.s32 s0, v21;
	[tilespmem:s28+$0xFFFFFF78] =	vst v0;
	v0 =	vld.idx.msk [tilespmem:v37+s5+$0x0], $0xffff  }
0x1c4: {  	v34 =	vadd.s32 s9, v21;
	v36 =	vld.idx.msk [tilespmem:v25+s5+$0x0], $0xffff  }
0x1c5: {  	v48 =	vadd.s32 s8, v21;
	[tilespmem:s28+$0xFFFFFEF0] =	vst v30;
	v27 =	vld.idx.msk [tilespmem:v27+s5+$0x0], $0xffff  }
0x1c6: {  	v25 =	vld.idx.msk [tilespmem:v35+s5+$0x0], $0xffff;
	[tilespmem:s3+$0xC8] =	vst v26;
	v26 =	vadd.s32 s30, v17  }
0x1c7: {  	v35 =	vld.idx.msk [tilespmem:v50+s5+$0x0], $0xffff;
	[tilespmem:s3+$0xFFFFFFB8] =	vst v29;
	v29 =	vadd.s32 s31, v17  }
0x1c8: {  	v51 =	vadd.s32 s6, v21;
	v28 =	vld.idx.msk [tilespmem:v28+s5+$0x0], $0xffff  }
0x1c9: {  	v49 =	vadd.s32 s0, v22;
	[tilespmem:s3+$0x40] =	vst v31;
	v34 =	vld.idx.msk [tilespmem:v34+s5+$0x0], $0xffff  }
0x1ca: {  	v31 =	vld.idx.msk [tilespmem:v48+s5+$0x0], $0xffff;
	[tilespmem:s28+$0x0] =	vst v27;
	v27 =	vadd.s32 s9, v22  }
0x1cb: {  	v52 =	vadd.s32 s17, v18;
	[tilespmem:s28+$0x98] =	vst v0;
	v26 =	vld.idx.msk [tilespmem:v26+s5+$0x0], $0xffff  }
0x1cc: {  	v54 =	vadd.s32 s26, v18;
	[tilespmem:s3+$0xFFFFFF30] =	vst v36;
	v29 =	vld.idx.msk [tilespmem:v29+s5+$0x0], $0xffff  }
0x1cd: {  	v53 =	vadd.s32 s0, v23;
	v32 =	vld.idx.msk [tilespmem:v51+s5+$0x0], $0xffff;
	[tilespmem:s3+$0xD8] =	vst v28;
	v28 =	vadd.s32 s30, v18  }
0x1ce: {  	v38 =	vadd.s32 s31, v18;
	v33 =	vand.u32 $0x1FF, v53;
	[tilespmem:s3+$0xFFFFFFC8] =	vst v34;
	v30 =	vld.idx.msk [tilespmem:v49+s5+$0x0], $0xffff  }
0x1cf: {  	v33 =	vadd.s32 v24, v33;
	[tilespmem:s28+$0xFFFFFF00] =	vst v35;
	v0 =	vld.idx.msk [tilespmem:v27+s5+$0x0], $0xffff  }
0x1d0: {  	[tilespmem:s28+$0xFFFFFF88] =	vst v26;
	v26 =	vld.idx.msk [tilespmem:v52+s5+$0x0], $0xffff;
	v27 =	vadd.s32 s8, v22  }
0x1d1: {  	v34 =	vld.idx.msk [tilespmem:v54+s5+$0x0], $0xffff;
	[tilespmem:s28+$0x10] =	vst v29;
	v29 =	vadd.s32 s6, v22  }
0x1d2: {  	v56 =	vadd.s32 s17, v19;
	[tilespmem:s3+$0x50] =	vst v31;
	v28 =	vld.idx.msk [tilespmem:v28+s5+$0x0], $0xffff  }
0x1d3: {  	v57 =	vadd.s32 s30, v19;
	s0 =	simm.s32 $0x9;
	v55 =	vld.idx.msk [tilespmem:v38+s5+$0x0], $0xffff;
	[tilespmem:s3+$0xE8] =	vst v30  }
0x1d4: {  	v31 =	vadd.s32 s0, v16;
	[tilespmem:s3+$0xFFFFFF40] =	vst v32;
	v30 =	vadd.s32 s9, v23;
	v33 =	vld.idx.msk [tilespmem:v33+s5+$0x0], $0xffff  }
0x1d5: {  	v58 =	vadd.s32 s31, v19;
	v39 =	vld.idx.msk [tilespmem:v27+s5+$0x0], $0xffff;
	[tilespmem:s28+$0xA8] =	vst v26;
	v26 =	vand.u32 $0x1FF, v30  }
0x1d6: {  	v59 =	vadd.s32 s26, v19;
	v27 =	vld.idx.msk [tilespmem:v29+s5+$0x0], $0xffff;
	v40 =	vadd.s32 v24, v26;
	v26 =	vadd.s32 s8, v23  }
0x1d7: {  	[tilespmem:s28+$0xFFFFFF98] =	vst v28;
	v30 =	vld.idx.msk [tilespmem:v56+s5+$0x0], $0xffff;
	v60 =	vand.u32 $0x1FF, v26  }
0x1d8: {  	v29 =	vld.idx.msk [tilespmem:v57+s5+$0x0], $0xffff;
	[tilespmem:s28+$0x20] =	vst v55;
	v35 =	vadd.s32 v24, v60  }
0x1d9: {  	v26 =	vld.idx.msk [tilespmem:v31+s5+$0x0], $0xffff;
	[tilespmem:s3+$0xF8] =	vst v33;
	v33 =	vadd.s32 s17, v20  }
0x1da: {  	v61 =	vadd.s32 s6, v23;
	v36 =	vadd.s32 s30, v20;
	[tilespmem:s28+$0xFFFFFF10] =	vst v34;
	v28 =	vld.idx.msk [tilespmem:v58+s5+$0x0], $0xffff  }
0x1db: {  	v62 =	vand.u32 $0x1FF, v61;
	v37 =	vadd.s32 s31, v20;
	[tilespmem:s3+$0xFFFFFFD8] =	vst v0;
	v31 =	vld.idx.msk [tilespmem:v59+s5+$0x0], $0xffff  }
0x1dc: {  	s25 =	sshll.u32 s24, $0x1;
	v32 =	vadd.s32 v24, v62;
	s6 =	simm.s32 $0xB;
	s8 =	simm.s32 $0xC;
	[tilespmem:s3+$0x60] =	vst v39;
	v34 =	vld.idx.msk [tilespmem:v40+s5+$0x0], $0xffff  }
.LBB2_33:
0x1dd: {  	p2 =	slt.u32 s8, $0x7C;
	v0 =	vadd.s32 s6, v16;
	[tilespmem:s28+$0xB8] =	vst v30;
	v30 =	vld.idx.msk [tilespmem:v35+s5+$0x0], $0xffff  }
0x1de: {  	s9 =	sadd.s32 $0x2, s29;
	v35 =	vadd.s32 s26, v20;
	[tilespmem:s28+$0xFFFFFFA8] =	vst v29;
	v29 =	vld.idx.msk [tilespmem:v33+s5+$0x0], $0xffff  }
0x1df: {  	v33 =	vadd.s32 s9, v16;
	v36 =	vld.idx.msk [tilespmem:v36+s5+$0x0], $0xffff;
	[tilespmem:s28+$0x30] =	vst v28  }
0x1e0: {  	v28 =	vld.idx.msk [tilespmem:v37+s5+$0x0], $0xffff;
	v37 =	vadd.s32 s17, v21;
	[tilespmem:s3+$0xFFFFFF50] =	vst v27  }
0x1e1: {  	v27 =	vadd.s32 s30, v21;
	[tilespmem:s28+$0xFFFFFF20] =	vst v31;
	v31 =	vld.idx.msk [tilespmem:v32+s5+$0x0], $0xffff  }
0x1e2: {  	v32 =	vadd.s32 s31, v21;
	v0 =	vld.idx.msk [tilespmem:v0+s5+$0x0], $0xffff;
	[tilespmem:s3+$0xFFFFFFE8] =	vst v34  }
0x1e3: {  	v34 =	vadd.s32 s8, v16;
	v35 =	vld.idx.msk [tilespmem:v35+s5+$0x0], $0xffff;
	[tilespmem:s3+$0x70] =	vst v30  }
0x1e4: {  	v30 =	vld.idx.msk [tilespmem:v33+s5+$0x0], $0xffff;
	v33 =	vadd.s32 s6, v17;
	[tilespmem:s28+$0xC8] =	vst v29  }
0x1e5: {  	v29 =	vadd.s32 s0, v17;
	[tilespmem:s28+$0xFFFFFFB8] =	vst v36;
	v36 =	vld.idx.msk [tilespmem:v37+s5+$0x0], $0xffff  }
0x1e6: {  	v37 =	vadd.s32 s9, v17;
	v27 =	vld.idx.msk [tilespmem:v27+s5+$0x0], $0xffff;
	[tilespmem:s28+$0x40] =	vst v28  }
0x1e7: {  	v28 =	vld.idx.msk [tilespmem:v32+s5+$0x0], $0xffff;
	v32 =	vadd.s32 s17, v22;
	[tilespmem:s3+$0xFFFFFF60] =	vst v31;
	s3 =	smov.u32 s28;
	s28 =	sadd.s32 $0x220, s28  }
0x1e8: {  	v31 =	vld.idx.msk [tilespmem:v34+s5+$0x0], $0xffff;
	v34 =	vadd.s32 s29, v17;
	[tilespmem:s28+$0x88] =	vst v0  }
0x1e9: {  	[tilespmem:s28+$0xFFFFFF78] =	vst v26;
	v0 =	vld.idx.msk [tilespmem:v33+s5+$0x0], $0xffff;
	v26 =	vadd.s32 s26, v21  }
0x1ea: {  	v29 =	vld.idx.msk [tilespmem:v29+s5+$0x0], $0xffff;
	[tilespmem:s28+$0x0] =	vst v30;
	v30 =	vadd.s32 s30, v22  }
0x1eb: {  	v33 =	vld.idx.msk [tilespmem:v37+s5+$0x0], $0xffff;
	v37 =	vadd.s32 s6, v18;
	[tilespmem:s3+$0xD8] =	vst v36  }
0x1ec: {  	v39 =	vadd.s32 s17, v23;
	s17 =	smov.u32 s6;
	v36 =	vadd.s32 s0, v18;
	[tilespmem:s28+$0xFFFFFEF0] =	vst v25;
	v32 =	vld.idx.msk [tilespmem:v32+s5+$0x0], $0xffff  }
0x1ed: {  	v38 =	vadd.s32 s9, v18;
	v34 =	vld.idx.msk [tilespmem:v34+s5+$0x0], $0xffff;
	[tilespmem:s3+$0xFFFFFF30] =	vst v35;
	v35 =	vand.u32 $0x1FF, v39  }
0x1ee: {  	v25 =	vmov v31;
	v26 =	vld.idx.msk [tilespmem:v26+s5+$0x0], $0xffff;
	[tilespmem:s3+$0xFFFFFFC8] =	vst v27;
	v27 =	vadd.s32 v24, v35  }
0x1ef: {  	v31 =	vadd.s32 s29, v18;
	[tilespmem:s28+$0x98] =	vst v0;
	v0 =	vld.idx.msk [tilespmem:v30+s5+$0x0], $0xffff  }
0x1f0: {  	v30 =	vadd.s32 s31, v22;
	[tilespmem:s28+$0xFFFFFF88] =	vst v29;
	v29 =	vld.idx.msk [tilespmem:v37+s5+$0x0], $0xffff  }
0x1f1: {  	v35 =	vld.idx.msk [tilespmem:v36+s5+$0x0], $0xffff;
	[tilespmem:s28+$0x10] =	vst v33;
	v33 =	vadd.s32 s26, v22  }
0x1f2: {  	v37 =	vadd.s32 s17, v19;
	v36 =	vld.idx.msk [tilespmem:v38+s5+$0x0], $0xffff;
	[tilespmem:s3+$0xE8] =	vst v32  }
0x1f3: {  	v32 =	vadd.s32 s0, v19;
	[tilespmem:s28+$0xFFFFFF00] =	vst v34;
	v34 =	vld.idx.msk [tilespmem:v27+s5+$0x0], $0xffff  }
0x1f4: {  	s6 =	sadd.s32 $0x1, s8;
	v38 =	vadd.s32 s9, v19;
	v31 =	vld.idx.msk [tilespmem:v31+s5+$0x0], $0xffff;
	[tilespmem:s3+$0x50] =	vst v28  }
0x1f5: {  	v39 =	vadd.s32 s6, v16;
	[tilespmem:s3+$0xFFFFFF40] =	vst v26;
	v26 =	vadd.s32 s30, v23;
	v40 =	vld.idx.msk [tilespmem:v30+s5+$0x0], $0xffff;
	s30 =	smov.u32 s0;
	s0 =	smov.u32 s6  }
0x1f6: {  	v41 =	vadd.s32 s29, v19;
	v28 =	vadd.s32 s31, v23;
	s31 =	smov.u32 s9;
	[tilespmem:s28+$0xA8] =	vst v29;
	v27 =	vld.idx.msk [tilespmem:v33+s5+$0x0], $0xffff;
	v26 =	vand.u32 $0x1FF, v26  }
0x1f7: {  	[tilespmem:s28+$0xFFFFFF98] =	vst v35;
	v30 =	vld.idx.msk [tilespmem:v37+s5+$0x0], $0xffff;
	v42 =	vadd.s32 v24, v26;
	v26 =	vand.u32 $0x1FF, v28  }
.Ltmp22:
0x1f8: {  	v29 =	vld.idx.msk [tilespmem:v32+s5+$0x0], $0xffff;
	[tilespmem:s28+$0x20] =	vst v36;
	v35 =	vadd.s32 v24, v26;
	(pc) =	sbr.rel @p2 .LBB2_33-.Ltmp22, $4  }
0x1f9: {  	v33 =	vadd.s32 s17, v20;
	v28 =	vld.idx.msk [tilespmem:v38+s5+$0x0], $0xffff;
	[tilespmem:s3+$0xF8] =	vst v34  }
0x1fa: {  	v36 =	vadd.s32 s30, v20;
	v32 =	vadd.s32 s26, v23;
	s26 =	smov.u32 s29;
	s29 =	smov.u32 s8;
	v26 =	vld.idx.msk [tilespmem:v39+s5+$0x0], $0xffff;
	[tilespmem:s28+$0xFFFFFF10] =	vst v31  }
0x1fb: {  	v37 =	vadd.s32 s31, v20;
	v32 =	vand.u32 $0x1FF, v32;
	v31 =	vld.idx.msk [tilespmem:v41+s5+$0x0], $0xffff;
	[tilespmem:s3+$0xFFFFFFD8] =	vst v0  }
0x1fc: {  	s8 =	sadd.s32 $0x4, s8;
	s6 =	sadd.s32 $0x3, s29;
	v32 =	vadd.s32 v24, v32;
	v34 =	vld.idx.msk [tilespmem:v42+s5+$0x0], $0xffff;
	[tilespmem:s3+$0x60] =	vst v40  }
0x1fd: {  	_ = 	snop  }
0x1fe: {  	v0 =	vadd.s32 s6, v16;
	[tilespmem:s28+$0xB8] =	vst v30  }
0x1ff: {  	s9 =	sadd.s32 $0x2, s29;
	[tilespmem:s28+$0xFFFFFFA8] =	vst v29  }
0x200: {  	[tilespmem:s3+$0xFFFFFF50] =	vst v27;
	v46 =	vadd.s32 s9, v16  }
0x201: {  	v44 =	vld.idx.msk [tilespmem:v35+s5+$0x0], $0xffff;
	s8 =	sadd.s32 $0x220, s28;
	[tilespmem:s28+$0x30] =	vst v28  }
0x202: {  	[tilespmem:s8+$0xFFFFFEF0] =	vst v25;
	v27 =	vld.idx.msk [tilespmem:v37+s5+$0x0], $0xffff  }
0x203: {  	v50 =	vadd.s32 s0, v17;
	[tilespmem:s8+$0xFFFFFF78] =	vst v26;
	v0 =	vld.idx.msk [tilespmem:v0+s5+$0x0], $0xffff  }
0x204: {  	v49 =	vadd.s32 s6, v17;
	v45 =	vld.idx.msk [tilespmem:v33+s5+$0x0], $0xffff;
	[tilespmem:s28+$0xFFFFFF20] =	vst v31  }
0x205: {  	v52 =	vadd.s32 s26, v20;
	[tilespmem:s3+$0xFFFFFFE8] =	vst v34;
	v33 =	vld.idx.msk [tilespmem:v46+s5+$0x0], $0xffff  }
0x206: {  	v47 =	vld.idx.msk [tilespmem:v36+s5+$0x0], $0xffff;
	v51 =	vadd.s32 s9, v17;
	[tilespmem:s3+$0x70] =	vst v44  }
0x207: {  	v32 =	vld.idx.msk [tilespmem:v32+s5+$0x0], $0xffff;
	[tilespmem:s28+$0x40] =	vst v27;
	v27 =	vadd.s32 s29, v17  }
0x208: {  	v48 =	vadd.s32 s17, v21;
	v29 =	vld.idx.msk [tilespmem:v50+s5+$0x0], $0xffff;
	[tilespmem:s8+$0x88] =	vst v0  }
0x209: {  	[tilespmem:s28+$0xC8] =	vst v45;
	v0 =	vadd.s32 s30, v21;
	v26 =	vld.idx.msk [tilespmem:v49+s5+$0x0], $0xffff  }
0x20a: {  	v53 =	vadd.s32 s6, v18;
	v55 =	vld.idx.msk [tilespmem:v52+s5+$0x0], $0xffff;
	[tilespmem:s8+$0x0] =	vst v33  }
0x20b: {  	v25 =	vadd.s32 s0, v18;
	[tilespmem:s28+$0xFFFFFFB8] =	vst v47;
	v28 =	vld.idx.msk [tilespmem:v51+s5+$0x0], $0xffff  }
0x20c: {  	v54 =	vadd.s32 s9, v18;
	[tilespmem:s3+$0xFFFFFF60] =	vst v32;
	v27 =	vld.idx.msk [tilespmem:v27+s5+$0x0], $0xffff  }
0x20d: {  	v56 =	vadd.s32 s29, v18;
	v31 =	vld.idx.msk [tilespmem:v48+s5+$0x0], $0xffff;
	[tilespmem:s8+$0xFFFFFF88] =	vst v29  }
0x20e: {  	v57 =	vadd.s32 s17, v22;
	v0 =	vld.idx.msk [tilespmem:v0+s5+$0x0], $0xffff;
	[tilespmem:s8+$0x98] =	vst v26  }
0x20f: {  	[tilespmem:s28+$0xFFFFFF30] =	vst v55;
	v26 =	vadd.s32 s31, v21;
	v58 =	vld.idx.msk [tilespmem:v53+s5+$0x0], $0xffff  }
0x210: {  	v59 =	vadd.s32 s6, v19;
	v25 =	vld.idx.msk [tilespmem:v25+s5+$0x0], $0xffff;
	[tilespmem:s8+$0x10] =	vst v28  }
0x211: {  	[tilespmem:s8+$0xFFFFFF00] =	vst v27;
	v27 =	vadd.s32 s0, v19;
	v60 =	vld.idx.msk [tilespmem:v54+s5+$0x0], $0xffff  }
0x212: {  	v61 =	vadd.s32 s9, v19;
	[tilespmem:s28+$0xD8] =	vst v31;
	v31 =	vld.idx.msk [tilespmem:v56+s5+$0x0], $0xffff  }
0x213: {  	v36 =	vadd.s32 s17, v23;
	v62 =	vld.idx.msk [tilespmem:v57+s5+$0x0], $0xffff;
	[tilespmem:s28+$0xFFFFFFC8] =	vst v0;
	v0 =	vadd.s32 s29, v19  }
0x214: {  	v37 =	vadd.s32 s26, v21;
	v34 =	vand.u32 $0x1FF, v36;
	v26 =	vld.idx.msk [tilespmem:v26+s5+$0x0], $0xffff;
	[tilespmem:s8+$0xA8] =	vst v58  }
0x215: {  	v38 =	vadd.s32 v24, v34;
	[tilespmem:s8+$0xFFFFFF98] =	vst v25;
	v25 =	vld.idx.msk [tilespmem:v59+s5+$0x0], $0xffff  }
0x216: {  	v39 =	vadd.s32 s6, v20;
	v27 =	vld.idx.msk [tilespmem:v27+s5+$0x0], $0xffff;
	[tilespmem:s8+$0x20] =	vst v60  }
0x217: {  	v40 =	vadd.s32 s0, v20;
	[tilespmem:s8+$0xFFFFFF10] =	vst v31;
	v30 =	vld.idx.msk [tilespmem:v61+s5+$0x0], $0xffff  }
0x218: {  	v41 =	vadd.s32 s9, v20;
	[tilespmem:s28+$0xE8] =	vst v62;
	v0 =	vld.idx.msk [tilespmem:v0+s5+$0x0], $0xffff  }
0x219: {  	v42 =	vld.idx.msk [tilespmem:v37+s5+$0x0], $0xffff;
	[tilespmem:s28+$0x50] =	vst v26;
	v26 =	vadd.s32 s29, v20  }
0x21a: {  	v43 =	vadd.s32 s30, v22;
	v29 =	vld.idx.msk [tilespmem:v38+s5+$0x0], $0xffff;
	[tilespmem:s8+$0xB8] =	vst v25  }
0x21b: {  	[tilespmem:s8+$0xFFFFFFA8] =	vst v27;
	v25 =	vadd.s32 s31, v22;
	v27 =	vld.idx.msk [tilespmem:v39+s5+$0x0], $0xffff  }
0x21c: {  	v45 =	vadd.s32 s6, v21;
	v44 =	vld.idx.msk [tilespmem:v40+s5+$0x0], $0xffff;
	[tilespmem:s8+$0x30] =	vst v30  }
0x21d: {  	v46 =	vld.idx.msk [tilespmem:v41+s5+$0x0], $0xffff;
	[tilespmem:s8+$0xFFFFFF20] =	vst v0;
	v0 =	vadd.s32 s0, v21  }
0x21e: {  	v47 =	vadd.s32 s9, v21;
	[tilespmem:s28+$0xFFFFFF40] =	vst v42;
	v26 =	vld.idx.msk [tilespmem:v26+s5+$0x0], $0xffff  }
0x21f: {  	v50 =	vadd.s32 s29, v21;
	v49 =	vadd.s32 s30, v23;
	v48 =	vld.idx.msk [tilespmem:v43+s5+$0x0], $0xffff;
	[tilespmem:s28+$0xF8] =	vst v29  }
0x220: {  	v51 =	vadd.s32 s26, v22;
	v34 =	vand.u32 $0x1FF, v49;
	v25 =	vld.idx.msk [tilespmem:v25+s5+$0x0], $0xffff;
	[tilespmem:s8+$0xC8] =	vst v27  }
0x221: {  	[tilespmem:s8+$0xFFFFFFB8] =	vst v44;
	v27 =	vadd.s32 v24, v34;
	v52 =	vld.idx.msk [tilespmem:v45+s5+$0x0], $0xffff  }
0x222: {  	v53 =	vadd.s32 s6, v22;
	v0 =	vld.idx.msk [tilespmem:v0+s5+$0x0], $0xffff;
	[tilespmem:s8+$0x40] =	vst v46  }
0x223: {  	v54 =	vadd.s32 s0, v22;
	v31 =	vld.idx.msk [tilespmem:v47+s5+$0x0], $0xffff;
	[tilespmem:s8+$0xFFFFFF30] =	vst v26  }
0x224: {  	v55 =	vadd.s32 s9, v22;
	v57 =	vadd.s32 s26, v23;
	[tilespmem:s28+$0xFFFFFFD8] =	vst v48;
	v29 =	vld.idx.msk [tilespmem:v50+s5+$0x0], $0xffff  }
0x225: {  	v35 =	vand.u32 $0x1FF, v57;
	v56 =	vld.idx.msk [tilespmem:v51+s5+$0x0], $0xffff;
	v26 =	vadd.s32 s31, v23;
	[tilespmem:s28+$0x60] =	vst v25;
	v25 =	vadd.s32 s29, v22  }
0x226: {  	v35 =	vadd.s32 v24, v35;
	v58 =	vadd.s32 s6, v23;
	v26 =	vand.u32 $0x1FF, v26;
	v27 =	vld.idx.msk [tilespmem:v27+s5+$0x0], $0xffff;
	[tilespmem:s8+$0xD8] =	vst v52  }
0x227: {  	v28 =	vand.u32 $0x1FF, v58;
	v26 =	vadd.s32 v24, v26;
	[tilespmem:s8+$0xFFFFFFC8] =	vst v0;
	v0 =	vadd.s32 s0, v23;
	v30 =	vld.idx.msk [tilespmem:v53+s5+$0x0], $0xffff  }
0x228: {  	v59 =	vadd.s32 s9, v23;
	v28 =	vadd.s32 v24, v28;
	v32 =	vld.idx.msk [tilespmem:v54+s5+$0x0], $0xffff;
	[tilespmem:s8+$0x50] =	vst v31;
	v0 =	vand.u32 $0x1FF, v0  }
0x229: {  	v61 =	vadd.s32 s29, v23;
	v31 =	vand.u32 $0x1FF, v59;
	[tilespmem:s8+$0xFFFFFF40] =	vst v29;
	v60 =	vld.idx.msk [tilespmem:v55+s5+$0x0], $0xffff;
	v0 =	vadd.s32 v24, v0  }
0x22a: {  	[tilespmem:s28+$0xFFFFFF50] =	vst v56;
	v33 =	vand.u32 $0x1FF, v61;
	v31 =	vadd.s32 v24, v31;
	v25 =	vld.idx.msk [tilespmem:v25+s5+$0x0], $0xffff  }
0x22b: {  	v62 =	vld.idx.msk [tilespmem:v35+s5+$0x0], $0xffff;
	[tilespmem:s28+$0xFFFFFFE8] =	vst v27;
	v27 =	vadd.s32 v24, v33  }
0x22c: {  	v26 =	vld.idx.msk [tilespmem:v26+s5+$0x0], $0xffff;
	[tilespmem:s8+$0xE8] =	vst v30  }
0x22d: {  	[tilespmem:s8+$0xFFFFFFD8] =	vst v32;
	v28 =	vld.idx.msk [tilespmem:v28+s5+$0x0], $0xffff  }
0x22e: {  	v0 =	vld.idx.msk [tilespmem:v0+s5+$0x0], $0xffff;
	[tilespmem:s8+$0x60] =	vst v60  }
0x22f: {  	s17 =	sshll.u32 s24, $0x8;
	s26 =	sshll.u32 s24, $0x11;
	v29 =	vld.idx.msk [tilespmem:v31+s5+$0x0], $0xffff;
	[tilespmem:s8+$0xFFFFFF50] =	vst v25  }
0x230: {  	s3 =	sand.u32 $0x100000, s26;
	[tilespmem:s28+$0xFFFFFF60] =	vst v62;
	s29 =	sand.u32 $0x300, s17;
	s0 =	sand.u32 $0x400, s17;
	v25 =	vld.idx.msk [tilespmem:v27+s5+$0x0], $0xffff  }
0x231: {  	s30 =	sor.u32 s29, s11;
	s0 =	sor.u32 s0, s3;
	[tilespmem:s28+$0x70] =	vst v26  }
0x232: {  	s0 =	sor.u32 s0, s30;
	[tilespmem:s8+$0xF8] =	vst v28  }
0x233: {  	s0 =	sor.u32 s13, s0;
	[tilespmem:s8+$0xFFFFFFE8] =	vst v0  }
0x234: {  	s26 =	sshrl.u32 s0, $0x3;
	[tilespmem:s8+$0x70] =	vst v29  }
0x235: {  	s31 =	simm.s32 $0x10000;
	s3 =	simm.s32 $0x220;
	s0 =	sadd.s32 s4, s26;
	[tilespmem:s8+$0xFFFFFF60] =	vst v25  }
0x236: {  	[hbm4b:s0+s5] =	stream.linear.scatter [tilespmem:s31], [sflag:$0x2], $0x80, $0x38;
	[tilespmem:$0x18800] =	vst v63  }
.LBB2_35:
0x237: {  	p2 =	sne.s32 s3, $0x10DE0  }
.Ltmp23:
0x238: {  	_ = 	snop;
	(pc) =	sbr.rel @p2 .LBB2_35-.Ltmp23, $4  }
0x239: {  	_ = 	snop  }
0x23a: {  	s6 =	sshra.s32 s3, $0x2;
	s3 =	sadd.s32 $0x220, s3  }
0x23b: {  	s0 =	sadd.s32 $0x400, s0;
	s6 =	sadd.s32 $0x10000, s6  }
0x23c: {  	[hbm4b:s0+s5] =	stream.linear.scatter [tilespmem:s6], [sflag:$0x2], $0x80, $0x38;
	[tilespmem:$0x18800] =	vst v63  }
0x23d: {  	p2 =	seq.s32 s24, $0xF  }
.Ltmp24:
0x23e: {  	_ = 	snop;
	(pc) =	sbr.rel @p2 .LBB2_41-.Ltmp24, $1  }
0x23f: {  	_ =	sdelay $0x3  }
0x240: {  	s3 =	sadd.s32 $0x2, s25  }
0x241: {  	s0 =	sshrl.u32 s3, $0x3  }
0x242: {  	s6 =	sshrl.u32 s3, $0x4;
	s0 =	sand.u32 $0x1, s0  }
0x243: {  	s6 =	sadd.s32 s6, s0;
	s0 =	sshll.u32 s0, $0x15  }
0x244: {  	s8 =	sshll.u32 s3, $0x7;
	s0 =	ssub.s32 s14, s0;
	s3 =	sshll.u32 s6, $0xA  }
0x245: {  	s6 =	sand.u32 $0x300, s8;
	s31 =	sadd.s32 s3, s0  }
0x246: {  	s8 =	sor.u32 s6, s31  }
0x247: {  	s8 =	sshrl.u32 s8, $0x3  }
0x248: {  	s8 =	sadd.s32 s1, s8  }
0x249: {  	s9 =	simm.s32 $0x400;
	s17 =	simm.s32 $0x0;
	s10 =	sadd.s32 $0x800, s8  }
.LBB2_38:
0x24a: {  	[tilespmem:s17], [sflag:$0x1] =	stream.linear.gather [hbm4b:s8+s5], $0x80, $0x38;
	[tilespmem:$0x18800] =	vst v63  }
0x24b: {  	s17 =	smov.u32 s9;
	s8 =	smov.u32 s10;
	p3 =	sne.s32 s9, $0x1FC00  }
.Ltmp25:
0x24c: {  	s9 =	sadd.s32 $0x400, s9;
	(pc) =	sbr.rel @p3 .LBB2_38-.Ltmp25, $2  }
0x24d: {  	_ =	sdelay $0x2  }
0x24e: {  	s10 =	sadd.s32 $0x800, s10;
	s17 =	sshra.s32 s17, $0x2  }
0x24f: {  	[tilespmem:s17], [sflag:$0x1] =	stream.linear.gather [hbm4b:s8+s5], $0x80, $0x38;
	[tilespmem:$0x18800] =	vst v63  }
0x250: {  	s3 =	sadd.s32 s6, s3  }
0x251: {  	s0 =	sadd.s32 s0, s3  }
0x252: {  	s0 =	sadd.s32 $0x400, s0  }
0x253: {  	s0 =	sshrl.u32 s0, $0x3  }
0x254: {  	s31 =	simm.s32 $0x80;
	s3 =	simm.s32 $0x400;
	s0 =	sadd.s32 s1, s0  }
0x255: {  	[tilespmem:s31], [sflag:$0x1] =	stream.linear.gather [hbm4b:s0+s5], $0x80, $0x38;
	[tilespmem:$0x18800] =	vst v63  }
.LBB2_40:
0x256: {  	p3 =	sne.s32 s3, $0x1FC00  }
.Ltmp26:
0x257: {  	_ = 	snop;
	(pc) =	sbr.rel @p3 .LBB2_40-.Ltmp26, $4  }
0x258: {  	_ = 	snop  }
0x259: {  	s6 =	sshra.s32 s3, $0x2;
	s3 =	sadd.s32 $0x400, s3  }
0x25a: {  	s0 =	sadd.s32 $0x800, s0;
	s6 =	sadd.s32 $0x80, s6  }
0x25b: {  	[tilespmem:s6], [sflag:$0x1] =	stream.linear.gather [hbm4b:s0+s5], $0x80, $0x38;
	[tilespmem:$0x18800] =	vst v63  }
.LBB2_41:
0x25c: {  	_ =	swait.ge [sflag:s18], $0x4000  }
0x25d: {  	[sflag:s18] =	ssyncset.done $0x0  }
0x25e: {  	[sflag:s18] =	ssyncadd.s32 $0xFFFFC000  }
0x25f: {  	s17 =	simm.s32 $0x3;
	_ =	swait.ge [sflag:s18], $0x4000  }
0x260: {  	s10 =	simm.s32 $0x1;
	v0 =	vadd.s32 s17, v16;
	[sflag:s18] =	ssyncset.done $0x0  }
0x261: {  	s0 =	simm.s32 @!p1 $0x2;
	s9 =	simm.s32 $0x2;
	v25 =	vadd.s32 s10, v16;
	[sflag:s18] =	ssyncadd.s32 $0xFFFFC000  }
0x262: {  	s8 =	simm.s32 $0x0;
	v26 =	vadd.s32 s9, v16;
	_ =	swait.ge @!p1 [sflag:s0], $0x4000  }
0x263: {  	v27 =	vadd.s32 s8, v16;
	[sflag:s0] =	ssyncset.done @!p1 $0x0  }
0x264: {  	[sflag:s0] =	ssyncadd.s32 @!p1 $0xFFFFC000  }
0x265: {  	v0 =	vld.idx.msk [tilespmem:v0+s21+$0x0], $0xffff  }
0x266: {  	v28 =	vadd.s32 s17, v17;
	v25 =	vld.idx.msk [tilespmem:v25+s21+$0x0], $0xffff  }
0x267: {  	v29 =	vadd.s32 s10, v17;
	v26 =	vld.idx.msk [tilespmem:v26+s21+$0x0], $0xffff  }
0x268: {  	v30 =	vadd.s32 s9, v17;
	v27 =	vld.idx.msk [tilespmem:v27+s21+$0x0], $0xffff  }
0x269: {  	v31 =	vadd.s32 s8, v17;
	s0 =	simm.s32 $0x14608  }
0x26a: {  	[tilespmem:s0+$0xFFFFFF90] =	vst v0  }
0x26b: {  	[tilespmem:s0+$0xFFFFFE80] =	vst v25;
	v0 =	vld.idx.msk [tilespmem:v28+s21+$0x0], $0xffff  }
0x26c: {  	[tilespmem:s0+$0xFFFFFF08] =	vst v26;
	v26 =	vadd.s32 s17, v18;
	v25 =	vld.idx.msk [tilespmem:v29+s21+$0x0], $0xffff  }
0x26d: {  	[tilespmem:s0+$0xFFFFFDF8] =	vst v27;
	v28 =	vld.idx.msk [tilespmem:v30+s21+$0x0], $0xffff;
	v29 =	vadd.s32 s10, v18  }
0x26e: {  	v27 =	vadd.s32 s9, v18;
	v30 =	vld.idx.msk [tilespmem:v31+s21+$0x0], $0xffff  }
0x26f: {  	v31 =	vadd.s32 s8, v18  }
0x270: {  	s6 =	simm.s32 $0x7;
	[tilespmem:s0+$0xFFFFFFA0] =	vst v0  }
0x271: {  	v33 =	vadd.s32 s6, v16;
	[tilespmem:s0+$0xFFFFFE90] =	vst v25;
	v0 =	vld.idx.msk [tilespmem:v26+s21+$0x0], $0xffff  }
0x272: {  	[tilespmem:s0+$0xFFFFFF18] =	vst v28;
	v25 =	vld.idx.msk [tilespmem:v29+s21+$0x0], $0xffff;
	v26 =	vadd.s32 s17, v19  }
0x273: {  	v28 =	vadd.s32 s10, v19;
	[tilespmem:s0+$0xFFFFFE08] =	vst v30;
	v27 =	vld.idx.msk [tilespmem:v27+s21+$0x0], $0xffff  }
0x274: {  	v29 =	vadd.s32 s9, v19;
	v31 =	vld.idx.msk [tilespmem:v31+s21+$0x0], $0xffff  }
0x275: {  	s31 =	simm.s32 $0x5;
	v32 =	vadd.s32 s8, v19  }
0x276: {  	s28 =	simm.s32 $0x4;
	v47 =	vld.idx.msk [tilespmem:v33+s21+$0x0], $0xffff;
	[tilespmem:s0+$0xFFFFFFB0] =	vst v0;
	v0 =	vadd.s32 s31, v16  }
0x277: {  	v30 =	vadd.s32 s28, v16;
	[tilespmem:s0+$0xFFFFFEA0] =	vst v25;
	v25 =	vld.idx.msk [tilespmem:v26+s21+$0x0], $0xffff  }
0x278: {  	[tilespmem:s0+$0xFFFFFF28] =	vst v27;
	v27 =	vadd.s32 s17, v20;
	v26 =	vld.idx.msk [tilespmem:v28+s21+$0x0], $0xffff  }
0x279: {  	[tilespmem:s0+$0xFFFFFE18] =	vst v31;
	v28 =	vld.idx.msk [tilespmem:v29+s21+$0x0], $0xffff;
	v29 =	vadd.s32 s10, v20  }
0x27a: {  	s29 =	simm.s32 $0x14828;
	v31 =	vadd.s32 s9, v20;
	v32 =	vld.idx.msk [tilespmem:v32+s21+$0x0], $0xffff  }
0x27b: {  	v37 =	vadd.s32 s6, v17;
	[tilespmem:s29+$0xFFFFFF90] =	vst v47;
	v0 =	vld.idx.msk [tilespmem:v0+s21+$0x0], $0xffff  }
0x27c: {  	s3 =	simm.s32 $0x6;
	v30 =	vld.idx.msk [tilespmem:v30+s21+$0x0], $0xffff;
	[tilespmem:s0+$0xFFFFFFC0] =	vst v25;
	v25 =	vadd.s32 s8, v20  }
0x27d: {  	s30 =	simm.s32 $0x8;
	[tilespmem:s0+$0xFFFFFEB0] =	vst v26;
	v26 =	vld.idx.msk [tilespmem:v27+s21+$0x0], $0xffff;
	v27 =	vadd.s32 s3, v16  }
0x27e: {  	v35 =	vadd.s32 s30, v16;
	[tilespmem:s0+$0xFFFFFF38] =	vst v28;
	v29 =	vld.idx.msk [tilespmem:v29+s21+$0x0], $0xffff  }
0x27f: {  	v50 =	vadd.s32 s28, v17;
	[tilespmem:s0+$0xFFFFFE28] =	vst v32;
	v31 =	vld.idx.msk [tilespmem:v31+s21+$0x0], $0xffff  }
0x280: {  	v28 =	vadd.s32 s17, v21;
	[tilespmem:s29+$0xFFFFFE80] =	vst v0;
	v0 =	vld.idx.msk [tilespmem:v37+s21+$0x0], $0xffff  }
0x281: {  	v34 =	vadd.s32 s10, v21;
	v36 =	vld.idx.msk [tilespmem:v25+s21+$0x0], $0xffff  }
0x282: {  	v48 =	vadd.s32 s9, v21;
	[tilespmem:s29+$0xFFFFFDF8] =	vst v30;
	v27 =	vld.idx.msk [tilespmem:v27+s21+$0x0], $0xffff  }
0x283: {  	v25 =	vld.idx.msk [tilespmem:v35+s21+$0x0], $0xffff;
	[tilespmem:s0+$0xFFFFFFD0] =	vst v26;
	v26 =	vadd.s32 s31, v17  }
0x284: {  	v35 =	vld.idx.msk [tilespmem:v50+s21+$0x0], $0xffff;
	[tilespmem:s0+$0xFFFFFEC0] =	vst v29;
	v29 =	vadd.s32 s3, v17  }
0x285: {  	v51 =	vadd.s32 s8, v21;
	v28 =	vld.idx.msk [tilespmem:v28+s21+$0x0], $0xffff  }
0x286: {  	v49 =	vadd.s32 s17, v22;
	[tilespmem:s0+$0xFFFFFF48] =	vst v31;
	v34 =	vld.idx.msk [tilespmem:v34+s21+$0x0], $0xffff  }
0x287: {  	v31 =	vld.idx.msk [tilespmem:v48+s21+$0x0], $0xffff;
	[tilespmem:s29+$0xFFFFFF08] =	vst v27;
	v27 =	vadd.s32 s10, v22  }
0x288: {  	v52 =	vadd.s32 s6, v18;
	[tilespmem:s29+$0xFFFFFFA0] =	vst v0;
	v26 =	vld.idx.msk [tilespmem:v26+s21+$0x0], $0xffff  }
0x289: {  	v54 =	vadd.s32 s28, v18;
	[tilespmem:s0+$0xFFFFFE38] =	vst v36;
	v29 =	vld.idx.msk [tilespmem:v29+s21+$0x0], $0xffff  }
0x28a: {  	v53 =	vadd.s32 s17, v23;
	v32 =	vld.idx.msk [tilespmem:v51+s21+$0x0], $0xffff;
	[tilespmem:s0+$0xFFFFFFE0] =	vst v28;
	v28 =	vadd.s32 s31, v18  }
0x28b: {  	v38 =	vadd.s32 s3, v18;
	v33 =	vand.u32 $0x1FF, v53;
	[tilespmem:s0+$0xFFFFFED0] =	vst v34;
	v30 =	vld.idx.msk [tilespmem:v49+s21+$0x0], $0xffff  }
0x28c: {  	v33 =	vadd.s32 v24, v33;
	[tilespmem:s29+$0xFFFFFE08] =	vst v35;
	v0 =	vld.idx.msk [tilespmem:v27+s21+$0x0], $0xffff  }
0x28d: {  	[tilespmem:s29+$0xFFFFFE90] =	vst v26;
	v26 =	vld.idx.msk [tilespmem:v52+s21+$0x0], $0xffff;
	v27 =	vadd.s32 s9, v22  }
0x28e: {  	v34 =	vld.idx.msk [tilespmem:v54+s21+$0x0], $0xffff;
	[tilespmem:s29+$0xFFFFFF18] =	vst v29;
	v29 =	vadd.s32 s8, v22  }
0x28f: {  	v56 =	vadd.s32 s6, v19;
	[tilespmem:s0+$0xFFFFFF58] =	vst v31;
	v28 =	vld.idx.msk [tilespmem:v28+s21+$0x0], $0xffff  }
0x290: {  	v57 =	vadd.s32 s31, v19;
	s17 =	simm.s32 $0x9;
	v55 =	vld.idx.msk [tilespmem:v38+s21+$0x0], $0xffff;
	[tilespmem:s0+$0xFFFFFFF0] =	vst v30  }
0x291: {  	v31 =	vadd.s32 s17, v16;
	[tilespmem:s0+$0xFFFFFE48] =	vst v32;
	v30 =	vadd.s32 s10, v23;
	v33 =	vld.idx.msk [tilespmem:v33+s21+$0x0], $0xffff  }
0x292: {  	v58 =	vadd.s32 s3, v19;
	v39 =	vld.idx.msk [tilespmem:v27+s21+$0x0], $0xffff;
	[tilespmem:s29+$0xFFFFFFB0] =	vst v26;
	v26 =	vand.u32 $0x1FF, v30  }
0x293: {  	v59 =	vadd.s32 s28, v19;
	v27 =	vld.idx.msk [tilespmem:v29+s21+$0x0], $0xffff;
	v40 =	vadd.s32 v24, v26;
	v26 =	vadd.s32 s9, v23  }
0x294: {  	[tilespmem:s29+$0xFFFFFEA0] =	vst v28;
	v30 =	vld.idx.msk [tilespmem:v56+s21+$0x0], $0xffff;
	v60 =	vand.u32 $0x1FF, v26  }
0x295: {  	v29 =	vld.idx.msk [tilespmem:v57+s21+$0x0], $0xffff;
	[tilespmem:s29+$0xFFFFFF28] =	vst v55;
	v36 =	vadd.s32 v24, v60  }
0x296: {  	v26 =	vld.idx.msk [tilespmem:v31+s21+$0x0], $0xffff;
	[tilespmem:s0+$0x0] =	vst v33;
	v33 =	vadd.s32 s6, v20  }
0x297: {  	v61 =	vadd.s32 s8, v23;
	v35 =	vadd.s32 s31, v20;
	[tilespmem:s29+$0xFFFFFE18] =	vst v34;
	v28 =	vld.idx.msk [tilespmem:v58+s21+$0x0], $0xffff  }
0x298: {  	v62 =	vand.u32 $0x1FF, v61;
	v37 =	vadd.s32 s3, v20;
	[tilespmem:s0+$0xFFFFFEE0] =	vst v0;
	v31 =	vld.idx.msk [tilespmem:v59+s21+$0x0], $0xffff  }
0x299: {  	v32 =	vadd.s32 v24, v62;
	s8 =	simm.s32 $0xB;
	s9 =	simm.s32 $0xC;
	[tilespmem:s0+$0xFFFFFF68] =	vst v39;
	v34 =	vld.idx.msk [tilespmem:v40+s21+$0x0], $0xffff  }
.LBB2_42:
0x29a: {  	p1 =	slt.u32 s9, $0x7C;
	v0 =	vadd.s32 s8, v16;
	[tilespmem:s29+$0xFFFFFFC0] =	vst v30;
	v30 =	vld.idx.msk [tilespmem:v36+s21+$0x0], $0xffff  }
0x29b: {  	s10 =	sadd.s32 $0x2, s30;
	v36 =	vadd.s32 s28, v20;
	[tilespmem:s29+$0xFFFFFEB0] =	vst v29;
	v29 =	vld.idx.msk [tilespmem:v33+s21+$0x0], $0xffff  }
0x29c: {  	v33 =	vadd.s32 s10, v16;
	v35 =	vld.idx.msk [tilespmem:v35+s21+$0x0], $0xffff;
	[tilespmem:s29+$0xFFFFFF38] =	vst v28  }
0x29d: {  	v28 =	vld.idx.msk [tilespmem:v37+s21+$0x0], $0xffff;
	v37 =	vadd.s32 s6, v21;
	[tilespmem:s0+$0xFFFFFE58] =	vst v27  }
0x29e: {  	v27 =	vadd.s32 s31, v21;
	[tilespmem:s29+$0xFFFFFE28] =	vst v31;
	v31 =	vld.idx.msk [tilespmem:v32+s21+$0x0], $0xffff  }
0x29f: {  	v32 =	vadd.s32 s3, v21;
	v0 =	vld.idx.msk [tilespmem:v0+s21+$0x0], $0xffff;
	[tilespmem:s0+$0xFFFFFEF0] =	vst v34  }
0x2a0: {  	v34 =	vadd.s32 s9, v16;
	v36 =	vld.idx.msk [tilespmem:v36+s21+$0x0], $0xffff;
	[tilespmem:s0+$0xFFFFFF78] =	vst v30  }
0x2a1: {  	v30 =	vld.idx.msk [tilespmem:v33+s21+$0x0], $0xffff;
	v33 =	vadd.s32 s8, v17;
	[tilespmem:s29+$0xFFFFFFD0] =	vst v29  }
0x2a2: {  	v29 =	vadd.s32 s17, v17;
	[tilespmem:s29+$0xFFFFFEC0] =	vst v35;
	v35 =	vld.idx.msk [tilespmem:v37+s21+$0x0], $0xffff  }
0x2a3: {  	v37 =	vadd.s32 s10, v17;
	v27 =	vld.idx.msk [tilespmem:v27+s21+$0x0], $0xffff;
	[tilespmem:s29+$0xFFFFFF48] =	vst v28  }
0x2a4: {  	v28 =	vld.idx.msk [tilespmem:v32+s21+$0x0], $0xffff;
	v32 =	vadd.s32 s6, v22;
	[tilespmem:s0+$0xFFFFFE68] =	vst v31;
	s0 =	smov.u32 s29;
	s29 =	sadd.s32 $0x220, s29  }
0x2a5: {  	v31 =	vld.idx.msk [tilespmem:v34+s21+$0x0], $0xffff;
	v34 =	vadd.s32 s30, v17;
	[tilespmem:s29+$0xFFFFFF90] =	vst v0  }
0x2a6: {  	[tilespmem:s29+$0xFFFFFE80] =	vst v26;
	v0 =	vld.idx.msk [tilespmem:v33+s21+$0x0], $0xffff;
	v26 =	vadd.s32 s28, v21  }
0x2a7: {  	v29 =	vld.idx.msk [tilespmem:v29+s21+$0x0], $0xffff;
	[tilespmem:s29+$0xFFFFFF08] =	vst v30;
	v30 =	vadd.s32 s31, v22  }
0x2a8: {  	v33 =	vld.idx.msk [tilespmem:v37+s21+$0x0], $0xffff;
	v37 =	vadd.s32 s8, v18;
	[tilespmem:s0+$0xFFFFFFE0] =	vst v35  }
0x2a9: {  	v39 =	vadd.s32 s6, v23;
	s6 =	smov.u32 s8;
	v35 =	vadd.s32 s17, v18;
	[tilespmem:s29+$0xFFFFFDF8] =	vst v25;
	v32 =	vld.idx.msk [tilespmem:v32+s21+$0x0], $0xffff  }
0x2aa: {  	v38 =	vadd.s32 s10, v18;
	v34 =	vld.idx.msk [tilespmem:v34+s21+$0x0], $0xffff;
	[tilespmem:s0+$0xFFFFFE38] =	vst v36;
	v36 =	vand.u32 $0x1FF, v39  }
0x2ab: {  	v25 =	vmov v31;
	v26 =	vld.idx.msk [tilespmem:v26+s21+$0x0], $0xffff;
	[tilespmem:s0+$0xFFFFFED0] =	vst v27;
	v27 =	vadd.s32 v24, v36  }
0x2ac: {  	v31 =	vadd.s32 s30, v18;
	[tilespmem:s29+$0xFFFFFFA0] =	vst v0;
	v0 =	vld.idx.msk [tilespmem:v30+s21+$0x0], $0xffff  }
0x2ad: {  	v30 =	vadd.s32 s3, v22;
	[tilespmem:s29+$0xFFFFFE90] =	vst v29;
	v29 =	vld.idx.msk [tilespmem:v37+s21+$0x0], $0xffff  }
0x2ae: {  	v35 =	vld.idx.msk [tilespmem:v35+s21+$0x0], $0xffff;
	[tilespmem:s29+$0xFFFFFF18] =	vst v33;
	v33 =	vadd.s32 s28, v22  }
0x2af: {  	v37 =	vadd.s32 s6, v19;
	v36 =	vld.idx.msk [tilespmem:v38+s21+$0x0], $0xffff;
	[tilespmem:s0+$0xFFFFFFF0] =	vst v32  }
0x2b0: {  	v32 =	vadd.s32 s17, v19;
	[tilespmem:s29+$0xFFFFFE08] =	vst v34;
	v34 =	vld.idx.msk [tilespmem:v27+s21+$0x0], $0xffff  }
0x2b1: {  	s8 =	sadd.s32 $0x1, s9;
	v38 =	vadd.s32 s10, v19;
	v31 =	vld.idx.msk [tilespmem:v31+s21+$0x0], $0xffff;
	[tilespmem:s0+$0xFFFFFF58] =	vst v28  }
0x2b2: {  	v39 =	vadd.s32 s8, v16;
	[tilespmem:s0+$0xFFFFFE48] =	vst v26;
	v26 =	vadd.s32 s31, v23;
	v40 =	vld.idx.msk [tilespmem:v30+s21+$0x0], $0xffff;
	s31 =	smov.u32 s17;
	s17 =	smov.u32 s8  }
0x2b3: {  	v41 =	vadd.s32 s30, v19;
	v28 =	vadd.s32 s3, v23;
	s3 =	smov.u32 s10;
	[tilespmem:s29+$0xFFFFFFB0] =	vst v29;
	v27 =	vld.idx.msk [tilespmem:v33+s21+$0x0], $0xffff;
	v26 =	vand.u32 $0x1FF, v26  }
0x2b4: {  	[tilespmem:s29+$0xFFFFFEA0] =	vst v35;
	v30 =	vld.idx.msk [tilespmem:v37+s21+$0x0], $0xffff;
	v42 =	vadd.s32 v24, v26;
	v26 =	vand.u32 $0x1FF, v28  }
.Ltmp27:
0x2b5: {  	v29 =	vld.idx.msk [tilespmem:v32+s21+$0x0], $0xffff;
	[tilespmem:s29+$0xFFFFFF28] =	vst v36;
	v36 =	vadd.s32 v24, v26;
	(pc) =	sbr.rel @p1 .LBB2_42-.Ltmp27, $4  }
0x2b6: {  	v33 =	vadd.s32 s6, v20;
	v28 =	vld.idx.msk [tilespmem:v38+s21+$0x0], $0xffff;
	[tilespmem:s0+$0x0] =	vst v34  }
0x2b7: {  	v35 =	vadd.s32 s31, v20;
	v32 =	vadd.s32 s28, v23;
	s28 =	smov.u32 s30;
	s30 =	smov.u32 s9;
	v26 =	vld.idx.msk [tilespmem:v39+s21+$0x0], $0xffff;
	[tilespmem:s29+$0xFFFFFE18] =	vst v31  }
0x2b8: {  	v37 =	vadd.s32 s3, v20;
	v32 =	vand.u32 $0x1FF, v32;
	v31 =	vld.idx.msk [tilespmem:v41+s21+$0x0], $0xffff;
	[tilespmem:s0+$0xFFFFFEE0] =	vst v0  }
0x2b9: {  	s9 =	sadd.s32 $0x4, s9;
	s8 =	sadd.s32 $0x3, s30;
	v32 =	vadd.s32 v24, v32;
	v34 =	vld.idx.msk [tilespmem:v42+s21+$0x0], $0xffff;
	[tilespmem:s0+$0xFFFFFF68] =	vst v40  }
0x2ba: {  	_ = 	snop  }
0x2bb: {  	v0 =	vadd.s32 s8, v16;
	[tilespmem:s29+$0xFFFFFFC0] =	vst v30  }
0x2bc: {  	s10 =	sadd.s32 $0x2, s30;
	[tilespmem:s29+$0xFFFFFEB0] =	vst v29  }
0x2bd: {  	[tilespmem:s0+$0xFFFFFE58] =	vst v27;
	v46 =	vadd.s32 s10, v16  }
0x2be: {  	v44 =	vld.idx.msk [tilespmem:v36+s21+$0x0], $0xffff;
	s9 =	sadd.s32 $0x220, s29;
	[tilespmem:s29+$0xFFFFFF38] =	vst v28  }
0x2bf: {  	[tilespmem:s9+$0xFFFFFDF8] =	vst v25;
	v27 =	vld.idx.msk [tilespmem:v37+s21+$0x0], $0xffff  }
0x2c0: {  	v50 =	vadd.s32 s17, v17;
	[tilespmem:s9+$0xFFFFFE80] =	vst v26;
	v0 =	vld.idx.msk [tilespmem:v0+s21+$0x0], $0xffff  }
0x2c1: {  	v49 =	vadd.s32 s8, v17;
	v45 =	vld.idx.msk [tilespmem:v33+s21+$0x0], $0xffff;
	[tilespmem:s29+$0xFFFFFE28] =	vst v31  }
0x2c2: {  	v52 =	vadd.s32 s28, v20;
	[tilespmem:s0+$0xFFFFFEF0] =	vst v34;
	v33 =	vld.idx.msk [tilespmem:v46+s21+$0x0], $0xffff  }
0x2c3: {  	v47 =	vld.idx.msk [tilespmem:v35+s21+$0x0], $0xffff;
	v51 =	vadd.s32 s10, v17;
	[tilespmem:s0+$0xFFFFFF78] =	vst v44  }
0x2c4: {  	v32 =	vld.idx.msk [tilespmem:v32+s21+$0x0], $0xffff;
	[tilespmem:s29+$0xFFFFFF48] =	vst v27;
	v27 =	vadd.s32 s30, v17  }
0x2c5: {  	v48 =	vadd.s32 s6, v21;
	v29 =	vld.idx.msk [tilespmem:v50+s21+$0x0], $0xffff;
	[tilespmem:s9+$0xFFFFFF90] =	vst v0  }
0x2c6: {  	[tilespmem:s29+$0xFFFFFFD0] =	vst v45;
	v0 =	vadd.s32 s31, v21;
	v26 =	vld.idx.msk [tilespmem:v49+s21+$0x0], $0xffff  }
0x2c7: {  	v53 =	vadd.s32 s8, v18;
	v55 =	vld.idx.msk [tilespmem:v52+s21+$0x0], $0xffff;
	[tilespmem:s9+$0xFFFFFF08] =	vst v33  }
0x2c8: {  	v25 =	vadd.s32 s17, v18;
	[tilespmem:s29+$0xFFFFFEC0] =	vst v47;
	v28 =	vld.idx.msk [tilespmem:v51+s21+$0x0], $0xffff  }
0x2c9: {  	v54 =	vadd.s32 s10, v18;
	[tilespmem:s0+$0xFFFFFE68] =	vst v32;
	v27 =	vld.idx.msk [tilespmem:v27+s21+$0x0], $0xffff  }
0x2ca: {  	v56 =	vadd.s32 s30, v18;
	v31 =	vld.idx.msk [tilespmem:v48+s21+$0x0], $0xffff;
	[tilespmem:s9+$0xFFFFFE90] =	vst v29  }
0x2cb: {  	v57 =	vadd.s32 s6, v22;
	v0 =	vld.idx.msk [tilespmem:v0+s21+$0x0], $0xffff;
	[tilespmem:s9+$0xFFFFFFA0] =	vst v26  }
0x2cc: {  	[tilespmem:s29+$0xFFFFFE38] =	vst v55;
	v26 =	vadd.s32 s3, v21;
	v58 =	vld.idx.msk [tilespmem:v53+s21+$0x0], $0xffff  }
0x2cd: {  	v59 =	vadd.s32 s8, v19;
	v25 =	vld.idx.msk [tilespmem:v25+s21+$0x0], $0xffff;
	[tilespmem:s9+$0xFFFFFF18] =	vst v28  }
0x2ce: {  	[tilespmem:s9+$0xFFFFFE08] =	vst v27;
	v27 =	vadd.s32 s17, v19;
	v60 =	vld.idx.msk [tilespmem:v54+s21+$0x0], $0xffff  }
0x2cf: {  	v61 =	vadd.s32 s10, v19;
	[tilespmem:s29+$0xFFFFFFE0] =	vst v31;
	v31 =	vld.idx.msk [tilespmem:v56+s21+$0x0], $0xffff  }
0x2d0: {  	v36 =	vadd.s32 s6, v23;
	v62 =	vld.idx.msk [tilespmem:v57+s21+$0x0], $0xffff;
	[tilespmem:s29+$0xFFFFFED0] =	vst v0;
	v0 =	vadd.s32 s30, v19  }
0x2d1: {  	v37 =	vadd.s32 s28, v21;
	v34 =	vand.u32 $0x1FF, v36;
	v26 =	vld.idx.msk [tilespmem:v26+s21+$0x0], $0xffff;
	[tilespmem:s9+$0xFFFFFFB0] =	vst v58  }
0x2d2: {  	v38 =	vadd.s32 v24, v34;
	[tilespmem:s9+$0xFFFFFEA0] =	vst v25;
	v25 =	vld.idx.msk [tilespmem:v59+s21+$0x0], $0xffff  }
0x2d3: {  	v39 =	vadd.s32 s8, v20;
	v27 =	vld.idx.msk [tilespmem:v27+s21+$0x0], $0xffff;
	[tilespmem:s9+$0xFFFFFF28] =	vst v60  }
0x2d4: {  	v40 =	vadd.s32 s17, v20;
	[tilespmem:s9+$0xFFFFFE18] =	vst v31;
	v30 =	vld.idx.msk [tilespmem:v61+s21+$0x0], $0xffff  }
0x2d5: {  	v41 =	vadd.s32 s10, v20;
	[tilespmem:s29+$0xFFFFFFF0] =	vst v62;
	v0 =	vld.idx.msk [tilespmem:v0+s21+$0x0], $0xffff  }
0x2d6: {  	v42 =	vld.idx.msk [tilespmem:v37+s21+$0x0], $0xffff;
	[tilespmem:s29+$0xFFFFFF58] =	vst v26;
	v26 =	vadd.s32 s30, v20  }
0x2d7: {  	v43 =	vadd.s32 s31, v22;
	v29 =	vld.idx.msk [tilespmem:v38+s21+$0x0], $0xffff;
	[tilespmem:s9+$0xFFFFFFC0] =	vst v25  }
0x2d8: {  	[tilespmem:s9+$0xFFFFFEB0] =	vst v27;
	v25 =	vadd.s32 s3, v22;
	v27 =	vld.idx.msk [tilespmem:v39+s21+$0x0], $0xffff  }
0x2d9: {  	v45 =	vadd.s32 s8, v21;
	v44 =	vld.idx.msk [tilespmem:v40+s21+$0x0], $0xffff;
	[tilespmem:s9+$0xFFFFFF38] =	vst v30  }
0x2da: {  	v46 =	vld.idx.msk [tilespmem:v41+s21+$0x0], $0xffff;
	[tilespmem:s9+$0xFFFFFE28] =	vst v0;
	v0 =	vadd.s32 s17, v21  }
0x2db: {  	v47 =	vadd.s32 s10, v21;
	[tilespmem:s29+$0xFFFFFE48] =	vst v42;
	v26 =	vld.idx.msk [tilespmem:v26+s21+$0x0], $0xffff  }
0x2dc: {  	v50 =	vadd.s32 s30, v21;
	v49 =	vadd.s32 s31, v23;
	v48 =	vld.idx.msk [tilespmem:v43+s21+$0x0], $0xffff;
	[tilespmem:s29+$0x0] =	vst v29  }
0x2dd: {  	v51 =	vadd.s32 s28, v22;
	v34 =	vand.u32 $0x1FF, v49;
	v25 =	vld.idx.msk [tilespmem:v25+s21+$0x0], $0xffff;
	[tilespmem:s9+$0xFFFFFFD0] =	vst v27  }
0x2de: {  	[tilespmem:s9+$0xFFFFFEC0] =	vst v44;
	v27 =	vadd.s32 v24, v34;
	v52 =	vld.idx.msk [tilespmem:v45+s21+$0x0], $0xffff  }
0x2df: {  	v53 =	vadd.s32 s8, v22;
	v0 =	vld.idx.msk [tilespmem:v0+s21+$0x0], $0xffff;
	[tilespmem:s9+$0xFFFFFF48] =	vst v46  }
0x2e0: {  	v54 =	vadd.s32 s17, v22;
	v31 =	vld.idx.msk [tilespmem:v47+s21+$0x0], $0xffff;
	[tilespmem:s9+$0xFFFFFE38] =	vst v26  }
0x2e1: {  	v55 =	vadd.s32 s10, v22;
	v57 =	vadd.s32 s28, v23;
	[tilespmem:s29+$0xFFFFFEE0] =	vst v48;
	v29 =	vld.idx.msk [tilespmem:v50+s21+$0x0], $0xffff  }
0x2e2: {  	v35 =	vand.u32 $0x1FF, v57;
	v56 =	vld.idx.msk [tilespmem:v51+s21+$0x0], $0xffff;
	v26 =	vadd.s32 s3, v23;
	[tilespmem:s29+$0xFFFFFF68] =	vst v25;
	v25 =	vadd.s32 s30, v22  }
0x2e3: {  	v35 =	vadd.s32 v24, v35;
	v58 =	vadd.s32 s8, v23;
	v26 =	vand.u32 $0x1FF, v26;
	v27 =	vld.idx.msk [tilespmem:v27+s21+$0x0], $0xffff;
	[tilespmem:s9+$0xFFFFFFE0] =	vst v52  }
0x2e4: {  	v28 =	vand.u32 $0x1FF, v58;
	v26 =	vadd.s32 v24, v26;
	[tilespmem:s9+$0xFFFFFED0] =	vst v0;
	v0 =	vadd.s32 s17, v23;
	v30 =	vld.idx.msk [tilespmem:v53+s21+$0x0], $0xffff  }
0x2e5: {  	v59 =	vadd.s32 s10, v23;
	v28 =	vadd.s32 v24, v28;
	v32 =	vld.idx.msk [tilespmem:v54+s21+$0x0], $0xffff;
	[tilespmem:s9+$0xFFFFFF58] =	vst v31;
	v0 =	vand.u32 $0x1FF, v0  }
0x2e6: {  	v61 =	vadd.s32 s30, v23;
	v31 =	vand.u32 $0x1FF, v59;
	[tilespmem:s9+$0xFFFFFE48] =	vst v29;
	v60 =	vld.idx.msk [tilespmem:v55+s21+$0x0], $0xffff;
	v0 =	vadd.s32 v24, v0  }
0x2e7: {  	[tilespmem:s29+$0xFFFFFE58] =	vst v56;
	v33 =	vand.u32 $0x1FF, v61;
	v31 =	vadd.s32 v24, v31;
	v25 =	vld.idx.msk [tilespmem:v25+s21+$0x0], $0xffff  }
0x2e8: {  	v62 =	vld.idx.msk [tilespmem:v35+s21+$0x0], $0xffff;
	[tilespmem:s29+$0xFFFFFEF0] =	vst v27;
	v27 =	vadd.s32 v24, v33  }
0x2e9: {  	v26 =	vld.idx.msk [tilespmem:v26+s21+$0x0], $0xffff;
	[tilespmem:s9+$0xFFFFFFF0] =	vst v30  }
0x2ea: {  	[tilespmem:s9+$0xFFFFFEE0] =	vst v32;
	v28 =	vld.idx.msk [tilespmem:v28+s21+$0x0], $0xffff  }
0x2eb: {  	v0 =	vld.idx.msk [tilespmem:v0+s21+$0x0], $0xffff;
	[tilespmem:s9+$0xFFFFFF68] =	vst v60  }
0x2ec: {  	v29 =	vld.idx.msk [tilespmem:v31+s21+$0x0], $0xffff;
	[tilespmem:s9+$0xFFFFFE58] =	vst v25  }
0x2ed: {  	[tilespmem:s29+$0xFFFFFE68] =	vst v62;
	v25 =	vld.idx.msk [tilespmem:v27+s21+$0x0], $0xffff  }
0x2ee: {  	[tilespmem:s29+$0xFFFFFF78] =	vst v26  }
0x2ef: {  	[tilespmem:s9+$0x0] =	vst v28  }
0x2f0: {  	[tilespmem:s9+$0xFFFFFEF0] =	vst v0  }
0x2f1: {  	s30 =	sadd.s32 s26, s4;
	[tilespmem:s9+$0xFFFFFF78] =	vst v29  }
0x2f2: {  	s31 =	simm.s32 $0x14400;
	s3 =	simm.s32 $0x220;
	s0 =	sadd.s32 $0x10, s30;
	[tilespmem:s9+$0xFFFFFE68] =	vst v25  }
0x2f3: {  	[hbm4b:s0+s5] =	stream.linear.scatter [tilespmem:s31], [sflag:$0x2], $0x80, $0x38;
	[tilespmem:$0x18800] =	vst v63  }
.LBB2_44:
0x2f4: {  	p1 =	sne.s32 s3, $0x10DE0  }
.Ltmp28:
0x2f5: {  	_ = 	snop;
	(pc) =	sbr.rel @p1 .LBB2_44-.Ltmp28, $4  }
0x2f6: {  	_ = 	snop  }
0x2f7: {  	s6 =	sshra.s32 s3, $0x2;
	s3 =	sadd.s32 $0x220, s3  }
0x2f8: {  	s0 =	sadd.s32 $0x400, s0;
	s6 =	sadd.s32 $0x14400, s6  }
0x2f9: {  	[hbm4b:s0+s5] =	stream.linear.scatter [tilespmem:s6], [sflag:$0x2], $0x80, $0x38;
	[tilespmem:$0x18800] =	vst v63  }
.Ltmp29:
0x2fa: {  	(pc) =	sbr.rel @p2 .LBB2_51-.Ltmp29, $1  }
0x2fb: {  	_ =	sdelay $0x3  }
0x2fc: {  	s3 =	sadd.s32 $0x3, s25  }
0x2fd: {  	s0 =	sshrl.u32 s3, $0x3  }
0x2fe: {  	s6 =	sshrl.u32 s3, $0x4;
	s0 =	sand.u32 $0x1, s0  }
0x2ff: {  	s6 =	sadd.s32 s6, s0;
	s0 =	sshll.u32 s0, $0x15  }
0x300: {  	s8 =	sshll.u32 s3, $0x7;
	s0 =	ssub.s32 s14, s0;
	s3 =	sshll.u32 s6, $0xA  }
0x301: {  	s6 =	sand.u32 $0x380, s8;
	s31 =	sadd.s32 s3, s0  }
0x302: {  	s8 =	sor.u32 s6, s31  }
0x303: {  	s8 =	sshrl.u32 s8, $0x3  }
0x304: {  	s9 =	simm.s32 $0x8000;
	s8 =	sadd.s32 s1, s8  }
0x305: {  	[tilespmem:s9], [sflag:$0x1] =	stream.linear.gather [hbm4b:s8+s5], $0x80, $0x38;
	[tilespmem:$0x18800] =	vst v63  }
0x306: {  	s9 =	simm.s32 $0x400  }
.LBB2_47:
0x307: {  	p1 =	sne.s32 s9, $0x1FC00  }
.Ltmp30:
0x308: {  	_ = 	snop;
	(pc) =	sbr.rel @p1 .LBB2_47-.Ltmp30, $4  }
0x309: {  	_ = 	snop  }
0x30a: {  	s10 =	sshra.s32 s9, $0x2;
	s9 =	sadd.s32 $0x400, s9  }
0x30b: {  	s8 =	sadd.s32 $0x800, s8;
	s10 =	sadd.s32 $0x8000, s10  }
0x30c: {  	[tilespmem:s10], [sflag:$0x1] =	stream.linear.gather [hbm4b:s8+s5], $0x80, $0x38;
	[tilespmem:$0x18800] =	vst v63  }
0x30d: {  	s3 =	sadd.s32 s6, s3  }
0x30e: {  	s0 =	sadd.s32 s0, s3  }
0x30f: {  	s0 =	sadd.s32 $0x400, s0  }
0x310: {  	s0 =	sshrl.u32 s0, $0x3  }
0x311: {  	s31 =	simm.s32 $0x8080;
	s3 =	simm.s32 $0x400;
	s0 =	sadd.s32 s1, s0  }
0x312: {  	[tilespmem:s31], [sflag:$0x1] =	stream.linear.gather [hbm4b:s0+s5], $0x80, $0x38;
	[tilespmem:$0x18800] =	vst v63  }
.LBB2_49:
0x313: {  	p1 =	sne.s32 s3, $0x1FC00  }
.Ltmp31:
0x314: {  	_ = 	snop;
	(pc) =	sbr.rel @p1 .LBB2_49-.Ltmp31, $4  }
0x315: {  	_ = 	snop  }
0x316: {  	s6 =	sshra.s32 s3, $0x2;
	s3 =	sadd.s32 $0x400, s3  }
0x317: {  	s0 =	sadd.s32 $0x800, s0;
	s6 =	sadd.s32 $0x8080, s6  }
0x318: {  	[tilespmem:s6], [sflag:$0x1] =	stream.linear.gather [hbm4b:s0+s5], $0x80, $0x38;
	[tilespmem:$0x18800] =	vst v63  }
.Ltmp32:
0x319: {  	_ = 	snop;
	(pc) =	sbr.rel .LBB2_50-.Ltmp32, $1  }
0x31a: {  	_ =	sdelay $0x3  }
.LBB2_52:
0x31b: {  	_ =	sfence.sel $0x180000  }
0x31c: {  	[bflag:$0x0] =	sbarrier.arrive $0xFFFF  }
0x31d: {  	_ =	strace $0x90000047  }
0x31e: {  	s0 =	stileid.u32;
	[bflag:$0x2] =	sbarrier.arrive $0xFFFF  }
0x31f: {  	p0 =	sne.s32 s0, $0x0;
	s0 =	rddreg [dreg:$0x3]  }
0x320: {  	s0 =	sadd.s32 @!p0 $0x100000, s0  }
0x321: {  	[sflag:s0] =	ssyncadd.tile.s32 @!p0 $0x1;
	_ =	shalt  }
.Lfunc_end2:
_tile_overlayer_lowered:
.L_overlay_start_2:
0x322: {  	(tag) =	ssettag $0x2  }
0x323: {  	s0 =	rddreg [dreg:$0x0];
	s2 =	stileid.u32  }
0x324: {  	s1 =	rddreg [dreg:$0x1];
	p0 =	sne.s32 s2, $0x0  }
0x325: {  	s3 =	rddreg [dreg:$0x2];
	[bflag:$0x3] =	sbarrier.arrive $0xFFFF;
	s2 =	simm.s32 @!p0 $0x1C03  }
0x326: {  	[timem:s3], [sflag:s2] =	dma.local @!p0 [hbm:s0], s1  }
0x327: {  	s0 =	simm.s32 @!p0 $0x3  }
0x328: {  	_ =	swait.ge @!p0 [sflag:s0], s1  }
0x329: {  	s1 =	ssub.s32 @!p0 $0x0, s1;
	[sflag:s0] =	ssyncset.done @!p0 $0x0  }
0x32a: {  	[sflag:s0] =	ssyncadd.s32 @!p0 s1  }
0x32b: {  	[bflag:$0x3] =	sbarrier.arrive $0xFFFF  }
0x32c: {  	_ =	shalt  }

</sc_bundles>
